<compile_context>
chip_gen: v7x
topology: tpu7x:2x2x1
jax: 0.10.2.dev20260603
libtpu: 0.0.44.dev20260713+nightly
codegen_flags: <defaults>
</compile_context>

<pallas_src>
import jax
import jax.numpy as jnp
from jax import lax
from jax.experimental import pallas as pl
from jax.experimental.pallas import tpu as pltpu
from jax.experimental.pallas import tpu_sc as plsc

N_NODES = 100000
N_EDGES = 6400000

NW = 32
CH = 2048
NCH = N_EDGES // CH
NP = 100352
SLC = NP // 16
R2 = NP // NW

_f32 = jnp.float32
_i32 = jnp.int32


def _rsqrt(t):
    bits = lax.bitcast_convert_type(t, _i32)
    y = lax.bitcast_convert_type(jnp.int32(0x5F3759DF) - (bits >> 1), _f32)
    for _ in range(3):
        y = y * (1.5 - 0.5 * t * y * y)
    return y


def _edge_pass(eif, px, py, pz, consts, zeros, fpart, epart,
               cat0, cx0, cy0, cz0, bx0, by0, bz0, gx0, gy0, gz0,
               cat1, cx1, cy1, cz1, bx1, by1, bz1, gx1, gy1, gz1,
               cbuf, facc, spx, spy, spz,
               sg0, sg1, ss0, ss1, sj0, sj1):
    c = lax.axis_index("c")
    s = lax.axis_index("s")
    wid = s * 2 + c

    set0 = (cat0, cx0, cy0, cz0, bx0, by0, bz0, gx0, gy0, gz0, sg0, ss0, sj0)
    set1 = (cat1, cx1, cy1, cz1, bx1, by1, bz1, gx1, gy1, gz1, sg1, ss1, sj1)

    sl = pl.ds(s * SLC, SLC)
    pltpu.sync_copy(zeros.at[pl.ds(0, 3 * SLC)],
                    facc.at[pl.ds(s * 3 * SLC, 3 * SLC)])
    pltpu.sync_copy(px.at[sl], spx.at[sl])
    pltpu.sync_copy(py.at[sl], spy.at[sl])
    pltpu.sync_copy(pz.at[sl], spz.at[sl])
    pltpu.sync_copy(consts, cbuf.at[pl.ds(0, 32)])
    cbuf[pl.ds(32, 16)] = jnp.zeros((16,), _f32)
    plsc.subcore_barrier()

    eps4 = cbuf[pl.ds(0, 16)]
    sig = cbuf[pl.ds(16, 16)]

    nk = (NCH - wid + NW - 1) // NW

    def gather_descs(S):
        cat, bx, by, bz = S[0], S[4], S[5], S[6]
        return [pltpu.make_async_copy(spx.at[cat], bx, S[10]),
                pltpu.make_async_copy(spy.at[cat], by, S[10]),
                pltpu.make_async_copy(spz.at[cat], bz, S[10])]

    def scatter_drain(S):
        cx, cy, cz, gx, gy, gz = S[1], S[2], S[3], S[7], S[8], S[9]
        pltpu.make_async_copy(gx, facc.at[cx], S[11]).wait()
        pltpu.make_async_copy(gy, facc.at[cy], S[11]).wait()
        pltpu.make_async_copy(gz, facc.at[cz], S[11]).wait()

    def scatter_issue(S):
        cx, cy, cz, gx, gy, gz = S[1], S[2], S[3], S[7], S[8], S[9]
        pltpu.async_copy(gx, facc.at[cx], S[11], add=True)
        pltpu.async_copy(gy, facc.at[cy], S[11], add=True)
        pltpu.async_copy(gz, facc.at[cz], S[11], add=True)

    def idx_issue(S, j):
        cat = S[0]
        pltpu.async_copy(eif.at[pl.ds(j * CH, CH)], cat.at[pl.ds(0, CH)], S[12])
        pltpu.async_copy(eif.at[pl.ds(N_EDGES + j * CH, CH)],
                         cat.at[pl.ds(CH, CH)], S[12])

    def idx_drain(S):
        cat = S[0]
        pltpu.make_async_copy(eif.at[pl.ds(0, CH)], cat.at[pl.ds(0, CH)], S[12]).wait()
        pltpu.make_async_copy(eif.at[pl.ds(0, CH)], cat.at[pl.ds(CH, CH)], S[12]).wait()

    def compute(S):
        cat, cx, cy, cz = S[0], S[1], S[2], S[3]
        bx, by, bz, gx, gy, gz = S[4], S[5], S[6], S[7], S[8], S[9]

        def blk(b, acc):
            cs = pl.ds(b * 16, 16)
            cd = pl.ds(CH + b * 16, 16)
            vs3 = cat[cs] * 3
            cx[cs] = vs3
            cy[cs] = vs3 + 1
            cz[cs] = vs3 + 2
            vd3 = cat[cd] * 3
            cx[cd] = vd3
            cy[cd] = vd3 + 1
            cz[cd] = vd3 + 2
            dx = bx[cs] - bx[cd]
            dy = by[cs] - by[cd]
            dz = bz[cs] - bz[cd]
            t = dx * dx + dy * dy + dz * dz + 1e-12
            rin = _rsqrt(t)
            rr = t * rin
            qi = 1.0 / (rr + 1.0)
            inv = sig * qi
            i2 = inv * inv
            i6 = i2 * i2 * i2
            i12 = i6 * i6
            acc = acc + eps4 * (i12 - i6)
            dvdr = eps4 * (6.0 * i6 - 12.0 * i12) * qi
            cf = -0.5 * dvdr * rin
            hx = cf * dx
            hy = cf * dy
            hz = cf * dz
            gx[cs] = hx
            gy[cs] = hy
            gz[cs] = hz
            gx[cd] = -hx
            gy[cd] = -hy
            gz[cd] = -hz
            return acc

        eacc = lax.fori_loop(0, CH // 16, blk, cbuf[pl.ds(32, 16)])
        cbuf[pl.ds(32, 16)] = eacc

    def chunk_ops(k, S, T):
        @pl.when(k + 1 < nk)
        def _():
            idx_issue(T, wid + (k + 1) * NW)
            idx_drain(T)
            for d in gather_descs(T):
                d.start()

        for d in gather_descs(S):
            d.wait()

        compute(S)

        @pl.when(k >= 1)
        def _():
            scatter_drain(T)

        scatter_issue(S)

    pltpu.sync_copy(eif.at[pl.ds(wid * CH, CH)], cat0.at[pl.ds(0, CH)])
    pltpu.sync_copy(eif.at[pl.ds(N_EDGES + wid * CH, CH)],
                    cat0.at[pl.ds(CH, CH)])
    for d in gather_descs(set0):
        d.start()

    def body(k, carry):
        @pl.when((k & 1) == 0)
        def _():
            chunk_ops(k, set0, set1)

        @pl.when((k & 1) == 1)
        def _():
            chunk_ops(k, set1, set0)

        return carry

    lax.fori_loop(0, nk, body, jnp.int32(0))

    last = (nk - 1) & 1

    @pl.when(last == 0)
    def _():
        scatter_drain(set0)

    @pl.when(last == 1)
    def _():
        scatter_drain(set1)

    pltpu.sync_copy(cbuf.at[pl.ds(32, 16)], epart.at[pl.ds(wid * 16, 16)])

    plsc.subcore_barrier()
    pltpu.sync_copy(facc.at[pl.ds(s * 3 * SLC, 3 * SLC)],
                    fpart.at[pl.ds(c * 3 * NP + s * 3 * SLC, 3 * SLC)])


def _tc_combine(a_ref, b_ref, e_ref, o_ref, eo_ref):
    o_ref[...] = a_ref[...] + b_ref[...]
    eo_ref[...] = jnp.sum(e_ref[...]).reshape(1, 1)


def kernel(pos, edge_index, epsilon, sigma):
    pos = pos.astype(_f32)
    px = jnp.pad(pos[:, 0], (0, NP - N_NODES))
    py = jnp.pad(pos[:, 1], (0, NP - N_NODES))
    pz = jnp.pad(pos[:, 2], (0, NP - N_NODES))
    eif = edge_index.reshape(-1)
    consts = jnp.concatenate([jnp.full((16,), 4.0 * epsilon, _f32),
                              jnp.full((16,), sigma, _f32)])
    zeros = jnp.zeros((3 * SLC,), _f32)

    mesh = plsc.VectorSubcoreMesh(core_axis_name="c", subcore_axis_name="s")

    fpart, epart = pl.kernel(
        _edge_pass,
        out_type=[
            jax.ShapeDtypeStruct((2 * 3 * NP,), _f32),
            jax.ShapeDtypeStruct((NW * 16,), _f32),
        ],
        mesh=mesh,
        scratch_types=(
            [pltpu.VMEM((2 * CH,), _i32)] * 4
            + [pltpu.VMEM((2 * CH,), _f32)] * 6
            + [pltpu.VMEM((2 * CH,), _i32)] * 4
            + [pltpu.VMEM((2 * CH,), _f32)] * 6
            + [
                pltpu.VMEM((48,), _f32),
                pltpu.VMEM_SHARED((3 * NP,), _f32),
                pltpu.VMEM_SHARED((NP,), _f32),
                pltpu.VMEM_SHARED((NP,), _f32),
                pltpu.VMEM_SHARED((NP,), _f32),
            ]
            + [pltpu.SemaphoreType.DMA] * 6
        ),
    )(eif, px, py, pz, consts, zeros)

    rows = 3 * NP // 128
    a2 = fpart[:3 * NP].reshape(rows, 128)
    b2 = fpart[3 * NP:].reshape(rows, 128)
    e2 = epart.reshape(4, 128)
    force, etot = pl.pallas_call(
        _tc_combine,
        out_shape=[
            jax.ShapeDtypeStruct((rows, 128), _f32),
            jax.ShapeDtypeStruct((1, 1), _f32),
        ],
    )(a2, b2, e2)

    force = force.reshape(3 * NP)[:N_NODES * 3].reshape(N_NODES, 3)
    return etot[0, 0], force

# --- scband reference (transcript-rebuilt; emitter-appended) ---
"""Pipeline reference for scband-pair-force-50757923504449 (READ-ONLY COPY).

The authoritative reference and input builder live on the scoring server;
editing this copy changes nothing except your own understanding.
"""

import jax, jax.numpy as jnp
import numpy as np

N_NODES = 100000
N_EDGES = 6400000

def setup_inputs(seed: int = 0) -> dict:
    key = jax.random.key(seed)
    k1, k2 = jax.random.split(key)
    pos = jax.random.normal(k1, (N_NODES, 3), dtype=jnp.float32)
    edge_index = jax.random.randint(k2, (2, N_EDGES), 0, N_NODES, dtype=jnp.int32)
    epsilon = jnp.ones((), dtype=jnp.float32)
    sigma = jnp.ones((), dtype=jnp.float32)
    return {"pos": pos, "edge_index": edge_index, "epsilon": epsilon, "sigma": sigma}

def reference(pos, edge_index, epsilon, sigma):
    # Faithful translation of PairForce.forward with a Lennard-Jones style
    # potential_formula: 4*epsilon*((sigma/(r+1.0))**12 - (sigma/(r+1.0))**6).
    # r (edge_attr) is derived from pos via the edge gather so that the
    # autograd force computation (afc) is reproduced by jax.grad, which
    # generates the gather (pos[src], pos[dst]) and the transpose
    # scatter-add back onto atoms indexed by edge_index.
    src = edge_index[0]
    dst = edge_index[1]

    def energy_fn(p, eps, sig):
        diff = p[src] - p[dst]                      # gather [E,3]
        r = jnp.sqrt(jnp.sum(diff * diff, axis=1) + 1e-12)  # [E]
        inv = sig / (r + 1.0)
        v_r = 4.0 * eps * (inv ** 12 - inv ** 6)    # potential_formula eval
        return v_r.sum()

    total_energy = energy_fn(pos, epsilon, sigma)
    # afc: per-edge dV/dpos scatter-added per atom == grad of summed energy
    pair_force = jax.grad(energy_fn, argnums=0)(pos, epsilon, sigma)  # [N,3]
    atom_force = -pair_force / 2.0
    return total_energy, atom_force

if __name__ == "__main__":
    import jax
    _d = setup_inputs()
    print(jax.jit(kernel)(*tuple(_d.values())))

</pallas_src>

<mosaic_0001>
#map = affine_map<(d0, d1) -> (0)>
module attributes {stable_mosaic.version = 14 : i64} {
  func.func @_edge_pass(%arg0: i32, %arg1: i32, %arg2: memref<12800000xi32, #tpu.memory_space<hbm>>, %arg3: memref<100352xf32, #tpu.memory_space<hbm>>, %arg4: memref<100352xf32, #tpu.memory_space<hbm>>, %arg5: memref<100352xf32, #tpu.memory_space<hbm>>, %arg6: memref<32xf32, #tpu.memory_space<hbm>>, %arg7: memref<18816xf32, #tpu.memory_space<hbm>>, %arg8: memref<602112xf32, #tpu.memory_space<hbm>>, %arg9: memref<512xf32, #tpu.memory_space<hbm>>, %arg10: memref<4096xi32, #tpu.memory_space<vmem>>, %arg11: memref<4096xi32, #tpu.memory_space<vmem>>, %arg12: memref<4096xi32, #tpu.memory_space<vmem>>, %arg13: memref<4096xi32, #tpu.memory_space<vmem>>, %arg14: memref<4096xf32, #tpu.memory_space<vmem>>, %arg15: memref<4096xf32, #tpu.memory_space<vmem>>, %arg16: memref<4096xf32, #tpu.memory_space<vmem>>, %arg17: memref<4096xf32, #tpu.memory_space<vmem>>, %arg18: memref<4096xf32, #tpu.memory_space<vmem>>, %arg19: memref<4096xf32, #tpu.memory_space<vmem>>, %arg20: memref<4096xi32, #tpu.memory_space<vmem>>, %arg21: memref<4096xi32, #tpu.memory_space<vmem>>, %arg22: memref<4096xi32, #tpu.memory_space<vmem>>, %arg23: memref<4096xi32, #tpu.memory_space<vmem>>, %arg24: memref<4096xf32, #tpu.memory_space<vmem>>, %arg25: memref<4096xf32, #tpu.memory_space<vmem>>, %arg26: memref<4096xf32, #tpu.memory_space<vmem>>, %arg27: memref<4096xf32, #tpu.memory_space<vmem>>, %arg28: memref<4096xf32, #tpu.memory_space<vmem>>, %arg29: memref<4096xf32, #tpu.memory_space<vmem>>, %arg30: memref<48xf32, #tpu.memory_space<vmem>>, %arg31: memref<301056xf32, #tpu.memory_space<vmem_shared>>, %arg32: memref<100352xf32, #tpu.memory_space<vmem_shared>>, %arg33: memref<100352xf32, #tpu.memory_space<vmem_shared>>, %arg34: memref<100352xf32, #tpu.memory_space<vmem_shared>>, %arg35: memref<!tpu.dma_semaphore, #tpu.memory_space<semaphore_mem>>, %arg36: memref<!tpu.dma_semaphore, #tpu.memory_space<semaphore_mem>>, %arg37: memref<!tpu.dma_semaphore, #tpu.memory_space<semaphore_mem>>, %arg38: memref<!tpu.dma_semaphore, #tpu.memory_space<semaphore_mem>>, %arg39: memref<!tpu.dma_semaphore, #tpu.memory_space<semaphore_mem>>, %arg40: memref<!tpu.dma_semaphore, #tpu.memory_space<semaphore_mem>>) attributes {dimension_semantics = [#tpu.dimension_semantics<core_parallel>, #tpu.dimension_semantics<subcore_parallel>], iteration_bounds = array<i64: 2, 16>, scalar_prefetch = 0 : i64, scratch_operands = 31 : i64, tpu.core_type = #tpu.core_type<sc_vector_subcore>, window_params = [{transform_indices = #map}, {transform_indices = #map}, {transform_indices = #map}, {transform_indices = #map}, {transform_indices = #map}, {transform_indices = #map}, {transform_indices = #map}, {transform_indices = #map}]} {
    %mul3A = arith.constant 2 : i32
    %mul3A_0 = arith.muli %arg1, %mul3A : i32
    %add3A = arith.addi %mul3A_0, %arg0 : i32
    %mul3A_1 = arith.constant 6272 : i32
    %mul3A_2 = arith.muli %arg1, %mul3A_1 : i32
    %mul3A_3 = arith.constant 3 : i32
    %mul3A_4 = arith.muli %arg1, %mul3A_3 : i32
    %mul3A_5 = arith.constant 6272 : i32
    %mul3A_6 = arith.muli %mul3A_4, %mul3A_5 : i32
    "tpu.region"() ({
      %run_scoped3A = tpu.sem_alloc : memref<!tpu.dma_semaphore, #tpu.memory_space<semaphore_mem>>
      %dma_start3A_85 = tpu.memref_slice %arg31[%mul3A_6] : memref<301056xf32, #tpu.memory_space<vmem_shared>> -> memref<18816xf32, #tpu.memory_space<vmem_shared>>
      %dma_start3A_86 = arith.constant 0 : i32
      %dma_start3A_87 = tpu.memref_slice %arg7[%dma_start3A_86] : memref<18816xf32, #tpu.memory_space<hbm>> -> memref<18816xf32, #tpu.memory_space<hbm>>
      tpu.enqueue_dma source(%dma_start3A_87 : memref<18816xf32, #tpu.memory_space<hbm>>) target(%dma_start3A_85 : memref<18816xf32, #tpu.memory_space<vmem_shared>>) target_semaphore(%run_scoped3A : memref<!tpu.dma_semaphore, #tpu.memory_space<semaphore_mem>>)
      %dma_wait3A = tpu.memref_slice %arg31[%mul3A_6] : memref<301056xf32, #tpu.memory_space<vmem_shared>> -> memref<18816xf32, #tpu.memory_space<vmem_shared>>
      %dma_wait3A_88 = arith.constant 0 : i32
      %dma_wait3A_89 = tpu.memref_slice %arg7[%dma_wait3A_88] : memref<18816xf32, #tpu.memory_space<hbm>> -> memref<18816xf32, #tpu.memory_space<hbm>>
      tpu.wait_dma2 semaphore(%run_scoped3A : memref<!tpu.dma_semaphore, #tpu.memory_space<semaphore_mem>>) src(%dma_wait3A_89 : memref<18816xf32, #tpu.memory_space<hbm>>) dst(%dma_wait3A : memref<18816xf32, #tpu.memory_space<vmem_shared>>)
      tpu.yield
    }) : () -> ()
    "tpu.region"() ({
      %run_scoped3A = tpu.sem_alloc : memref<!tpu.dma_semaphore, #tpu.memory_space<semaphore_mem>>
      %dma_start3A_85 = tpu.memref_slice %arg32[%mul3A_2] : memref<100352xf32, #tpu.memory_space<vmem_shared>> -> memref<6272xf32, #tpu.memory_space<vmem_shared>>
      %dma_start3A_86 = tpu.memref_slice %arg3[%mul3A_2] : memref<100352xf32, #tpu.memory_space<hbm>> -> memref<6272xf32, #tpu.memory_space<hbm>>
      tpu.enqueue_dma source(%dma_start3A_86 : memref<6272xf32, #tpu.memory_space<hbm>>) target(%dma_start3A_85 : memref<6272xf32, #tpu.memory_space<vmem_shared>>) target_semaphore(%run_scoped3A : memref<!tpu.dma_semaphore, #tpu.memory_space<semaphore_mem>>)
      %dma_wait3A = tpu.memref_slice %arg32[%mul3A_2] : memref<100352xf32, #tpu.memory_space<vmem_shared>> -> memref<6272xf32, #tpu.memory_space<vmem_shared>>
      %dma_wait3A_87 = tpu.memref_slice %arg3[%mul3A_2] : memref<100352xf32, #tpu.memory_space<hbm>> -> memref<6272xf32, #tpu.memory_space<hbm>>
      tpu.wait_dma2 semaphore(%run_scoped3A : memref<!tpu.dma_semaphore, #tpu.memory_space<semaphore_mem>>) src(%dma_wait3A_87 : memref<6272xf32, #tpu.memory_space<hbm>>) dst(%dma_wait3A : memref<6272xf32, #tpu.memory_space<vmem_shared>>)
      tpu.yield
    }) : () -> ()
    "tpu.region"() ({
      %run_scoped3A = tpu.sem_alloc : memref<!tpu.dma_semaphore, #tpu.memory_space<semaphore_mem>>
      %dma_start3A_85 = tpu.memref_slice %arg33[%mul3A_2] : memref<100352xf32, #tpu.memory_space<vmem_shared>> -> memref<6272xf32, #tpu.memory_space<vmem_shared>>
      %dma_start3A_86 = tpu.memref_slice %arg4[%mul3A_2] : memref<100352xf32, #tpu.memory_space<hbm>> -> memref<6272xf32, #tpu.memory_space<hbm>>
      tpu.enqueue_dma source(%dma_start3A_86 : memref<6272xf32, #tpu.memory_space<hbm>>) target(%dma_start3A_85 : memref<6272xf32, #tpu.memory_space<vmem_shared>>) target_semaphore(%run_scoped3A : memref<!tpu.dma_semaphore, #tpu.memory_space<semaphore_mem>>)
      %dma_wait3A = tpu.memref_slice %arg33[%mul3A_2] : memref<100352xf32, #tpu.memory_space<vmem_shared>> -> memref<6272xf32, #tpu.memory_space<vmem_shared>>
      %dma_wait3A_87 = tpu.memref_slice %arg4[%mul3A_2] : memref<100352xf32, #tpu.memory_space<hbm>> -> memref<6272xf32, #tpu.memory_space<hbm>>
      tpu.wait_dma2 semaphore(%run_scoped3A : memref<!tpu.dma_semaphore, #tpu.memory_space<semaphore_mem>>) src(%dma_wait3A_87 : memref<6272xf32, #tpu.memory_space<hbm>>) dst(%dma_wait3A : memref<6272xf32, #tpu.memory_space<vmem_shared>>)
      tpu.yield
    }) : () -> ()
    "tpu.region"() ({
      %run_scoped3A = tpu.sem_alloc : memref<!tpu.dma_semaphore, #tpu.memory_space<semaphore_mem>>
      %dma_start3A_85 = tpu.memref_slice %arg34[%mul3A_2] : memref<100352xf32, #tpu.memory_space<vmem_shared>> -> memref<6272xf32, #tpu.memory_space<vmem_shared>>
      %dma_start3A_86 = tpu.memref_slice %arg5[%mul3A_2] : memref<100352xf32, #tpu.memory_space<hbm>> -> memref<6272xf32, #tpu.memory_space<hbm>>
      tpu.enqueue_dma source(%dma_start3A_86 : memref<6272xf32, #tpu.memory_space<hbm>>) target(%dma_start3A_85 : memref<6272xf32, #tpu.memory_space<vmem_shared>>) target_semaphore(%run_scoped3A : memref<!tpu.dma_semaphore, #tpu.memory_space<semaphore_mem>>)
      %dma_wait3A = tpu.memref_slice %arg34[%mul3A_2] : memref<100352xf32, #tpu.memory_space<vmem_shared>> -> memref<6272xf32, #tpu.memory_space<vmem_shared>>
      %dma_wait3A_87 = tpu.memref_slice %arg5[%mul3A_2] : memref<100352xf32, #tpu.memory_space<hbm>> -> memref<6272xf32, #tpu.memory_space<hbm>>
      tpu.wait_dma2 semaphore(%run_scoped3A : memref<!tpu.dma_semaphore, #tpu.memory_space<semaphore_mem>>) src(%dma_wait3A_87 : memref<6272xf32, #tpu.memory_space<hbm>>) dst(%dma_wait3A : memref<6272xf32, #tpu.memory_space<vmem_shared>>)
      tpu.yield
    }) : () -> ()
    "tpu.region"() ({
      %run_scoped3A = tpu.sem_alloc : memref<!tpu.dma_semaphore, #tpu.memory_space<semaphore_mem>>
      %dma_start3A_85 = arith.constant 0 : i32
      %dma_start3A_86 = tpu.memref_slice %arg30[%dma_start3A_85] : memref<48xf32, #tpu.memory_space<vmem>> -> memref<32xf32, #tpu.memory_space<vmem>>
      %dma_start3A_87 = arith.constant 0 : i32
      %dma_start3A_88 = tpu.memref_slice %arg30[%dma_start3A_87] : memref<48xf32, #tpu.memory_space<vmem>> -> memref<32xf32, #tpu.memory_space<vmem>>
      tpu.enqueue_dma source(%arg6 : memref<32xf32, #tpu.memory_space<hbm>>) target(%dma_start3A_88 : memref<32xf32, #tpu.memory_space<vmem>>) target_semaphore(%run_scoped3A : memref<!tpu.dma_semaphore, #tpu.memory_space<semaphore_mem>>)
      %dma_wait3A = arith.constant 0 : i32
      %dma_wait3A_89 = tpu.memref_slice %arg30[%dma_wait3A] : memref<48xf32, #tpu.memory_space<vmem>> -> memref<32xf32, #tpu.memory_space<vmem>>
      %dma_wait3A_90 = arith.constant 0 : i32
      %dma_wait3A_91 = tpu.memref_slice %arg30[%dma_wait3A_90] : memref<48xf32, #tpu.memory_space<vmem>> -> memref<32xf32, #tpu.memory_space<vmem>>
      tpu.wait_dma2 semaphore(%run_scoped3A : memref<!tpu.dma_semaphore, #tpu.memory_space<semaphore_mem>>) src(%arg6 : memref<32xf32, #tpu.memory_space<hbm>>) dst(%dma_wait3A_91 : memref<32xf32, #tpu.memory_space<vmem>>)
      tpu.yield
    }) : () -> ()
    %broadcast_in_dim3A = arith.constant 0.000000e+00 : f32
    %broadcast_in_dim3A_7 = vector.broadcast %broadcast_in_dim3A : f32 to vector<16xf32>
    %swap3A = arith.constant 32 : index
    %swap3A_8 = tpu.vector_load %arg30[%swap3A] {strides = array<i32>} : memref<48xf32, #tpu.memory_space<vmem>>, vector<16xf32>,
    %swap3A_9 = vector.shape_cast %swap3A_8 : vector<16xf32> to vector<16xf32>
    %swap3A_10 = vector.shape_cast %broadcast_in_dim3A_7 : vector<16xf32> to vector<16xf32>
    tpu.vector_store %arg30[%swap3A], %swap3A_10 {strides = array<i32>} : memref<48xf32, #tpu.memory_space<vmem>>, vector<16xf32>,
    %barrier3A = arith.constant 0 : index
    tpu.barrier barrier_id(%barrier3A)
    %get3A = arith.constant 0 : index
    %get3A_11 = tpu.vector_load %arg30[%get3A] {strides = array<i32>} : memref<48xf32, #tpu.memory_space<vmem>>, vector<16xf32>,
    %get3A_12 = vector.shape_cast %get3A_11 : vector<16xf32> to vector<16xf32>
    %get3A_13 = arith.constant 16 : index
    %get3A_14 = tpu.vector_load %arg30[%get3A_13] {strides = array<i32>} : memref<48xf32, #tpu.memory_space<vmem>>, vector<16xf32>,
    %get3A_15 = vector.shape_cast %get3A_14 : vector<16xf32> to vector<16xf32>
    %sub3A = arith.constant 3125 : i32
    %sub3A_16 = arith.subi %sub3A, %add3A : i32
    %add3A_17 = arith.constant 32 : i32
    %add3A_18 = arith.addi %sub3A_16, %add3A_17 : i32
    %sub3A_19 = arith.constant 1 : i32
    %sub3A_20 = arith.subi %add3A_18, %sub3A_19 : i32
    %jit3A = arith.constant 32 : i32
    %div3A = arith.divsi %sub3A_20, %jit3A : i32
    %sign3A = arith.constant 0 : i32
    %sign3A_21 = arith.cmpi sgt, %sub3A_20, %sign3A : i32
    %sign3A_22 = arith.extui %sign3A_21 : i1 to i32
    %sign3A_23 = arith.constant 0 : i32
    %sign3A_24 = arith.cmpi slt, %sub3A_20, %sign3A_23 : i32
    %sign3A_25 = arith.extui %sign3A_24 : i1 to i32
    %sign3A_26 = arith.subi %sign3A_22, %sign3A_25 : i32
    %sign3A_27 = arith.constant 0 : i32
    %sign3A_28 = arith.cmpi sgt, %jit3A, %sign3A_27 : i32
    %sign3A_29 = arith.extui %sign3A_28 : i1 to i32
    %sign3A_30 = arith.constant 0 : i32
    %sign3A_31 = arith.cmpi slt, %jit3A, %sign3A_30 : i32
    %sign3A_32 = arith.extui %sign3A_31 : i1 to i32
    %sign3A_33 = arith.subi %sign3A_29, %sign3A_32 : i32
    %ne3A = arith.cmpi ne, %sign3A_26, %sign3A_33 : i32
    %rem3A = arith.remsi %sub3A_20, %jit3A : i32
    %ne3A_34 = arith.constant 0 : i32
    %ne3A_35 = arith.cmpi ne, %rem3A, %ne3A_34 : i32
    %and3A = arith.andi %ne3A, %ne3A_35 : i1
    %sub3A_36 = arith.constant 1 : i32
    %sub3A_37 = arith.subi %div3A, %sub3A_36 : i32
    %select_n3A = arith.select %and3A, %sub3A_37, %div3A : i32
    %mul3A_38 = arith.constant 2048 : i32
    %mul3A_39 = arith.muli %add3A, %mul3A_38 : i32
    "tpu.region"() ({
      %run_scoped3A = tpu.sem_alloc : memref<!tpu.dma_semaphore, #tpu.memory_space<semaphore_mem>>
      %dma_start3A_85 = arith.constant 0 : i32
      %dma_start3A_86 = tpu.memref_slice %arg10[%dma_start3A_85] : memref<4096xi32, #tpu.memory_space<vmem>> -> memref<2048xi32, #tpu.memory_space<vmem>>
      %dma_start3A_87 = tpu.memref_slice %arg2[%mul3A_39] : memref<12800000xi32, #tpu.memory_space<hbm>> -> memref<2048xi32, #tpu.memory_space<hbm>>
      %dma_start3A_88 = arith.constant 0 : i32
      %dma_start3A_89 = tpu.memref_slice %arg10[%dma_start3A_88] : memref<4096xi32, #tpu.memory_space<vmem>> -> memref<2048xi32, #tpu.memory_space<vmem>>
      %dma_start3A_90 = tpu.memref_slice %arg2[%mul3A_39] : memref<12800000xi32, #tpu.memory_space<hbm>> -> memref<2048xi32, #tpu.memory_space<hbm>>
      tpu.enqueue_dma source(%dma_start3A_90 : memref<2048xi32, #tpu.memory_space<hbm>>) target(%dma_start3A_89 : memref<2048xi32, #tpu.memory_space<vmem>>) target_semaphore(%run_scoped3A : memref<!tpu.dma_semaphore, #tpu.memory_space<semaphore_mem>>)
      %dma_wait3A = arith.constant 0 : i32
      %dma_wait3A_91 = tpu.memref_slice %arg10[%dma_wait3A] : memref<4096xi32, #tpu.memory_space<vmem>> -> memref<2048xi32, #tpu.memory_space<vmem>>
      %dma_wait3A_92 = tpu.memref_slice %arg2[%mul3A_39] : memref<12800000xi32, #tpu.memory_space<hbm>> -> memref<2048xi32, #tpu.memory_space<hbm>>
      %dma_wait3A_93 = arith.constant 0 : i32
      %dma_wait3A_94 = tpu.memref_slice %arg10[%dma_wait3A_93] : memref<4096xi32, #tpu.memory_space<vmem>> -> memref<2048xi32, #tpu.memory_space<vmem>>
      %dma_wait3A_95 = tpu.memref_slice %arg2[%mul3A_39] : memref<12800000xi32, #tpu.memory_space<hbm>> -> memref<2048xi32, #tpu.memory_space<hbm>>
      tpu.wait_dma2 semaphore(%run_scoped3A : memref<!tpu.dma_semaphore, #tpu.memory_space<semaphore_mem>>) src(%dma_wait3A_95 : memref<2048xi32, #tpu.memory_space<hbm>>) dst(%dma_wait3A_94 : memref<2048xi32, #tpu.memory_space<vmem>>)
      tpu.yield
    }) : () -> ()
    %mul3A_40 = arith.constant 2048 : i32
    %mul3A_41 = arith.muli %add3A, %mul3A_40 : i32
    %add3A_42 = arith.constant 6400000 : i32
    %add3A_43 = arith.addi %add3A_42, %mul3A_41 : i32
    "tpu.region"() ({
      %run_scoped3A = tpu.sem_alloc : memref<!tpu.dma_semaphore, #tpu.memory_space<semaphore_mem>>
      %dma_start3A_85 = arith.constant 2048 : i32
      %dma_start3A_86 = tpu.memref_slice %arg10[%dma_start3A_85] : memref<4096xi32, #tpu.memory_space<vmem>> -> memref<2048xi32, #tpu.memory_space<vmem>>
      %dma_start3A_87 = tpu.memref_slice %arg2[%add3A_43] : memref<12800000xi32, #tpu.memory_space<hbm>> -> memref<2048xi32, #tpu.memory_space<hbm>>
      %dma_start3A_88 = arith.constant 2048 : i32
      %dma_start3A_89 = tpu.memref_slice %arg10[%dma_start3A_88] : memref<4096xi32, #tpu.memory_space<vmem>> -> memref<2048xi32, #tpu.memory_space<vmem>>
      %dma_start3A_90 = tpu.memref_slice %arg2[%add3A_43] : memref<12800000xi32, #tpu.memory_space<hbm>> -> memref<2048xi32, #tpu.memory_space<hbm>>
      tpu.enqueue_dma source(%dma_start3A_90 : memref<2048xi32, #tpu.memory_space<hbm>>) target(%dma_start3A_89 : memref<2048xi32, #tpu.memory_space<vmem>>) target_semaphore(%run_scoped3A : memref<!tpu.dma_semaphore, #tpu.memory_space<semaphore_mem>>)
      %dma_wait3A = arith.constant 2048 : i32
      %dma_wait3A_91 = tpu.memref_slice %arg10[%dma_wait3A] : memref<4096xi32, #tpu.memory_space<vmem>> -> memref<2048xi32, #tpu.memory_space<vmem>>
      %dma_wait3A_92 = tpu.memref_slice %arg2[%add3A_43] : memref<12800000xi32, #tpu.memory_space<hbm>> -> memref<2048xi32, #tpu.memory_space<hbm>>
      %dma_wait3A_93 = arith.constant 2048 : i32
      %dma_wait3A_94 = tpu.memref_slice %arg10[%dma_wait3A_93] : memref<4096xi32, #tpu.memory_space<vmem>> -> memref<2048xi32, #tpu.memory_space<vmem>>
      %dma_wait3A_95 = tpu.memref_slice %arg2[%add3A_43] : memref<12800000xi32, #tpu.memory_space<hbm>> -> memref<2048xi32, #tpu.memory_space<hbm>>
      tpu.wait_dma2 semaphore(%run_scoped3A : memref<!tpu.dma_semaphore, #tpu.memory_space<semaphore_mem>>) src(%dma_wait3A_95 : memref<2048xi32, #tpu.memory_space<hbm>>) dst(%dma_wait3A_94 : memref<2048xi32, #tpu.memory_space<vmem>>)
      tpu.yield
    }) : () -> ()
    %dma_start3A = arith.constant 0 : i32
    %dma_start3A_44 = tpu.memref_slice %arg32[%dma_start3A] : memref<100352xf32, #tpu.memory_space<vmem_shared>> -> memref<100352xf32, #tpu.memory_space<vmem_shared>>
    tpu.enqueue_indirect_dma source(%dma_start3A_44 : memref<100352xf32, #tpu.memory_space<vmem_shared>>) target(%arg14 : memref<4096xf32, #tpu.memory_space<vmem>>) offsets(%arg10 : memref<4096xi32, #tpu.memory_space<vmem>>) semaphore(%arg35 : memref<!tpu.dma_semaphore, #tpu.memory_space<semaphore_mem>>)
    %dma_start3A_45 = arith.constant 0 : i32
    %dma_start3A_46 = tpu.memref_slice %arg33[%dma_start3A_45] : memref<100352xf32, #tpu.memory_space<vmem_shared>> -> memref<100352xf32, #tpu.memory_space<vmem_shared>>
    tpu.enqueue_indirect_dma source(%dma_start3A_46 : memref<100352xf32, #tpu.memory_space<vmem_shared>>) target(%arg15 : memref<4096xf32, #tpu.memory_space<vmem>>) offsets(%arg10 : memref<4096xi32, #tpu.memory_space<vmem>>) semaphore(%arg35 : memref<!tpu.dma_semaphore, #tpu.memory_space<semaphore_mem>>)
    %dma_start3A_47 = arith.constant 0 : i32
    %dma_start3A_48 = tpu.memref_slice %arg34[%dma_start3A_47] : memref<100352xf32, #tpu.memory_space<vmem_shared>> -> memref<100352xf32, #tpu.memory_space<vmem_shared>>
    tpu.enqueue_indirect_dma source(%dma_start3A_48 : memref<100352xf32, #tpu.memory_space<vmem_shared>>) target(%arg16 : memref<4096xf32, #tpu.memory_space<vmem>>) offsets(%arg10 : memref<4096xi32, #tpu.memory_space<vmem>>) semaphore(%arg35 : memref<!tpu.dma_semaphore, #tpu.memory_space<semaphore_mem>>)
    %while3A = arith.constant 0 : i32
    %while3A_49 = arith.constant 0 : i32
    %while3A_50 = arith.subi %select_n3A, %while3A_49 : i32
    %while3A_51 = arith.addi %while3A_49, %while3A_50 : i32
    %while3A_52 = arith.constant 1 : i32
    %while3A_53 = arith.divsi %while3A_50, %while3A_52 : i32
    %while3A_54 = arith.muli %while3A_53, %while3A_52 : i32
    %while3A_55 = arith.addi %while3A_49, %while3A_54 : i32
    %while3A_56 = arith.constant 1 : i32
    scf.for %while3A_85 = %while3A_49 to %while3A_55 step %while3A_56  : i32 {
      %and3A_86 = arith.constant 1 : i32
      %and3A_87 = arith.andi %while3A_85, %and3A_86 : i32
      %eq3A_88 = arith.constant 0 : i32
      %eq3A_89 = arith.cmpi eq, %and3A_87, %eq3A_88 : i32
      %convert_element_type3A_90 = arith.extui %eq3A_89 : i1 to i32
      %cond3A_91 = arith.constant 0 : i32
      %cond3A_92 = arith.cmpi ne, %convert_element_type3A_90, %cond3A_91 : i32
      scf.if %cond3A_92 {
        %add3A_100 = arith.constant 1 : i32
        %add3A_101 = arith.addi %while3A_85, %add3A_100 : i32
        %lt3A = arith.cmpi slt, %add3A_101, %select_n3A : i32
        %convert_element_type3A_102 = arith.extui %lt3A : i1 to i32
        %cond3A_103 = arith.constant 0 : i32
        %cond3A_104 = arith.cmpi ne, %convert_element_type3A_102, %cond3A_103 : i32
        scf.if %cond3A_104 {
          %add3A_132 = arith.constant 1 : i32
          %add3A_133 = arith.addi %while3A_85, %add3A_132 : i32
          %mul3A_134 = arith.constant 32 : i32
          %mul3A_135 = arith.muli %add3A_133, %mul3A_134 : i32
          %add3A_136 = arith.addi %add3A, %mul3A_135 : i32
          %mul3A_137 = arith.constant 2048 : i32
          %mul3A_138 = arith.muli %add3A_136, %mul3A_137 : i32
          %dma_start3A_139 = arith.constant 0 : i32
          %dma_start3A_140 = tpu.memref_slice %arg20[%dma_start3A_139] : memref<4096xi32, #tpu.memory_space<vmem>> -> memref<2048xi32, #tpu.memory_space<vmem>>
          %dma_start3A_141 = tpu.memref_slice %arg2[%mul3A_138] : memref<12800000xi32, #tpu.memory_space<hbm>> -> memref<2048xi32, #tpu.memory_space<hbm>>
          %dma_start3A_142 = arith.constant 0 : i32
          %dma_start3A_143 = tpu.memref_slice %arg20[%dma_start3A_142] : memref<4096xi32, #tpu.memory_space<vmem>> -> memref<2048xi32, #tpu.memory_space<vmem>>
          %dma_start3A_144 = tpu.memref_slice %arg2[%mul3A_138] : memref<12800000xi32, #tpu.memory_space<hbm>> -> memref<2048xi32, #tpu.memory_space<hbm>>
          tpu.enqueue_dma source(%dma_start3A_144 : memref<2048xi32, #tpu.memory_space<hbm>>) target(%dma_start3A_143 : memref<2048xi32, #tpu.memory_space<vmem>>) target_semaphore(%arg40 : memref<!tpu.dma_semaphore, #tpu.memory_space<semaphore_mem>>)
          %mul3A_145 = arith.constant 2048 : i32
          %mul3A_146 = arith.muli %add3A_136, %mul3A_145 : i32
          %add3A_147 = arith.constant 6400000 : i32
          %add3A_148 = arith.addi %add3A_147, %mul3A_146 : i32
          %dma_start3A_149 = arith.constant 2048 : i32
          %dma_start3A_150 = tpu.memref_slice %arg20[%dma_start3A_149] : memref<4096xi32, #tpu.memory_space<vmem>> -> memref<2048xi32, #tpu.memory_space<vmem>>
          %dma_start3A_151 = tpu.memref_slice %arg2[%add3A_148] : memref<12800000xi32, #tpu.memory_space<hbm>> -> memref<2048xi32, #tpu.memory_space<hbm>>
          %dma_start3A_152 = arith.constant 2048 : i32
          %dma_start3A_153 = tpu.memref_slice %arg20[%dma_start3A_152] : memref<4096xi32, #tpu.memory_space<vmem>> -> memref<2048xi32, #tpu.memory_space<vmem>>
          %dma_start3A_154 = tpu.memref_slice %arg2[%add3A_148] : memref<12800000xi32, #tpu.memory_space<hbm>> -> memref<2048xi32, #tpu.memory_space<hbm>>
          tpu.enqueue_dma source(%dma_start3A_154 : memref<2048xi32, #tpu.memory_space<hbm>>) target(%dma_start3A_153 : memref<2048xi32, #tpu.memory_space<vmem>>) target_semaphore(%arg40 : memref<!tpu.dma_semaphore, #tpu.memory_space<semaphore_mem>>)
          %dma_wait3A_155 = arith.constant 0 : i32
          %dma_wait3A_156 = tpu.memref_slice %arg20[%dma_wait3A_155] : memref<4096xi32, #tpu.memory_space<vmem>> -> memref<2048xi32, #tpu.memory_space<vmem>>
          %dma_wait3A_157 = arith.constant 0 : i32
          %dma_wait3A_158 = tpu.memref_slice %arg2[%dma_wait3A_157] : memref<12800000xi32, #tpu.memory_space<hbm>> -> memref<2048xi32, #tpu.memory_space<hbm>>
          %dma_wait3A_159 = arith.constant 0 : i32
          %dma_wait3A_160 = tpu.memref_slice %arg20[%dma_wait3A_159] : memref<4096xi32, #tpu.memory_space<vmem>> -> memref<2048xi32, #tpu.memory_space<vmem>>
          %dma_wait3A_161 = arith.constant 0 : i32
          %dma_wait3A_162 = tpu.memref_slice %arg2[%dma_wait3A_161] : memref<12800000xi32, #tpu.memory_space<hbm>> -> memref<2048xi32, #tpu.memory_space<hbm>>
          tpu.wait_dma2 semaphore(%arg40 : memref<!tpu.dma_semaphore, #tpu.memory_space<semaphore_mem>>) src(%dma_wait3A_162 : memref<2048xi32, #tpu.memory_space<hbm>>) dst(%dma_wait3A_160 : memref<2048xi32, #tpu.memory_space<vmem>>)
          %dma_wait3A_163 = arith.constant 2048 : i32
          %dma_wait3A_164 = tpu.memref_slice %arg20[%dma_wait3A_163] : memref<4096xi32, #tpu.memory_space<vmem>> -> memref<2048xi32, #tpu.memory_space<vmem>>
          %dma_wait3A_165 = arith.constant 0 : i32
          %dma_wait3A_166 = tpu.memref_slice %arg2[%dma_wait3A_165] : memref<12800000xi32, #tpu.memory_space<hbm>> -> memref<2048xi32, #tpu.memory_space<hbm>>
          %dma_wait3A_167 = arith.constant 2048 : i32
          %dma_wait3A_168 = tpu.memref_slice %arg20[%dma_wait3A_167] : memref<4096xi32, #tpu.memory_space<vmem>> -> memref<2048xi32, #tpu.memory_space<vmem>>
          %dma_wait3A_169 = arith.constant 0 : i32
          %dma_wait3A_170 = tpu.memref_slice %arg2[%dma_wait3A_169] : memref<12800000xi32, #tpu.memory_space<hbm>> -> memref<2048xi32, #tpu.memory_space<hbm>>
          tpu.wait_dma2 semaphore(%arg40 : memref<!tpu.dma_semaphore, #tpu.memory_space<semaphore_mem>>) src(%dma_wait3A_170 : memref<2048xi32, #tpu.memory_space<hbm>>) dst(%dma_wait3A_168 : memref<2048xi32, #tpu.memory_space<vmem>>)
          %dma_start3A_171 = arith.constant 0 : i32
          %dma_start3A_172 = tpu.memref_slice %arg32[%dma_start3A_171] : memref<100352xf32, #tpu.memory_space<vmem_shared>> -> memref<100352xf32, #tpu.memory_space<vmem_shared>>
          tpu.enqueue_indirect_dma source(%dma_start3A_172 : memref<100352xf32, #tpu.memory_space<vmem_shared>>) target(%arg24 : memref<4096xf32, #tpu.memory_space<vmem>>) offsets(%arg20 : memref<4096xi32, #tpu.memory_space<vmem>>) semaphore(%arg36 : memref<!tpu.dma_semaphore, #tpu.memory_space<semaphore_mem>>)
          %dma_start3A_173 = arith.constant 0 : i32
          %dma_start3A_174 = tpu.memref_slice %arg33[%dma_start3A_173] : memref<100352xf32, #tpu.memory_space<vmem_shared>> -> memref<100352xf32, #tpu.memory_space<vmem_shared>>
          tpu.enqueue_indirect_dma source(%dma_start3A_174 : memref<100352xf32, #tpu.memory_space<vmem_shared>>) target(%arg25 : memref<4096xf32, #tpu.memory_space<vmem>>) offsets(%arg20 : memref<4096xi32, #tpu.memory_space<vmem>>) semaphore(%arg36 : memref<!tpu.dma_semaphore, #tpu.memory_space<semaphore_mem>>)
          %dma_start3A_175 = arith.constant 0 : i32
          %dma_start3A_176 = tpu.memref_slice %arg34[%dma_start3A_175] : memref<100352xf32, #tpu.memory_space<vmem_shared>> -> memref<100352xf32, #tpu.memory_space<vmem_shared>>
          tpu.enqueue_indirect_dma source(%dma_start3A_176 : memref<100352xf32, #tpu.memory_space<vmem_shared>>) target(%arg26 : memref<4096xf32, #tpu.memory_space<vmem>>) offsets(%arg20 : memref<4096xi32, #tpu.memory_space<vmem>>) semaphore(%arg36 : memref<!tpu.dma_semaphore, #tpu.memory_space<semaphore_mem>>)
        } else {
        }
        %dma_wait3A = arith.constant 0 : i32
        %dma_wait3A_105 = tpu.memref_slice %arg32[%dma_wait3A] : memref<100352xf32, #tpu.memory_space<vmem_shared>> -> memref<100352xf32, #tpu.memory_space<vmem_shared>>
        tpu.wait_indirect_dma semaphore(%arg35 : memref<!tpu.dma_semaphore, #tpu.memory_space<semaphore_mem>>) src(%dma_wait3A_105 : memref<100352xf32, #tpu.memory_space<vmem_shared>>) dst(%arg14 : memref<4096xf32, #tpu.memory_space<vmem>>)
        %dma_wait3A_106 = arith.constant 0 : i32
        %dma_wait3A_107 = tpu.memref_slice %arg33[%dma_wait3A_106] : memref<100352xf32, #tpu.memory_space<vmem_shared>> -> memref<100352xf32, #tpu.memory_space<vmem_shared>>
        tpu.wait_indirect_dma semaphore(%arg35 : memref<!tpu.dma_semaphore, #tpu.memory_space<semaphore_mem>>) src(%dma_wait3A_107 : memref<100352xf32, #tpu.memory_space<vmem_shared>>) dst(%arg15 : memref<4096xf32, #tpu.memory_space<vmem>>)
        %dma_wait3A_108 = arith.constant 0 : i32
        %dma_wait3A_109 = tpu.memref_slice %arg34[%dma_wait3A_108] : memref<100352xf32, #tpu.memory_space<vmem_shared>> -> memref<100352xf32, #tpu.memory_space<vmem_shared>>
        tpu.wait_indirect_dma semaphore(%arg35 : memref<!tpu.dma_semaphore, #tpu.memory_space<semaphore_mem>>) src(%dma_wait3A_109 : memref<100352xf32, #tpu.memory_space<vmem_shared>>) dst(%arg16 : memref<4096xf32, #tpu.memory_space<vmem>>)
        %get3A_110 = arith.constant 32 : index
        %get3A_111 = tpu.vector_load %arg30[%get3A_110] {strides = array<i32>} : memref<48xf32, #tpu.memory_space<vmem>>, vector<16xf32>,
        %get3A_112 = vector.shape_cast %get3A_111 : vector<16xf32> to vector<16xf32>
        %scan3A = arith.constant 0 : i32
        %scan3A_113 = arith.constant 128 : i32
        %scan3A_114 = arith.addi %scan3A, %scan3A_113 : i32
        %scan3A_115 = arith.constant 1 : i32
        %scan3A_116 = scf.for %scan3A_132 = %scan3A to %scan3A_114 step %scan3A_115 iter_args(%scan3A_133 = %get3A_112) -> (vector<16xf32>)  : i32 {
          %mul3A_134 = arith.constant 16 : i32
          %mul3A_135 = arith.muli %scan3A_132, %mul3A_134 : i32
          %mul3A_136 = arith.constant 16 : i32
          %mul3A_137 = arith.muli %scan3A_132, %mul3A_136 : i32
          %add3A_138 = arith.constant 2048 : i32
          %add3A_139 = arith.addi %add3A_138, %mul3A_137 : i32
          %get3A_140 = arith.index_cast %mul3A_135 : i32 to index
          %get3A_141 = tpu.vector_load %arg10[%get3A_140] {strides = array<i32>} : memref<4096xi32, #tpu.memory_space<vmem>>, vector<16xi32>,
          %get3A_142 = vector.shape_cast %get3A_141 : vector<16xi32> to vector<16xi32>
          %mul3A_143 = arith.constant 3 : i32
          %mul3A_144 = vector.broadcast %mul3A_143 : i32 to vector<16xi32>
          %mul3A_145 = arith.muli %get3A_142, %mul3A_144 : vector<16xi32>
          %swap3A_146 = arith.index_cast %mul3A_135 : i32 to index
          %swap3A_147 = tpu.vector_load %arg11[%swap3A_146] {strides = array<i32>} : memref<4096xi32, #tpu.memory_space<vmem>>, vector<16xi32>,
          %swap3A_148 = vector.shape_cast %swap3A_147 : vector<16xi32> to vector<16xi32>
          %swap3A_149 = vector.shape_cast %mul3A_145 : vector<16xi32> to vector<16xi32>
          tpu.vector_store %arg11[%swap3A_146], %swap3A_149 {strides = array<i32>} : memref<4096xi32, #tpu.memory_space<vmem>>, vector<16xi32>,
          %add3A_150 = arith.constant 1 : i32
          %add3A_151 = vector.broadcast %add3A_150 : i32 to vector<16xi32>
          %add3A_152 = arith.addi %mul3A_145, %add3A_151 : vector<16xi32>
          %swap3A_153 = arith.index_cast %mul3A_135 : i32 to index
          %swap3A_154 = tpu.vector_load %arg12[%swap3A_153] {strides = array<i32>} : memref<4096xi32, #tpu.memory_space<vmem>>, vector<16xi32>,
          %swap3A_155 = vector.shape_cast %swap3A_154 : vector<16xi32> to vector<16xi32>
          %swap3A_156 = vector.shape_cast %add3A_152 : vector<16xi32> to vector<16xi32>
          tpu.vector_store %arg12[%swap3A_153], %swap3A_156 {strides = array<i32>} : memref<4096xi32, #tpu.memory_space<vmem>>, vector<16xi32>,
          %add3A_157 = arith.constant 2 : i32
          %add3A_158 = vector.broadcast %add3A_157 : i32 to vector<16xi32>
          %add3A_159 = arith.addi %mul3A_145, %add3A_158 : vector<16xi32>
          %swap3A_160 = arith.index_cast %mul3A_135 : i32 to index
          %swap3A_161 = tpu.vector_load %arg13[%swap3A_160] {strides = array<i32>} : memref<4096xi32, #tpu.memory_space<vmem>>, vector<16xi32>,
          %swap3A_162 = vector.shape_cast %swap3A_161 : vector<16xi32> to vector<16xi32>
          %swap3A_163 = vector.shape_cast %add3A_159 : vector<16xi32> to vector<16xi32>
          tpu.vector_store %arg13[%swap3A_160], %swap3A_163 {strides = array<i32>} : memref<4096xi32, #tpu.memory_space<vmem>>, vector<16xi32>,
          %get3A_164 = arith.index_cast %add3A_139 : i32 to index
          %get3A_165 = tpu.vector_load %arg10[%get3A_164] {strides = array<i32>} : memref<4096xi32, #tpu.memory_space<vmem>>, vector<16xi32>,
          %get3A_166 = vector.shape_cast %get3A_165 : vector<16xi32> to vector<16xi32>
          %mul3A_167 = arith.constant 3 : i32
          %mul3A_168 = vector.broadcast %mul3A_167 : i32 to vector<16xi32>
          %mul3A_169 = arith.muli %get3A_166, %mul3A_168 : vector<16xi32>
          %swap3A_170 = arith.index_cast %add3A_139 : i32 to index
          %swap3A_171 = tpu.vector_load %arg11[%swap3A_170] {strides = array<i32>} : memref<4096xi32, #tpu.memory_space<vmem>>, vector<16xi32>,
          %swap3A_172 = vector.shape_cast %swap3A_171 : vector<16xi32> to vector<16xi32>
          %swap3A_173 = vector.shape_cast %mul3A_169 : vector<16xi32> to vector<16xi32>
          tpu.vector_store %arg11[%swap3A_170], %swap3A_173 {strides = array<i32>} : memref<4096xi32, #tpu.memory_space<vmem>>, vector<16xi32>,
          %add3A_174 = arith.constant 1 : i32
          %add3A_175 = vector.broadcast %add3A_174 : i32 to vector<16xi32>
          %add3A_176 = arith.addi %mul3A_169, %add3A_175 : vector<16xi32>
          %swap3A_177 = arith.index_cast %add3A_139 : i32 to index
          %swap3A_178 = tpu.vector_load %arg12[%swap3A_177] {strides = array<i32>} : memref<4096xi32, #tpu.memory_space<vmem>>, vector<16xi32>,
          %swap3A_179 = vector.shape_cast %swap3A_178 : vector<16xi32> to vector<16xi32>
          %swap3A_180 = vector.shape_cast %add3A_176 : vector<16xi32> to vector<16xi32>
          tpu.vector_store %arg12[%swap3A_177], %swap3A_180 {strides = array<i32>} : memref<4096xi32, #tpu.memory_space<vmem>>, vector<16xi32>,
          %add3A_181 = arith.constant 2 : i32
          %add3A_182 = vector.broadcast %add3A_181 : i32 to vector<16xi32>
          %add3A_183 = arith.addi %mul3A_169, %add3A_182 : vector<16xi32>
          %swap3A_184 = arith.index_cast %add3A_139 : i32 to index
          %swap3A_185 = tpu.vector_load %arg13[%swap3A_184] {strides = array<i32>} : memref<4096xi32, #tpu.memory_space<vmem>>, vector<16xi32>,
          %swap3A_186 = vector.shape_cast %swap3A_185 : vector<16xi32> to vector<16xi32>
          %swap3A_187 = vector.shape_cast %add3A_183 : vector<16xi32> to vector<16xi32>
          tpu.vector_store %arg13[%swap3A_184], %swap3A_187 {strides = array<i32>} : memref<4096xi32, #tpu.memory_space<vmem>>, vector<16xi32>,
          %get3A_188 = arith.index_cast %mul3A_135 : i32 to index
          %get3A_189 = tpu.vector_load %arg14[%get3A_188] {strides = array<i32>} : memref<4096xf32, #tpu.memory_space<vmem>>, vector<16xf32>,
          %get3A_190 = vector.shape_cast %get3A_189 : vector<16xf32> to vector<16xf32>
          %get3A_191 = arith.index_cast %add3A_139 : i32 to index
          %get3A_192 = tpu.vector_load %arg14[%get3A_191] {strides = array<i32>} : memref<4096xf32, #tpu.memory_space<vmem>>, vector<16xf32>,
          %get3A_193 = vector.shape_cast %get3A_192 : vector<16xf32> to vector<16xf32>
          %sub3A_194 = arith.subf %get3A_190, %get3A_193 : vector<16xf32>
          %get3A_195 = arith.index_cast %mul3A_135 : i32 to index
          %get3A_196 = tpu.vector_load %arg15[%get3A_195] {strides = array<i32>} : memref<4096xf32, #tpu.memory_space<vmem>>, vector<16xf32>,
          %get3A_197 = vector.shape_cast %get3A_196 : vector<16xf32> to vector<16xf32>
          %get3A_198 = arith.index_cast %add3A_139 : i32 to index
          %get3A_199 = tpu.vector_load %arg15[%get3A_198] {strides = array<i32>} : memref<4096xf32, #tpu.memory_space<vmem>>, vector<16xf32>,
          %get3A_200 = vector.shape_cast %get3A_199 : vector<16xf32> to vector<16xf32>
          %sub3A_201 = arith.subf %get3A_197, %get3A_200 : vector<16xf32>
          %get3A_202 = arith.index_cast %mul3A_135 : i32 to index
          %get3A_203 = tpu.vector_load %arg16[%get3A_202] {strides = array<i32>} : memref<4096xf32, #tpu.memory_space<vmem>>, vector<16xf32>,
          %get3A_204 = vector.shape_cast %get3A_203 : vector<16xf32> to vector<16xf32>
          %get3A_205 = arith.index_cast %add3A_139 : i32 to index
          %get3A_206 = tpu.vector_load %arg16[%get3A_205] {strides = array<i32>} : memref<4096xf32, #tpu.memory_space<vmem>>, vector<16xf32>,
          %get3A_207 = vector.shape_cast %get3A_206 : vector<16xf32> to vector<16xf32>
          %sub3A_208 = arith.subf %get3A_204, %get3A_207 : vector<16xf32>
          %mul3A_209 = arith.mulf %sub3A_194, %sub3A_194 : vector<16xf32>
          %mul3A_210 = arith.mulf %sub3A_201, %sub3A_201 : vector<16xf32>
          %add3A_211 = arith.addf %mul3A_209, %mul3A_210 : vector<16xf32>
          %mul3A_212 = arith.mulf %sub3A_208, %sub3A_208 : vector<16xf32>
          %add3A_213 = arith.addf %add3A_211, %mul3A_212 : vector<16xf32>
          %add3A_214 = arith.constant 9.99999996E-13 : f32
          %add3A_215 = vector.broadcast %add3A_214 : f32 to vector<16xf32>
          %add3A_216 = arith.addf %add3A_213, %add3A_215 : vector<16xf32>
          %bitcast_convert_type3A = tpu.bitcast %add3A_216 : vector<16xf32> -> vector<16xi32>
          %shift_right_arithmetic3A = arith.constant 1 : i32
          %shift_right_arithmetic3A_217 = vector.broadcast %shift_right_arithmetic3A : i32 to vector<16xi32>
          %shift_right_arithmetic3A_218 = arith.shrsi %bitcast_convert_type3A, %shift_right_arithmetic3A_217 : vector<16xi32>
          %sub3A_219 = arith.constant 1597463007 : i32
          %sub3A_220 = vector.broadcast %sub3A_219 : i32 to vector<16xi32>
          %sub3A_221 = arith.subi %sub3A_220, %shift_right_arithmetic3A_218 : vector<16xi32>
          %bitcast_convert_type3A_222 = tpu.bitcast %sub3A_221 : vector<16xi32> -> vector<16xf32>
          %mul3A_223 = arith.constant 5.000000e-01 : f32
          %mul3A_224 = vector.broadcast %mul3A_223 : f32 to vector<16xf32>
          %mul3A_225 = arith.mulf %mul3A_224, %add3A_216 : vector<16xf32>
          %mul3A_226 = arith.mulf %mul3A_225, %bitcast_convert_type3A_222 : vector<16xf32>
          %mul3A_227 = arith.mulf %mul3A_226, %bitcast_convert_type3A_222 : vector<16xf32>
          %sub3A_228 = arith.constant 1.500000e+00 : f32
          %sub3A_229 = vector.broadcast %sub3A_228 : f32 to vector<16xf32>
          %sub3A_230 = arith.subf %sub3A_229, %mul3A_227 : vector<16xf32>
          %mul3A_231 = arith.mulf %bitcast_convert_type3A_222, %sub3A_230 : vector<16xf32>
          %mul3A_232 = arith.constant 5.000000e-01 : f32
          %mul3A_233 = vector.broadcast %mul3A_232 : f32 to vector<16xf32>
          %mul3A_234 = arith.mulf %mul3A_233, %add3A_216 : vector<16xf32>
          %mul3A_235 = arith.mulf %mul3A_234, %mul3A_231 : vector<16xf32>
          %mul3A_236 = arith.mulf %mul3A_235, %mul3A_231 : vector<16xf32>
          %sub3A_237 = arith.constant 1.500000e+00 : f32
          %sub3A_238 = vector.broadcast %sub3A_237 : f32 to vector<16xf32>
          %sub3A_239 = arith.subf %sub3A_238, %mul3A_236 : vector<16xf32>
          %mul3A_240 = arith.mulf %mul3A_231, %sub3A_239 : vector<16xf32>
          %mul3A_241 = arith.constant 5.000000e-01 : f32
          %mul3A_242 = vector.broadcast %mul3A_241 : f32 to vector<16xf32>
          %mul3A_243 = arith.mulf %mul3A_242, %add3A_216 : vector<16xf32>
          %mul3A_244 = arith.mulf %mul3A_243, %mul3A_240 : vector<16xf32>
          %mul3A_245 = arith.mulf %mul3A_244, %mul3A_240 : vector<16xf32>
          %sub3A_246 = arith.constant 1.500000e+00 : f32
          %sub3A_247 = vector.broadcast %sub3A_246 : f32 to vector<16xf32>
          %sub3A_248 = arith.subf %sub3A_247, %mul3A_245 : vector<16xf32>
          %mul3A_249 = arith.mulf %mul3A_240, %sub3A_248 : vector<16xf32>
          %mul3A_250 = arith.mulf %add3A_216, %mul3A_249 : vector<16xf32>
          %add3A_251 = arith.constant 1.000000e+00 : f32
          %add3A_252 = vector.broadcast %add3A_251 : f32 to vector<16xf32>
          %add3A_253 = arith.addf %mul3A_250, %add3A_252 : vector<16xf32>
          %div3A_254 = arith.constant 1.000000e+00 : f32
          %div3A_255 = vector.broadcast %div3A_254 : f32 to vector<16xf32>
          %div3A_256 = arith.divf %div3A_255, %add3A_253 : vector<16xf32>
          %mul3A_257 = arith.mulf %get3A_15, %div3A_256 : vector<16xf32>
          %mul3A_258 = arith.mulf %mul3A_257, %mul3A_257 : vector<16xf32>
          %mul3A_259 = arith.mulf %mul3A_258, %mul3A_258 : vector<16xf32>
          %mul3A_260 = arith.mulf %mul3A_259, %mul3A_258 : vector<16xf32>
          %mul3A_261 = arith.mulf %mul3A_260, %mul3A_260 : vector<16xf32>
          %sub3A_262 = arith.subf %mul3A_261, %mul3A_260 : vector<16xf32>
          %mul3A_263 = arith.mulf %get3A_12, %sub3A_262 : vector<16xf32>
          %add3A_264 = arith.addf %scan3A_133, %mul3A_263 : vector<16xf32>
          %mul3A_265 = arith.constant 6.000000e+00 : f32
          %mul3A_266 = vector.broadcast %mul3A_265 : f32 to vector<16xf32>
          %mul3A_267 = arith.mulf %mul3A_266, %mul3A_260 : vector<16xf32>
          %mul3A_268 = arith.constant 1.200000e+01 : f32
          %mul3A_269 = vector.broadcast %mul3A_268 : f32 to vector<16xf32>
          %mul3A_270 = arith.mulf %mul3A_269, %mul3A_261 : vector<16xf32>
          %sub3A_271 = arith.subf %mul3A_267, %mul3A_270 : vector<16xf32>
          %mul3A_272 = arith.mulf %get3A_12, %sub3A_271 : vector<16xf32>
          %mul3A_273 = arith.mulf %mul3A_272, %div3A_256 : vector<16xf32>
          %mul3A_274 = arith.constant -5.000000e-01 : f32
          %mul3A_275 = vector.broadcast %mul3A_274 : f32 to vector<16xf32>
          %mul3A_276 = arith.mulf %mul3A_275, %mul3A_273 : vector<16xf32>
          %mul3A_277 = arith.mulf %mul3A_276, %mul3A_249 : vector<16xf32>
          %mul3A_278 = arith.mulf %mul3A_277, %sub3A_194 : vector<16xf32>
          %mul3A_279 = arith.mulf %mul3A_277, %sub3A_201 : vector<16xf32>
          %mul3A_280 = arith.mulf %mul3A_277, %sub3A_208 : vector<16xf32>
          %swap3A_281 = arith.index_cast %mul3A_135 : i32 to index
          %swap3A_282 = tpu.vector_load %arg17[%swap3A_281] {strides = array<i32>} : memref<4096xf32, #tpu.memory_space<vmem>>, vector<16xf32>,
          %swap3A_283 = vector.shape_cast %swap3A_282 : vector<16xf32> to vector<16xf32>
          %swap3A_284 = vector.shape_cast %mul3A_278 : vector<16xf32> to vector<16xf32>
          tpu.vector_store %arg17[%swap3A_281], %swap3A_284 {strides = array<i32>} : memref<4096xf32, #tpu.memory_space<vmem>>, vector<16xf32>,
          %swap3A_285 = arith.index_cast %mul3A_135 : i32 to index
          %swap3A_286 = tpu.vector_load %arg18[%swap3A_285] {strides = array<i32>} : memref<4096xf32, #tpu.memory_space<vmem>>, vector<16xf32>,
          %swap3A_287 = vector.shape_cast %swap3A_286 : vector<16xf32> to vector<16xf32>
          %swap3A_288 = vector.shape_cast %mul3A_279 : vector<16xf32> to vector<16xf32>
          tpu.vector_store %arg18[%swap3A_285], %swap3A_288 {strides = array<i32>} : memref<4096xf32, #tpu.memory_space<vmem>>, vector<16xf32>,
          %swap3A_289 = arith.index_cast %mul3A_135 : i32 to index
          %swap3A_290 = tpu.vector_load %arg19[%swap3A_289] {strides = array<i32>} : memref<4096xf32, #tpu.memory_space<vmem>>, vector<16xf32>,
          %swap3A_291 = vector.shape_cast %swap3A_290 : vector<16xf32> to vector<16xf32>
          %swap3A_292 = vector.shape_cast %mul3A_280 : vector<16xf32> to vector<16xf32>
          tpu.vector_store %arg19[%swap3A_289], %swap3A_292 {strides = array<i32>} : memref<4096xf32, #tpu.memory_space<vmem>>, vector<16xf32>,
          %neg3A = arith.constant 0.000000e+00 : f32
          %neg3A_293 = vector.broadcast %neg3A : f32 to vector<16xf32>
          %neg3A_294 = arith.subf %neg3A_293, %mul3A_278 : vector<16xf32>
          %swap3A_295 = arith.index_cast %add3A_139 : i32 to index
          %swap3A_296 = tpu.vector_load %arg17[%swap3A_295] {strides = array<i32>} : memref<4096xf32, #tpu.memory_space<vmem>>, vector<16xf32>,
          %swap3A_297 = vector.shape_cast %swap3A_296 : vector<16xf32> to vector<16xf32>
          %swap3A_298 = vector.shape_cast %neg3A_294 : vector<16xf32> to vector<16xf32>
          tpu.vector_store %arg17[%swap3A_295], %swap3A_298 {strides = array<i32>} : memref<4096xf32, #tpu.memory_space<vmem>>, vector<16xf32>,
          %neg3A_299 = arith.constant 0.000000e+00 : f32
          %neg3A_300 = vector.broadcast %neg3A_299 : f32 to vector<16xf32>
          %neg3A_301 = arith.subf %neg3A_300, %mul3A_279 : vector<16xf32>
          %swap3A_302 = arith.index_cast %add3A_139 : i32 to index
          %swap3A_303 = tpu.vector_load %arg18[%swap3A_302] {strides = array<i32>} : memref<4096xf32, #tpu.memory_space<vmem>>, vector<16xf32>,
          %swap3A_304 = vector.shape_cast %swap3A_303 : vector<16xf32> to vector<16xf32>
          %swap3A_305 = vector.shape_cast %neg3A_301 : vector<16xf32> to vector<16xf32>
          tpu.vector_store %arg18[%swap3A_302], %swap3A_305 {strides = array<i32>} : memref<4096xf32, #tpu.memory_space<vmem>>, vector<16xf32>,
          %neg3A_306 = arith.constant 0.000000e+00 : f32
          %neg3A_307 = vector.broadcast %neg3A_306 : f32 to vector<16xf32>
          %neg3A_308 = arith.subf %neg3A_307, %mul3A_280 : vector<16xf32>
          %swap3A_309 = arith.index_cast %add3A_139 : i32 to index
          %swap3A_310 = tpu.vector_load %arg19[%swap3A_309] {strides = array<i32>} : memref<4096xf32, #tpu.memory_space<vmem>>, vector<16xf32>,
          %swap3A_311 = vector.shape_cast %swap3A_310 : vector<16xf32> to vector<16xf32>
          %swap3A_312 = vector.shape_cast %neg3A_308 : vector<16xf32> to vector<16xf32>
          tpu.vector_store %arg19[%swap3A_309], %swap3A_312 {strides = array<i32>} : memref<4096xf32, #tpu.memory_space<vmem>>, vector<16xf32>,
          scf.yield %add3A_264 : vector<16xf32>
        }
        %scan3A_117 = arith.constant 128 : i32
        %swap3A_118 = arith.constant 32 : index
        %swap3A_119 = tpu.vector_load %arg30[%swap3A_118] {strides = array<i32>} : memref<48xf32, #tpu.memory_space<vmem>>, vector<16xf32>,
        %swap3A_120 = vector.shape_cast %swap3A_119 : vector<16xf32> to vector<16xf32>
        %swap3A_121 = vector.shape_cast %scan3A_116 : vector<16xf32> to vector<16xf32>
        tpu.vector_store %arg30[%swap3A_118], %swap3A_121 {strides = array<i32>} : memref<48xf32, #tpu.memory_space<vmem>>, vector<16xf32>,
        %ge3A = arith.constant 1 : i32
        %ge3A_122 = arith.cmpi sge, %while3A_85, %ge3A : i32
        %convert_element_type3A_123 = arith.extui %ge3A_122 : i1 to i32
        %cond3A_124 = arith.constant 0 : i32
        %cond3A_125 = arith.cmpi ne, %convert_element_type3A_123, %cond3A_124 : i32
        scf.if %cond3A_125 {
          %dma_wait3A_132 = arith.constant 0 : i32
          %dma_wait3A_133 = tpu.memref_slice %arg31[%dma_wait3A_132] : memref<301056xf32, #tpu.memory_space<vmem_shared>> -> memref<301056xf32, #tpu.memory_space<vmem_shared>>
          tpu.wait_indirect_dma semaphore(%arg38 : memref<!tpu.dma_semaphore, #tpu.memory_space<semaphore_mem>>) src(%arg27 : memref<4096xf32, #tpu.memory_space<vmem>>) dst(%dma_wait3A_133 : memref<301056xf32, #tpu.memory_space<vmem_shared>>)
          %dma_wait3A_134 = arith.constant 0 : i32
          %dma_wait3A_135 = tpu.memref_slice %arg31[%dma_wait3A_134] : memref<301056xf32, #tpu.memory_space<vmem_shared>> -> memref<301056xf32, #tpu.memory_space<vmem_shared>>
          tpu.wait_indirect_dma semaphore(%arg38 : memref<!tpu.dma_semaphore, #tpu.memory_space<semaphore_mem>>) src(%arg28 : memref<4096xf32, #tpu.memory_space<vmem>>) dst(%dma_wait3A_135 : memref<301056xf32, #tpu.memory_space<vmem_shared>>)
          %dma_wait3A_136 = arith.constant 0 : i32
          %dma_wait3A_137 = tpu.memref_slice %arg31[%dma_wait3A_136] : memref<301056xf32, #tpu.memory_space<vmem_shared>> -> memref<301056xf32, #tpu.memory_space<vmem_shared>>
          tpu.wait_indirect_dma semaphore(%arg38 : memref<!tpu.dma_semaphore, #tpu.memory_space<semaphore_mem>>) src(%arg29 : memref<4096xf32, #tpu.memory_space<vmem>>) dst(%dma_wait3A_137 : memref<301056xf32, #tpu.memory_space<vmem_shared>>)
        } else {
        }
        %dma_start3A_126 = arith.constant 0 : i32
        %dma_start3A_127 = tpu.memref_slice %arg31[%dma_start3A_126] : memref<301056xf32, #tpu.memory_space<vmem_shared>> -> memref<301056xf32, #tpu.memory_space<vmem_shared>>
        tpu.enqueue_indirect_dma source(%arg17 : memref<4096xf32, #tpu.memory_space<vmem>>) target(%dma_start3A_127 : memref<301056xf32, #tpu.memory_space<vmem_shared>>) offsets(%arg11 : memref<4096xi32, #tpu.memory_space<vmem>>) semaphore(%arg37 : memref<!tpu.dma_semaphore, #tpu.memory_space<semaphore_mem>>) {add = true}
        %dma_start3A_128 = arith.constant 0 : i32
        %dma_start3A_129 = tpu.memref_slice %arg31[%dma_start3A_128] : memref<301056xf32, #tpu.memory_space<vmem_shared>> -> memref<301056xf32, #tpu.memory_space<vmem_shared>>
        tpu.enqueue_indirect_dma source(%arg18 : memref<4096xf32, #tpu.memory_space<vmem>>) target(%dma_start3A_129 : memref<301056xf32, #tpu.memory_space<vmem_shared>>) offsets(%arg12 : memref<4096xi32, #tpu.memory_space<vmem>>) semaphore(%arg37 : memref<!tpu.dma_semaphore, #tpu.memory_space<semaphore_mem>>) {add = true}
        %dma_start3A_130 = arith.constant 0 : i32
        %dma_start3A_131 = tpu.memref_slice %arg31[%dma_start3A_130] : memref<301056xf32, #tpu.memory_space<vmem_shared>> -> memref<301056xf32, #tpu.memory_space<vmem_shared>>
        tpu.enqueue_indirect_dma source(%arg19 : memref<4096xf32, #tpu.memory_space<vmem>>) target(%dma_start3A_131 : memref<301056xf32, #tpu.memory_space<vmem_shared>>) offsets(%arg13 : memref<4096xi32, #tpu.memory_space<vmem>>) semaphore(%arg37 : memref<!tpu.dma_semaphore, #tpu.memory_space<semaphore_mem>>) {add = true}
      } else {
      }
      %and3A_93 = arith.constant 1 : i32
      %and3A_94 = arith.andi %while3A_85, %and3A_93 : i32
      %eq3A_95 = arith.constant 1 : i32
      %eq3A_96 = arith.cmpi eq, %and3A_94, %eq3A_95 : i32
      %convert_element_type3A_97 = arith.extui %eq3A_96 : i1 to i32
      %cond3A_98 = arith.constant 0 : i32
      %cond3A_99 = arith.cmpi ne, %convert_element_type3A_97, %cond3A_98 : i32
      scf.if %cond3A_99 {
        %add3A_100 = arith.constant 1 : i32
        %add3A_101 = arith.addi %while3A_85, %add3A_100 : i32
        %lt3A = arith.cmpi slt, %add3A_101, %select_n3A : i32
        %convert_element_type3A_102 = arith.extui %lt3A : i1 to i32
        %cond3A_103 = arith.constant 0 : i32
        %cond3A_104 = arith.cmpi ne, %convert_element_type3A_102, %cond3A_103 : i32
        scf.if %cond3A_104 {
          %add3A_132 = arith.constant 1 : i32
          %add3A_133 = arith.addi %while3A_85, %add3A_132 : i32
          %mul3A_134 = arith.constant 32 : i32
          %mul3A_135 = arith.muli %add3A_133, %mul3A_134 : i32
          %add3A_136 = arith.addi %add3A, %mul3A_135 : i32
          %mul3A_137 = arith.constant 2048 : i32
          %mul3A_138 = arith.muli %add3A_136, %mul3A_137 : i32
          %dma_start3A_139 = arith.constant 0 : i32
          %dma_start3A_140 = tpu.memref_slice %arg10[%dma_start3A_139] : memref<4096xi32, #tpu.memory_space<vmem>> -> memref<2048xi32, #tpu.memory_space<vmem>>
          %dma_start3A_141 = tpu.memref_slice %arg2[%mul3A_138] : memref<12800000xi32, #tpu.memory_space<hbm>> -> memref<2048xi32, #tpu.memory_space<hbm>>
          %dma_start3A_142 = arith.constant 0 : i32
          %dma_start3A_143 = tpu.memref_slice %arg10[%dma_start3A_142] : memref<4096xi32, #tpu.memory_space<vmem>> -> memref<2048xi32, #tpu.memory_space<vmem>>
          %dma_start3A_144 = tpu.memref_slice %arg2[%mul3A_138] : memref<12800000xi32, #tpu.memory_space<hbm>> -> memref<2048xi32, #tpu.memory_space<hbm>>
          tpu.enqueue_dma source(%dma_start3A_144 : memref<2048xi32, #tpu.memory_space<hbm>>) target(%dma_start3A_143 : memref<2048xi32, #tpu.memory_space<vmem>>) target_semaphore(%arg39 : memref<!tpu.dma_semaphore, #tpu.memory_space<semaphore_mem>>)
          %mul3A_145 = arith.constant 2048 : i32
          %mul3A_146 = arith.muli %add3A_136, %mul3A_145 : i32
          %add3A_147 = arith.constant 6400000 : i32
          %add3A_148 = arith.addi %add3A_147, %mul3A_146 : i32
          %dma_start3A_149 = arith.constant 2048 : i32
          %dma_start3A_150 = tpu.memref_slice %arg10[%dma_start3A_149] : memref<4096xi32, #tpu.memory_space<vmem>> -> memref<2048xi32, #tpu.memory_space<vmem>>
          %dma_start3A_151 = tpu.memref_slice %arg2[%add3A_148] : memref<12800000xi32, #tpu.memory_space<hbm>> -> memref<2048xi32, #tpu.memory_space<hbm>>
          %dma_start3A_152 = arith.constant 2048 : i32
          %dma_start3A_153 = tpu.memref_slice %arg10[%dma_start3A_152] : memref<4096xi32, #tpu.memory_space<vmem>> -> memref<2048xi32, #tpu.memory_space<vmem>>
          %dma_start3A_154 = tpu.memref_slice %arg2[%add3A_148] : memref<12800000xi32, #tpu.memory_space<hbm>> -> memref<2048xi32, #tpu.memory_space<hbm>>
          tpu.enqueue_dma source(%dma_start3A_154 : memref<2048xi32, #tpu.memory_space<hbm>>) target(%dma_start3A_153 : memref<2048xi32, #tpu.memory_space<vmem>>) target_semaphore(%arg39 : memref<!tpu.dma_semaphore, #tpu.memory_space<semaphore_mem>>)
          %dma_wait3A_155 = arith.constant 0 : i32
          %dma_wait3A_156 = tpu.memref_slice %arg10[%dma_wait3A_155] : memref<4096xi32, #tpu.memory_space<vmem>> -> memref<2048xi32, #tpu.memory_space<vmem>>
          %dma_wait3A_157 = arith.constant 0 : i32
          %dma_wait3A_158 = tpu.memref_slice %arg2[%dma_wait3A_157] : memref<12800000xi32, #tpu.memory_space<hbm>> -> memref<2048xi32, #tpu.memory_space<hbm>>
          %dma_wait3A_159 = arith.constant 0 : i32
          %dma_wait3A_160 = tpu.memref_slice %arg10[%dma_wait3A_159] : memref<4096xi32, #tpu.memory_space<vmem>> -> memref<2048xi32, #tpu.memory_space<vmem>>
          %dma_wait3A_161 = arith.constant 0 : i32
          %dma_wait3A_162 = tpu.memref_slice %arg2[%dma_wait3A_161] : memref<12800000xi32, #tpu.memory_space<hbm>> -> memref<2048xi32, #tpu.memory_space<hbm>>
          tpu.wait_dma2 semaphore(%arg39 : memref<!tpu.dma_semaphore, #tpu.memory_space<semaphore_mem>>) src(%dma_wait3A_162 : memref<2048xi32, #tpu.memory_space<hbm>>) dst(%dma_wait3A_160 : memref<2048xi32, #tpu.memory_space<vmem>>)
          %dma_wait3A_163 = arith.constant 2048 : i32
          %dma_wait3A_164 = tpu.memref_slice %arg10[%dma_wait3A_163] : memref<4096xi32, #tpu.memory_space<vmem>> -> memref<2048xi32, #tpu.memory_space<vmem>>
          %dma_wait3A_165 = arith.constant 0 : i32
          %dma_wait3A_166 = tpu.memref_slice %arg2[%dma_wait3A_165] : memref<12800000xi32, #tpu.memory_space<hbm>> -> memref<2048xi32, #tpu.memory_space<hbm>>
          %dma_wait3A_167 = arith.constant 2048 : i32
          %dma_wait3A_168 = tpu.memref_slice %arg10[%dma_wait3A_167] : memref<4096xi32, #tpu.memory_space<vmem>> -> memref<2048xi32, #tpu.memory_space<vmem>>
          %dma_wait3A_169 = arith.constant 0 : i32
          %dma_wait3A_170 = tpu.memref_slice %arg2[%dma_wait3A_169] : memref<12800000xi32, #tpu.memory_space<hbm>> -> memref<2048xi32, #tpu.memory_space<hbm>>
          tpu.wait_dma2 semaphore(%arg39 : memref<!tpu.dma_semaphore, #tpu.memory_space<semaphore_mem>>) src(%dma_wait3A_170 : memref<2048xi32, #tpu.memory_space<hbm>>) dst(%dma_wait3A_168 : memref<2048xi32, #tpu.memory_space<vmem>>)
          %dma_start3A_171 = arith.constant 0 : i32
          %dma_start3A_172 = tpu.memref_slice %arg32[%dma_start3A_171] : memref<100352xf32, #tpu.memory_space<vmem_shared>> -> memref<100352xf32, #tpu.memory_space<vmem_shared>>
          tpu.enqueue_indirect_dma source(%dma_start3A_172 : memref<100352xf32, #tpu.memory_space<vmem_shared>>) target(%arg14 : memref<4096xf32, #tpu.memory_space<vmem>>) offsets(%arg10 : memref<4096xi32, #tpu.memory_space<vmem>>) semaphore(%arg35 : memref<!tpu.dma_semaphore, #tpu.memory_space<semaphore_mem>>)
          %dma_start3A_173 = arith.constant 0 : i32
          %dma_start3A_174 = tpu.memref_slice %arg33[%dma_start3A_173] : memref<100352xf32, #tpu.memory_space<vmem_shared>> -> memref<100352xf32, #tpu.memory_space<vmem_shared>>
          tpu.enqueue_indirect_dma source(%dma_start3A_174 : memref<100352xf32, #tpu.memory_space<vmem_shared>>) target(%arg15 : memref<4096xf32, #tpu.memory_space<vmem>>) offsets(%arg10 : memref<4096xi32, #tpu.memory_space<vmem>>) semaphore(%arg35 : memref<!tpu.dma_semaphore, #tpu.memory_space<semaphore_mem>>)
          %dma_start3A_175 = arith.constant 0 : i32
          %dma_start3A_176 = tpu.memref_slice %arg34[%dma_start3A_175] : memref<100352xf32, #tpu.memory_space<vmem_shared>> -> memref<100352xf32, #tpu.memory_space<vmem_shared>>
          tpu.enqueue_indirect_dma source(%dma_start3A_176 : memref<100352xf32, #tpu.memory_space<vmem_shared>>) target(%arg16 : memref<4096xf32, #tpu.memory_space<vmem>>) offsets(%arg10 : memref<4096xi32, #tpu.memory_space<vmem>>) semaphore(%arg35 : memref<!tpu.dma_semaphore, #tpu.memory_space<semaphore_mem>>)
        } else {
        }
        %dma_wait3A = arith.constant 0 : i32
        %dma_wait3A_105 = tpu.memref_slice %arg32[%dma_wait3A] : memref<100352xf32, #tpu.memory_space<vmem_shared>> -> memref<100352xf32, #tpu.memory_space<vmem_shared>>
        tpu.wait_indirect_dma semaphore(%arg36 : memref<!tpu.dma_semaphore, #tpu.memory_space<semaphore_mem>>) src(%dma_wait3A_105 : memref<100352xf32, #tpu.memory_space<vmem_shared>>) dst(%arg24 : memref<4096xf32, #tpu.memory_space<vmem>>)
        %dma_wait3A_106 = arith.constant 0 : i32
        %dma_wait3A_107 = tpu.memref_slice %arg33[%dma_wait3A_106] : memref<100352xf32, #tpu.memory_space<vmem_shared>> -> memref<100352xf32, #tpu.memory_space<vmem_shared>>
        tpu.wait_indirect_dma semaphore(%arg36 : memref<!tpu.dma_semaphore, #tpu.memory_space<semaphore_mem>>) src(%dma_wait3A_107 : memref<100352xf32, #tpu.memory_space<vmem_shared>>) dst(%arg25 : memref<4096xf32, #tpu.memory_space<vmem>>)
        %dma_wait3A_108 = arith.constant 0 : i32
        %dma_wait3A_109 = tpu.memref_slice %arg34[%dma_wait3A_108] : memref<100352xf32, #tpu.memory_space<vmem_shared>> -> memref<100352xf32, #tpu.memory_space<vmem_shared>>
        tpu.wait_indirect_dma semaphore(%arg36 : memref<!tpu.dma_semaphore, #tpu.memory_space<semaphore_mem>>) src(%dma_wait3A_109 : memref<100352xf32, #tpu.memory_space<vmem_shared>>) dst(%arg26 : memref<4096xf32, #tpu.memory_space<vmem>>)
        %get3A_110 = arith.constant 32 : index
        %get3A_111 = tpu.vector_load %arg30[%get3A_110] {strides = array<i32>} : memref<48xf32, #tpu.memory_space<vmem>>, vector<16xf32>,
        %get3A_112 = vector.shape_cast %get3A_111 : vector<16xf32> to vector<16xf32>
        %scan3A = arith.constant 0 : i32
        %scan3A_113 = arith.constant 128 : i32
        %scan3A_114 = arith.addi %scan3A, %scan3A_113 : i32
        %scan3A_115 = arith.constant 1 : i32
        %scan3A_116 = scf.for %scan3A_132 = %scan3A to %scan3A_114 step %scan3A_115 iter_args(%scan3A_133 = %get3A_112) -> (vector<16xf32>)  : i32 {
          %mul3A_134 = arith.constant 16 : i32
          %mul3A_135 = arith.muli %scan3A_132, %mul3A_134 : i32
          %mul3A_136 = arith.constant 16 : i32
          %mul3A_137 = arith.muli %scan3A_132, %mul3A_136 : i32
          %add3A_138 = arith.constant 2048 : i32
          %add3A_139 = arith.addi %add3A_138, %mul3A_137 : i32
          %get3A_140 = arith.index_cast %mul3A_135 : i32 to index
          %get3A_141 = tpu.vector_load %arg20[%get3A_140] {strides = array<i32>} : memref<4096xi32, #tpu.memory_space<vmem>>, vector<16xi32>,
          %get3A_142 = vector.shape_cast %get3A_141 : vector<16xi32> to vector<16xi32>
          %mul3A_143 = arith.constant 3 : i32
          %mul3A_144 = vector.broadcast %mul3A_143 : i32 to vector<16xi32>
          %mul3A_145 = arith.muli %get3A_142, %mul3A_144 : vector<16xi32>
          %swap3A_146 = arith.index_cast %mul3A_135 : i32 to index
          %swap3A_147 = tpu.vector_load %arg21[%swap3A_146] {strides = array<i32>} : memref<4096xi32, #tpu.memory_space<vmem>>, vector<16xi32>,
          %swap3A_148 = vector.shape_cast %swap3A_147 : vector<16xi32> to vector<16xi32>
          %swap3A_149 = vector.shape_cast %mul3A_145 : vector<16xi32> to vector<16xi32>
          tpu.vector_store %arg21[%swap3A_146], %swap3A_149 {strides = array<i32>} : memref<4096xi32, #tpu.memory_space<vmem>>, vector<16xi32>,
          %add3A_150 = arith.constant 1 : i32
          %add3A_151 = vector.broadcast %add3A_150 : i32 to vector<16xi32>
          %add3A_152 = arith.addi %mul3A_145, %add3A_151 : vector<16xi32>
          %swap3A_153 = arith.index_cast %mul3A_135 : i32 to index
          %swap3A_154 = tpu.vector_load %arg22[%swap3A_153] {strides = array<i32>} : memref<4096xi32, #tpu.memory_space<vmem>>, vector<16xi32>,
          %swap3A_155 = vector.shape_cast %swap3A_154 : vector<16xi32> to vector<16xi32>
          %swap3A_156 = vector.shape_cast %add3A_152 : vector<16xi32> to vector<16xi32>
          tpu.vector_store %arg22[%swap3A_153], %swap3A_156 {strides = array<i32>} : memref<4096xi32, #tpu.memory_space<vmem>>, vector<16xi32>,
          %add3A_157 = arith.constant 2 : i32
          %add3A_158 = vector.broadcast %add3A_157 : i32 to vector<16xi32>
          %add3A_159 = arith.addi %mul3A_145, %add3A_158 : vector<16xi32>
          %swap3A_160 = arith.index_cast %mul3A_135 : i32 to index
          %swap3A_161 = tpu.vector_load %arg23[%swap3A_160] {strides = array<i32>} : memref<4096xi32, #tpu.memory_space<vmem>>, vector<16xi32>,
          %swap3A_162 = vector.shape_cast %swap3A_161 : vector<16xi32> to vector<16xi32>
          %swap3A_163 = vector.shape_cast %add3A_159 : vector<16xi32> to vector<16xi32>
          tpu.vector_store %arg23[%swap3A_160], %swap3A_163 {strides = array<i32>} : memref<4096xi32, #tpu.memory_space<vmem>>, vector<16xi32>,
          %get3A_164 = arith.index_cast %add3A_139 : i32 to index
          %get3A_165 = tpu.vector_load %arg20[%get3A_164] {strides = array<i32>} : memref<4096xi32, #tpu.memory_space<vmem>>, vector<16xi32>,
          %get3A_166 = vector.shape_cast %get3A_165 : vector<16xi32> to vector<16xi32>
          %mul3A_167 = arith.constant 3 : i32
          %mul3A_168 = vector.broadcast %mul3A_167 : i32 to vector<16xi32>
          %mul3A_169 = arith.muli %get3A_166, %mul3A_168 : vector<16xi32>
          %swap3A_170 = arith.index_cast %add3A_139 : i32 to index
          %swap3A_171 = tpu.vector_load %arg21[%swap3A_170] {strides = array<i32>} : memref<4096xi32, #tpu.memory_space<vmem>>, vector<16xi32>,
          %swap3A_172 = vector.shape_cast %swap3A_171 : vector<16xi32> to vector<16xi32>
          %swap3A_173 = vector.shape_cast %mul3A_169 : vector<16xi32> to vector<16xi32>
          tpu.vector_store %arg21[%swap3A_170], %swap3A_173 {strides = array<i32>} : memref<4096xi32, #tpu.memory_space<vmem>>, vector<16xi32>,
          %add3A_174 = arith.constant 1 : i32
          %add3A_175 = vector.broadcast %add3A_174 : i32 to vector<16xi32>
          %add3A_176 = arith.addi %mul3A_169, %add3A_175 : vector<16xi32>
          %swap3A_177 = arith.index_cast %add3A_139 : i32 to index
          %swap3A_178 = tpu.vector_load %arg22[%swap3A_177] {strides = array<i32>} : memref<4096xi32, #tpu.memory_space<vmem>>, vector<16xi32>,
          %swap3A_179 = vector.shape_cast %swap3A_178 : vector<16xi32> to vector<16xi32>
          %swap3A_180 = vector.shape_cast %add3A_176 : vector<16xi32> to vector<16xi32>
          tpu.vector_store %arg22[%swap3A_177], %swap3A_180 {strides = array<i32>} : memref<4096xi32, #tpu.memory_space<vmem>>, vector<16xi32>,
          %add3A_181 = arith.constant 2 : i32
          %add3A_182 = vector.broadcast %add3A_181 : i32 to vector<16xi32>
          %add3A_183 = arith.addi %mul3A_169, %add3A_182 : vector<16xi32>
          %swap3A_184 = arith.index_cast %add3A_139 : i32 to index
          %swap3A_185 = tpu.vector_load %arg23[%swap3A_184] {strides = array<i32>} : memref<4096xi32, #tpu.memory_space<vmem>>, vector<16xi32>,
          %swap3A_186 = vector.shape_cast %swap3A_185 : vector<16xi32> to vector<16xi32>
          %swap3A_187 = vector.shape_cast %add3A_183 : vector<16xi32> to vector<16xi32>
          tpu.vector_store %arg23[%swap3A_184], %swap3A_187 {strides = array<i32>} : memref<4096xi32, #tpu.memory_space<vmem>>, vector<16xi32>,
          %get3A_188 = arith.index_cast %mul3A_135 : i32 to index
          %get3A_189 = tpu.vector_load %arg24[%get3A_188] {strides = array<i32>} : memref<4096xf32, #tpu.memory_space<vmem>>, vector<16xf32>,
          %get3A_190 = vector.shape_cast %get3A_189 : vector<16xf32> to vector<16xf32>
          %get3A_191 = arith.index_cast %add3A_139 : i32 to index
          %get3A_192 = tpu.vector_load %arg24[%get3A_191] {strides = array<i32>} : memref<4096xf32, #tpu.memory_space<vmem>>, vector<16xf32>,
          %get3A_193 = vector.shape_cast %get3A_192 : vector<16xf32> to vector<16xf32>
          %sub3A_194 = arith.subf %get3A_190, %get3A_193 : vector<16xf32>
          %get3A_195 = arith.index_cast %mul3A_135 : i32 to index
          %get3A_196 = tpu.vector_load %arg25[%get3A_195] {strides = array<i32>} : memref<4096xf32, #tpu.memory_space<vmem>>, vector<16xf32>,
          %get3A_197 = vector.shape_cast %get3A_196 : vector<16xf32> to vector<16xf32>
          %get3A_198 = arith.index_cast %add3A_139 : i32 to index
          %get3A_199 = tpu.vector_load %arg25[%get3A_198] {strides = array<i32>} : memref<4096xf32, #tpu.memory_space<vmem>>, vector<16xf32>,
          %get3A_200 = vector.shape_cast %get3A_199 : vector<16xf32> to vector<16xf32>
          %sub3A_201 = arith.subf %get3A_197, %get3A_200 : vector<16xf32>
          %get3A_202 = arith.index_cast %mul3A_135 : i32 to index
          %get3A_203 = tpu.vector_load %arg26[%get3A_202] {strides = array<i32>} : memref<4096xf32, #tpu.memory_space<vmem>>, vector<16xf32>,
          %get3A_204 = vector.shape_cast %get3A_203 : vector<16xf32> to vector<16xf32>
          %get3A_205 = arith.index_cast %add3A_139 : i32 to index
          %get3A_206 = tpu.vector_load %arg26[%get3A_205] {strides = array<i32>} : memref<4096xf32, #tpu.memory_space<vmem>>, vector<16xf32>,
          %get3A_207 = vector.shape_cast %get3A_206 : vector<16xf32> to vector<16xf32>
          %sub3A_208 = arith.subf %get3A_204, %get3A_207 : vector<16xf32>
          %mul3A_209 = arith.mulf %sub3A_194, %sub3A_194 : vector<16xf32>
          %mul3A_210 = arith.mulf %sub3A_201, %sub3A_201 : vector<16xf32>
          %add3A_211 = arith.addf %mul3A_209, %mul3A_210 : vector<16xf32>
          %mul3A_212 = arith.mulf %sub3A_208, %sub3A_208 : vector<16xf32>
          %add3A_213 = arith.addf %add3A_211, %mul3A_212 : vector<16xf32>
          %add3A_214 = arith.constant 9.99999996E-13 : f32
          %add3A_215 = vector.broadcast %add3A_214 : f32 to vector<16xf32>
          %add3A_216 = arith.addf %add3A_213, %add3A_215 : vector<16xf32>
          %bitcast_convert_type3A = tpu.bitcast %add3A_216 : vector<16xf32> -> vector<16xi32>
          %shift_right_arithmetic3A = arith.constant 1 : i32
          %shift_right_arithmetic3A_217 = vector.broadcast %shift_right_arithmetic3A : i32 to vector<16xi32>
          %shift_right_arithmetic3A_218 = arith.shrsi %bitcast_convert_type3A, %shift_right_arithmetic3A_217 : vector<16xi32>
          %sub3A_219 = arith.constant 1597463007 : i32
          %sub3A_220 = vector.broadcast %sub3A_219 : i32 to vector<16xi32>
          %sub3A_221 = arith.subi %sub3A_220, %shift_right_arithmetic3A_218 : vector<16xi32>
          %bitcast_convert_type3A_222 = tpu.bitcast %sub3A_221 : vector<16xi32> -> vector<16xf32>
          %mul3A_223 = arith.constant 5.000000e-01 : f32
          %mul3A_224 = vector.broadcast %mul3A_223 : f32 to vector<16xf32>
          %mul3A_225 = arith.mulf %mul3A_224, %add3A_216 : vector<16xf32>
          %mul3A_226 = arith.mulf %mul3A_225, %bitcast_convert_type3A_222 : vector<16xf32>
          %mul3A_227 = arith.mulf %mul3A_226, %bitcast_convert_type3A_222 : vector<16xf32>
          %sub3A_228 = arith.constant 1.500000e+00 : f32
          %sub3A_229 = vector.broadcast %sub3A_228 : f32 to vector<16xf32>
          %sub3A_230 = arith.subf %sub3A_229, %mul3A_227 : vector<16xf32>
          %mul3A_231 = arith.mulf %bitcast_convert_type3A_222, %sub3A_230 : vector<16xf32>
          %mul3A_232 = arith.constant 5.000000e-01 : f32
          %mul3A_233 = vector.broadcast %mul3A_232 : f32 to vector<16xf32>
          %mul3A_234 = arith.mulf %mul3A_233, %add3A_216 : vector<16xf32>
          %mul3A_235 = arith.mulf %mul3A_234, %mul3A_231 : vector<16xf32>
          %mul3A_236 = arith.mulf %mul3A_235, %mul3A_231 : vector<16xf32>
          %sub3A_237 = arith.constant 1.500000e+00 : f32
          %sub3A_238 = vector.broadcast %sub3A_237 : f32 to vector<16xf32>
          %sub3A_239 = arith.subf %sub3A_238, %mul3A_236 : vector<16xf32>
          %mul3A_240 = arith.mulf %mul3A_231, %sub3A_239 : vector<16xf32>
          %mul3A_241 = arith.constant 5.000000e-01 : f32
          %mul3A_242 = vector.broadcast %mul3A_241 : f32 to vector<16xf32>
          %mul3A_243 = arith.mulf %mul3A_242, %add3A_216 : vector<16xf32>
          %mul3A_244 = arith.mulf %mul3A_243, %mul3A_240 : vector<16xf32>
          %mul3A_245 = arith.mulf %mul3A_244, %mul3A_240 : vector<16xf32>
          %sub3A_246 = arith.constant 1.500000e+00 : f32
          %sub3A_247 = vector.broadcast %sub3A_246 : f32 to vector<16xf32>
          %sub3A_248 = arith.subf %sub3A_247, %mul3A_245 : vector<16xf32>
          %mul3A_249 = arith.mulf %mul3A_240, %sub3A_248 : vector<16xf32>
          %mul3A_250 = arith.mulf %add3A_216, %mul3A_249 : vector<16xf32>
          %add3A_251 = arith.constant 1.000000e+00 : f32
          %add3A_252 = vector.broadcast %add3A_251 : f32 to vector<16xf32>
          %add3A_253 = arith.addf %mul3A_250, %add3A_252 : vector<16xf32>
          %div3A_254 = arith.constant 1.000000e+00 : f32
          %div3A_255 = vector.broadcast %div3A_254 : f32 to vector<16xf32>
          %div3A_256 = arith.divf %div3A_255, %add3A_253 : vector<16xf32>
          %mul3A_257 = arith.mulf %get3A_15, %div3A_256 : vector<16xf32>
          %mul3A_258 = arith.mulf %mul3A_257, %mul3A_257 : vector<16xf32>
          %mul3A_259 = arith.mulf %mul3A_258, %mul3A_258 : vector<16xf32>
          %mul3A_260 = arith.mulf %mul3A_259, %mul3A_258 : vector<16xf32>
          %mul3A_261 = arith.mulf %mul3A_260, %mul3A_260 : vector<16xf32>
          %sub3A_262 = arith.subf %mul3A_261, %mul3A_260 : vector<16xf32>
          %mul3A_263 = arith.mulf %get3A_12, %sub3A_262 : vector<16xf32>
          %add3A_264 = arith.addf %scan3A_133, %mul3A_263 : vector<16xf32>
          %mul3A_265 = arith.constant 6.000000e+00 : f32
          %mul3A_266 = vector.broadcast %mul3A_265 : f32 to vector<16xf32>
          %mul3A_267 = arith.mulf %mul3A_266, %mul3A_260 : vector<16xf32>
          %mul3A_268 = arith.constant 1.200000e+01 : f32
          %mul3A_269 = vector.broadcast %mul3A_268 : f32 to vector<16xf32>
          %mul3A_270 = arith.mulf %mul3A_269, %mul3A_261 : vector<16xf32>
          %sub3A_271 = arith.subf %mul3A_267, %mul3A_270 : vector<16xf32>
          %mul3A_272 = arith.mulf %get3A_12, %sub3A_271 : vector<16xf32>
          %mul3A_273 = arith.mulf %mul3A_272, %div3A_256 : vector<16xf32>
          %mul3A_274 = arith.constant -5.000000e-01 : f32
          %mul3A_275 = vector.broadcast %mul3A_274 : f32 to vector<16xf32>
          %mul3A_276 = arith.mulf %mul3A_275, %mul3A_273 : vector<16xf32>
          %mul3A_277 = arith.mulf %mul3A_276, %mul3A_249 : vector<16xf32>
          %mul3A_278 = arith.mulf %mul3A_277, %sub3A_194 : vector<16xf32>
          %mul3A_279 = arith.mulf %mul3A_277, %sub3A_201 : vector<16xf32>
          %mul3A_280 = arith.mulf %mul3A_277, %sub3A_208 : vector<16xf32>
          %swap3A_281 = arith.index_cast %mul3A_135 : i32 to index
          %swap3A_282 = tpu.vector_load %arg27[%swap3A_281] {strides = array<i32>} : memref<4096xf32, #tpu.memory_space<vmem>>, vector<16xf32>,
          %swap3A_283 = vector.shape_cast %swap3A_282 : vector<16xf32> to vector<16xf32>
          %swap3A_284 = vector.shape_cast %mul3A_278 : vector<16xf32> to vector<16xf32>
          tpu.vector_store %arg27[%swap3A_281], %swap3A_284 {strides = array<i32>} : memref<4096xf32, #tpu.memory_space<vmem>>, vector<16xf32>,
          %swap3A_285 = arith.index_cast %mul3A_135 : i32 to index
          %swap3A_286 = tpu.vector_load %arg28[%swap3A_285] {strides = array<i32>} : memref<4096xf32, #tpu.memory_space<vmem>>, vector<16xf32>,
          %swap3A_287 = vector.shape_cast %swap3A_286 : vector<16xf32> to vector<16xf32>
          %swap3A_288 = vector.shape_cast %mul3A_279 : vector<16xf32> to vector<16xf32>
          tpu.vector_store %arg28[%swap3A_285], %swap3A_288 {strides = array<i32>} : memref<4096xf32, #tpu.memory_space<vmem>>, vector<16xf32>,
          %swap3A_289 = arith.index_cast %mul3A_135 : i32 to index
          %swap3A_290 = tpu.vector_load %arg29[%swap3A_289] {strides = array<i32>} : memref<4096xf32, #tpu.memory_space<vmem>>, vector<16xf32>,
          %swap3A_291 = vector.shape_cast %swap3A_290 : vector<16xf32> to vector<16xf32>
          %swap3A_292 = vector.shape_cast %mul3A_280 : vector<16xf32> to vector<16xf32>
          tpu.vector_store %arg29[%swap3A_289], %swap3A_292 {strides = array<i32>} : memref<4096xf32, #tpu.memory_space<vmem>>, vector<16xf32>,
          %neg3A = arith.constant 0.000000e+00 : f32
          %neg3A_293 = vector.broadcast %neg3A : f32 to vector<16xf32>
          %neg3A_294 = arith.subf %neg3A_293, %mul3A_278 : vector<16xf32>
          %swap3A_295 = arith.index_cast %add3A_139 : i32 to index
          %swap3A_296 = tpu.vector_load %arg27[%swap3A_295] {strides = array<i32>} : memref<4096xf32, #tpu.memory_space<vmem>>, vector<16xf32>,
          %swap3A_297 = vector.shape_cast %swap3A_296 : vector<16xf32> to vector<16xf32>
          %swap3A_298 = vector.shape_cast %neg3A_294 : vector<16xf32> to vector<16xf32>
          tpu.vector_store %arg27[%swap3A_295], %swap3A_298 {strides = array<i32>} : memref<4096xf32, #tpu.memory_space<vmem>>, vector<16xf32>,
          %neg3A_299 = arith.constant 0.000000e+00 : f32
          %neg3A_300 = vector.broadcast %neg3A_299 : f32 to vector<16xf32>
          %neg3A_301 = arith.subf %neg3A_300, %mul3A_279 : vector<16xf32>
          %swap3A_302 = arith.index_cast %add3A_139 : i32 to index
          %swap3A_303 = tpu.vector_load %arg28[%swap3A_302] {strides = array<i32>} : memref<4096xf32, #tpu.memory_space<vmem>>, vector<16xf32>,
          %swap3A_304 = vector.shape_cast %swap3A_303 : vector<16xf32> to vector<16xf32>
          %swap3A_305 = vector.shape_cast %neg3A_301 : vector<16xf32> to vector<16xf32>
          tpu.vector_store %arg28[%swap3A_302], %swap3A_305 {strides = array<i32>} : memref<4096xf32, #tpu.memory_space<vmem>>, vector<16xf32>,
          %neg3A_306 = arith.constant 0.000000e+00 : f32
          %neg3A_307 = vector.broadcast %neg3A_306 : f32 to vector<16xf32>
          %neg3A_308 = arith.subf %neg3A_307, %mul3A_280 : vector<16xf32>
          %swap3A_309 = arith.index_cast %add3A_139 : i32 to index
          %swap3A_310 = tpu.vector_load %arg29[%swap3A_309] {strides = array<i32>} : memref<4096xf32, #tpu.memory_space<vmem>>, vector<16xf32>,
          %swap3A_311 = vector.shape_cast %swap3A_310 : vector<16xf32> to vector<16xf32>
          %swap3A_312 = vector.shape_cast %neg3A_308 : vector<16xf32> to vector<16xf32>
          tpu.vector_store %arg29[%swap3A_309], %swap3A_312 {strides = array<i32>} : memref<4096xf32, #tpu.memory_space<vmem>>, vector<16xf32>,
          scf.yield %add3A_264 : vector<16xf32>
        }
        %scan3A_117 = arith.constant 128 : i32
        %swap3A_118 = arith.constant 32 : index
        %swap3A_119 = tpu.vector_load %arg30[%swap3A_118] {strides = array<i32>} : memref<48xf32, #tpu.memory_space<vmem>>, vector<16xf32>,
        %swap3A_120 = vector.shape_cast %swap3A_119 : vector<16xf32> to vector<16xf32>
        %swap3A_121 = vector.shape_cast %scan3A_116 : vector<16xf32> to vector<16xf32>
        tpu.vector_store %arg30[%swap3A_118], %swap3A_121 {strides = array<i32>} : memref<48xf32, #tpu.memory_space<vmem>>, vector<16xf32>,
        %ge3A = arith.constant 1 : i32
        %ge3A_122 = arith.cmpi sge, %while3A_85, %ge3A : i32
        %convert_element_type3A_123 = arith.extui %ge3A_122 : i1 to i32
        %cond3A_124 = arith.constant 0 : i32
        %cond3A_125 = arith.cmpi ne, %convert_element_type3A_123, %cond3A_124 : i32
        scf.if %cond3A_125 {
          %dma_wait3A_132 = arith.constant 0 : i32
          %dma_wait3A_133 = tpu.memref_slice %arg31[%dma_wait3A_132] : memref<301056xf32, #tpu.memory_space<vmem_shared>> -> memref<301056xf32, #tpu.memory_space<vmem_shared>>
          tpu.wait_indirect_dma semaphore(%arg37 : memref<!tpu.dma_semaphore, #tpu.memory_space<semaphore_mem>>) src(%arg17 : memref<4096xf32, #tpu.memory_space<vmem>>) dst(%dma_wait3A_133 : memref<301056xf32, #tpu.memory_space<vmem_shared>>)
          %dma_wait3A_134 = arith.constant 0 : i32
          %dma_wait3A_135 = tpu.memref_slice %arg31[%dma_wait3A_134] : memref<301056xf32, #tpu.memory_space<vmem_shared>> -> memref<301056xf32, #tpu.memory_space<vmem_shared>>
          tpu.wait_indirect_dma semaphore(%arg37 : memref<!tpu.dma_semaphore, #tpu.memory_space<semaphore_mem>>) src(%arg18 : memref<4096xf32, #tpu.memory_space<vmem>>) dst(%dma_wait3A_135 : memref<301056xf32, #tpu.memory_space<vmem_shared>>)
          %dma_wait3A_136 = arith.constant 0 : i32
          %dma_wait3A_137 = tpu.memref_slice %arg31[%dma_wait3A_136] : memref<301056xf32, #tpu.memory_space<vmem_shared>> -> memref<301056xf32, #tpu.memory_space<vmem_shared>>
          tpu.wait_indirect_dma semaphore(%arg37 : memref<!tpu.dma_semaphore, #tpu.memory_space<semaphore_mem>>) src(%arg19 : memref<4096xf32, #tpu.memory_space<vmem>>) dst(%dma_wait3A_137 : memref<301056xf32, #tpu.memory_space<vmem_shared>>)
        } else {
        }
        %dma_start3A_126 = arith.constant 0 : i32
        %dma_start3A_127 = tpu.memref_slice %arg31[%dma_start3A_126] : memref<301056xf32, #tpu.memory_space<vmem_shared>> -> memref<301056xf32, #tpu.memory_space<vmem_shared>>
        tpu.enqueue_indirect_dma source(%arg27 : memref<4096xf32, #tpu.memory_space<vmem>>) target(%dma_start3A_127 : memref<301056xf32, #tpu.memory_space<vmem_shared>>) offsets(%arg21 : memref<4096xi32, #tpu.memory_space<vmem>>) semaphore(%arg38 : memref<!tpu.dma_semaphore, #tpu.memory_space<semaphore_mem>>) {add = true}
        %dma_start3A_128 = arith.constant 0 : i32
        %dma_start3A_129 = tpu.memref_slice %arg31[%dma_start3A_128] : memref<301056xf32, #tpu.memory_space<vmem_shared>> -> memref<301056xf32, #tpu.memory_space<vmem_shared>>
        tpu.enqueue_indirect_dma source(%arg28 : memref<4096xf32, #tpu.memory_space<vmem>>) target(%dma_start3A_129 : memref<301056xf32, #tpu.memory_space<vmem_shared>>) offsets(%arg22 : memref<4096xi32, #tpu.memory_space<vmem>>) semaphore(%arg38 : memref<!tpu.dma_semaphore, #tpu.memory_space<semaphore_mem>>) {add = true}
        %dma_start3A_130 = arith.constant 0 : i32
        %dma_start3A_131 = tpu.memref_slice %arg31[%dma_start3A_130] : memref<301056xf32, #tpu.memory_space<vmem_shared>> -> memref<301056xf32, #tpu.memory_space<vmem_shared>>
        tpu.enqueue_indirect_dma source(%arg29 : memref<4096xf32, #tpu.memory_space<vmem>>) target(%dma_start3A_131 : memref<301056xf32, #tpu.memory_space<vmem_shared>>) offsets(%arg23 : memref<4096xi32, #tpu.memory_space<vmem>>) semaphore(%arg38 : memref<!tpu.dma_semaphore, #tpu.memory_space<semaphore_mem>>) {add = true}
      } else {
      }
    }
    %while3A_57 = arith.constant 1 : i32
    scf.for %while3A_85 = %while3A_55 to %while3A_51 step %while3A_57  : i32 {
      %and3A_86 = arith.constant 1 : i32
      %and3A_87 = arith.andi %while3A_85, %and3A_86 : i32
      %eq3A_88 = arith.constant 0 : i32
      %eq3A_89 = arith.cmpi eq, %and3A_87, %eq3A_88 : i32
      %convert_element_type3A_90 = arith.extui %eq3A_89 : i1 to i32
      %cond3A_91 = arith.constant 0 : i32
      %cond3A_92 = arith.cmpi ne, %convert_element_type3A_90, %cond3A_91 : i32
      scf.if %cond3A_92 {
        %add3A_100 = arith.constant 1 : i32
        %add3A_101 = arith.addi %while3A_85, %add3A_100 : i32
        %lt3A = arith.cmpi slt, %add3A_101, %select_n3A : i32
        %convert_element_type3A_102 = arith.extui %lt3A : i1 to i32
        %cond3A_103 = arith.constant 0 : i32
        %cond3A_104 = arith.cmpi ne, %convert_element_type3A_102, %cond3A_103 : i32
        scf.if %cond3A_104 {
          %add3A_132 = arith.constant 1 : i32
          %add3A_133 = arith.addi %while3A_85, %add3A_132 : i32
          %mul3A_134 = arith.constant 32 : i32
          %mul3A_135 = arith.muli %add3A_133, %mul3A_134 : i32
          %add3A_136 = arith.addi %add3A, %mul3A_135 : i32
          %mul3A_137 = arith.constant 2048 : i32
          %mul3A_138 = arith.muli %add3A_136, %mul3A_137 : i32
          %dma_start3A_139 = arith.constant 0 : i32
          %dma_start3A_140 = tpu.memref_slice %arg20[%dma_start3A_139] : memref<4096xi32, #tpu.memory_space<vmem>> -> memref<2048xi32, #tpu.memory_space<vmem>>
          %dma_start3A_141 = tpu.memref_slice %arg2[%mul3A_138] : memref<12800000xi32, #tpu.memory_space<hbm>> -> memref<2048xi32, #tpu.memory_space<hbm>>
          %dma_start3A_142 = arith.constant 0 : i32
          %dma_start3A_143 = tpu.memref_slice %arg20[%dma_start3A_142] : memref<4096xi32, #tpu.memory_space<vmem>> -> memref<2048xi32, #tpu.memory_space<vmem>>
          %dma_start3A_144 = tpu.memref_slice %arg2[%mul3A_138] : memref<12800000xi32, #tpu.memory_space<hbm>> -> memref<2048xi32, #tpu.memory_space<hbm>>
          tpu.enqueue_dma source(%dma_start3A_144 : memref<2048xi32, #tpu.memory_space<hbm>>) target(%dma_start3A_143 : memref<2048xi32, #tpu.memory_space<vmem>>) target_semaphore(%arg40 : memref<!tpu.dma_semaphore, #tpu.memory_space<semaphore_mem>>)
          %mul3A_145 = arith.constant 2048 : i32
          %mul3A_146 = arith.muli %add3A_136, %mul3A_145 : i32
          %add3A_147 = arith.constant 6400000 : i32
          %add3A_148 = arith.addi %add3A_147, %mul3A_146 : i32
          %dma_start3A_149 = arith.constant 2048 : i32
          %dma_start3A_150 = tpu.memref_slice %arg20[%dma_start3A_149] : memref<4096xi32, #tpu.memory_space<vmem>> -> memref<2048xi32, #tpu.memory_space<vmem>>
          %dma_start3A_151 = tpu.memref_slice %arg2[%add3A_148] : memref<12800000xi32, #tpu.memory_space<hbm>> -> memref<2048xi32, #tpu.memory_space<hbm>>
          %dma_start3A_152 = arith.constant 2048 : i32
          %dma_start3A_153 = tpu.memref_slice %arg20[%dma_start3A_152] : memref<4096xi32, #tpu.memory_space<vmem>> -> memref<2048xi32, #tpu.memory_space<vmem>>
          %dma_start3A_154 = tpu.memref_slice %arg2[%add3A_148] : memref<12800000xi32, #tpu.memory_space<hbm>> -> memref<2048xi32, #tpu.memory_space<hbm>>
          tpu.enqueue_dma source(%dma_start3A_154 : memref<2048xi32, #tpu.memory_space<hbm>>) target(%dma_start3A_153 : memref<2048xi32, #tpu.memory_space<vmem>>) target_semaphore(%arg40 : memref<!tpu.dma_semaphore, #tpu.memory_space<semaphore_mem>>)
          %dma_wait3A_155 = arith.constant 0 : i32
          %dma_wait3A_156 = tpu.memref_slice %arg20[%dma_wait3A_155] : memref<4096xi32, #tpu.memory_space<vmem>> -> memref<2048xi32, #tpu.memory_space<vmem>>
          %dma_wait3A_157 = arith.constant 0 : i32
          %dma_wait3A_158 = tpu.memref_slice %arg2[%dma_wait3A_157] : memref<12800000xi32, #tpu.memory_space<hbm>> -> memref<2048xi32, #tpu.memory_space<hbm>>
          %dma_wait3A_159 = arith.constant 0 : i32
          %dma_wait3A_160 = tpu.memref_slice %arg20[%dma_wait3A_159] : memref<4096xi32, #tpu.memory_space<vmem>> -> memref<2048xi32, #tpu.memory_space<vmem>>
          %dma_wait3A_161 = arith.constant 0 : i32
          %dma_wait3A_162 = tpu.memref_slice %arg2[%dma_wait3A_161] : memref<12800000xi32, #tpu.memory_space<hbm>> -> memref<2048xi32, #tpu.memory_space<hbm>>
          tpu.wait_dma2 semaphore(%arg40 : memref<!tpu.dma_semaphore, #tpu.memory_space<semaphore_mem>>) src(%dma_wait3A_162 : memref<2048xi32, #tpu.memory_space<hbm>>) dst(%dma_wait3A_160 : memref<2048xi32, #tpu.memory_space<vmem>>)
          %dma_wait3A_163 = arith.constant 2048 : i32
          %dma_wait3A_164 = tpu.memref_slice %arg20[%dma_wait3A_163] : memref<4096xi32, #tpu.memory_space<vmem>> -> memref<2048xi32, #tpu.memory_space<vmem>>
          %dma_wait3A_165 = arith.constant 0 : i32
          %dma_wait3A_166 = tpu.memref_slice %arg2[%dma_wait3A_165] : memref<12800000xi32, #tpu.memory_space<hbm>> -> memref<2048xi32, #tpu.memory_space<hbm>>
          %dma_wait3A_167 = arith.constant 2048 : i32
          %dma_wait3A_168 = tpu.memref_slice %arg20[%dma_wait3A_167] : memref<4096xi32, #tpu.memory_space<vmem>> -> memref<2048xi32, #tpu.memory_space<vmem>>
          %dma_wait3A_169 = arith.constant 0 : i32
          %dma_wait3A_170 = tpu.memref_slice %arg2[%dma_wait3A_169] : memref<12800000xi32, #tpu.memory_space<hbm>> -> memref<2048xi32, #tpu.memory_space<hbm>>
          tpu.wait_dma2 semaphore(%arg40 : memref<!tpu.dma_semaphore, #tpu.memory_space<semaphore_mem>>) src(%dma_wait3A_170 : memref<2048xi32, #tpu.memory_space<hbm>>) dst(%dma_wait3A_168 : memref<2048xi32, #tpu.memory_space<vmem>>)
          %dma_start3A_171 = arith.constant 0 : i32
          %dma_start3A_172 = tpu.memref_slice %arg32[%dma_start3A_171] : memref<100352xf32, #tpu.memory_space<vmem_shared>> -> memref<100352xf32, #tpu.memory_space<vmem_shared>>
          tpu.enqueue_indirect_dma source(%dma_start3A_172 : memref<100352xf32, #tpu.memory_space<vmem_shared>>) target(%arg24 : memref<4096xf32, #tpu.memory_space<vmem>>) offsets(%arg20 : memref<4096xi32, #tpu.memory_space<vmem>>) semaphore(%arg36 : memref<!tpu.dma_semaphore, #tpu.memory_space<semaphore_mem>>)
          %dma_start3A_173 = arith.constant 0 : i32
          %dma_start3A_174 = tpu.memref_slice %arg33[%dma_start3A_173] : memref<100352xf32, #tpu.memory_space<vmem_shared>> -> memref<100352xf32, #tpu.memory_space<vmem_shared>>
          tpu.enqueue_indirect_dma source(%dma_start3A_174 : memref<100352xf32, #tpu.memory_space<vmem_shared>>) target(%arg25 : memref<4096xf32, #tpu.memory_space<vmem>>) offsets(%arg20 : memref<4096xi32, #tpu.memory_space<vmem>>) semaphore(%arg36 : memref<!tpu.dma_semaphore, #tpu.memory_space<semaphore_mem>>)
          %dma_start3A_175 = arith.constant 0 : i32
          %dma_start3A_176 = tpu.memref_slice %arg34[%dma_start3A_175] : memref<100352xf32, #tpu.memory_space<vmem_shared>> -> memref<100352xf32, #tpu.memory_space<vmem_shared>>
          tpu.enqueue_indirect_dma source(%dma_start3A_176 : memref<100352xf32, #tpu.memory_space<vmem_shared>>) target(%arg26 : memref<4096xf32, #tpu.memory_space<vmem>>) offsets(%arg20 : memref<4096xi32, #tpu.memory_space<vmem>>) semaphore(%arg36 : memref<!tpu.dma_semaphore, #tpu.memory_space<semaphore_mem>>)
        } else {
        }
        %dma_wait3A = arith.constant 0 : i32
        %dma_wait3A_105 = tpu.memref_slice %arg32[%dma_wait3A] : memref<100352xf32, #tpu.memory_space<vmem_shared>> -> memref<100352xf32, #tpu.memory_space<vmem_shared>>
        tpu.wait_indirect_dma semaphore(%arg35 : memref<!tpu.dma_semaphore, #tpu.memory_space<semaphore_mem>>) src(%dma_wait3A_105 : memref<100352xf32, #tpu.memory_space<vmem_shared>>) dst(%arg14 : memref<4096xf32, #tpu.memory_space<vmem>>)
        %dma_wait3A_106 = arith.constant 0 : i32
        %dma_wait3A_107 = tpu.memref_slice %arg33[%dma_wait3A_106] : memref<100352xf32, #tpu.memory_space<vmem_shared>> -> memref<100352xf32, #tpu.memory_space<vmem_shared>>
        tpu.wait_indirect_dma semaphore(%arg35 : memref<!tpu.dma_semaphore, #tpu.memory_space<semaphore_mem>>) src(%dma_wait3A_107 : memref<100352xf32, #tpu.memory_space<vmem_shared>>) dst(%arg15 : memref<4096xf32, #tpu.memory_space<vmem>>)
        %dma_wait3A_108 = arith.constant 0 : i32
        %dma_wait3A_109 = tpu.memref_slice %arg34[%dma_wait3A_108] : memref<100352xf32, #tpu.memory_space<vmem_shared>> -> memref<100352xf32, #tpu.memory_space<vmem_shared>>
        tpu.wait_indirect_dma semaphore(%arg35 : memref<!tpu.dma_semaphore, #tpu.memory_space<semaphore_mem>>) src(%dma_wait3A_109 : memref<100352xf32, #tpu.memory_space<vmem_shared>>) dst(%arg16 : memref<4096xf32, #tpu.memory_space<vmem>>)
        %get3A_110 = arith.constant 32 : index
        %get3A_111 = tpu.vector_load %arg30[%get3A_110] {strides = array<i32>} : memref<48xf32, #tpu.memory_space<vmem>>, vector<16xf32>,
        %get3A_112 = vector.shape_cast %get3A_111 : vector<16xf32> to vector<16xf32>
        %scan3A = arith.constant 0 : i32
        %scan3A_113 = arith.constant 128 : i32
        %scan3A_114 = arith.addi %scan3A, %scan3A_113 : i32
        %scan3A_115 = arith.constant 1 : i32
        %scan3A_116 = scf.for %scan3A_132 = %scan3A to %scan3A_114 step %scan3A_115 iter_args(%scan3A_133 = %get3A_112) -> (vector<16xf32>)  : i32 {
          %mul3A_134 = arith.constant 16 : i32
          %mul3A_135 = arith.muli %scan3A_132, %mul3A_134 : i32
          %mul3A_136 = arith.constant 16 : i32
          %mul3A_137 = arith.muli %scan3A_132, %mul3A_136 : i32
          %add3A_138 = arith.constant 2048 : i32
          %add3A_139 = arith.addi %add3A_138, %mul3A_137 : i32
          %get3A_140 = arith.index_cast %mul3A_135 : i32 to index
          %get3A_141 = tpu.vector_load %arg10[%get3A_140] {strides = array<i32>} : memref<4096xi32, #tpu.memory_space<vmem>>, vector<16xi32>,
          %get3A_142 = vector.shape_cast %get3A_141 : vector<16xi32> to vector<16xi32>
          %mul3A_143 = arith.constant 3 : i32
          %mul3A_144 = vector.broadcast %mul3A_143 : i32 to vector<16xi32>
          %mul3A_145 = arith.muli %get3A_142, %mul3A_144 : vector<16xi32>
          %swap3A_146 = arith.index_cast %mul3A_135 : i32 to index
          %swap3A_147 = tpu.vector_load %arg11[%swap3A_146] {strides = array<i32>} : memref<4096xi32, #tpu.memory_space<vmem>>, vector<16xi32>,
          %swap3A_148 = vector.shape_cast %swap3A_147 : vector<16xi32> to vector<16xi32>
          %swap3A_149 = vector.shape_cast %mul3A_145 : vector<16xi32> to vector<16xi32>
          tpu.vector_store %arg11[%swap3A_146], %swap3A_149 {strides = array<i32>} : memref<4096xi32, #tpu.memory_space<vmem>>, vector<16xi32>,
          %add3A_150 = arith.constant 1 : i32
          %add3A_151 = vector.broadcast %add3A_150 : i32 to vector<16xi32>
          %add3A_152 = arith.addi %mul3A_145, %add3A_151 : vector<16xi32>
          %swap3A_153 = arith.index_cast %mul3A_135 : i32 to index
          %swap3A_154 = tpu.vector_load %arg12[%swap3A_153] {strides = array<i32>} : memref<4096xi32, #tpu.memory_space<vmem>>, vector<16xi32>,
          %swap3A_155 = vector.shape_cast %swap3A_154 : vector<16xi32> to vector<16xi32>
          %swap3A_156 = vector.shape_cast %add3A_152 : vector<16xi32> to vector<16xi32>
          tpu.vector_store %arg12[%swap3A_153], %swap3A_156 {strides = array<i32>} : memref<4096xi32, #tpu.memory_space<vmem>>, vector<16xi32>,
          %add3A_157 = arith.constant 2 : i32
          %add3A_158 = vector.broadcast %add3A_157 : i32 to vector<16xi32>
          %add3A_159 = arith.addi %mul3A_145, %add3A_158 : vector<16xi32>
          %swap3A_160 = arith.index_cast %mul3A_135 : i32 to index
          %swap3A_161 = tpu.vector_load %arg13[%swap3A_160] {strides = array<i32>} : memref<4096xi32, #tpu.memory_space<vmem>>, vector<16xi32>,
          %swap3A_162 = vector.shape_cast %swap3A_161 : vector<16xi32> to vector<16xi32>
          %swap3A_163 = vector.shape_cast %add3A_159 : vector<16xi32> to vector<16xi32>
          tpu.vector_store %arg13[%swap3A_160], %swap3A_163 {strides = array<i32>} : memref<4096xi32, #tpu.memory_space<vmem>>, vector<16xi32>,
          %get3A_164 = arith.index_cast %add3A_139 : i32 to index
          %get3A_165 = tpu.vector_load %arg10[%get3A_164] {strides = array<i32>} : memref<4096xi32, #tpu.memory_space<vmem>>, vector<16xi32>,
          %get3A_166 = vector.shape_cast %get3A_165 : vector<16xi32> to vector<16xi32>
          %mul3A_167 = arith.constant 3 : i32
          %mul3A_168 = vector.broadcast %mul3A_167 : i32 to vector<16xi32>
          %mul3A_169 = arith.muli %get3A_166, %mul3A_168 : vector<16xi32>
          %swap3A_170 = arith.index_cast %add3A_139 : i32 to index
          %swap3A_171 = tpu.vector_load %arg11[%swap3A_170] {strides = array<i32>} : memref<4096xi32, #tpu.memory_space<vmem>>, vector<16xi32>,
          %swap3A_172 = vector.shape_cast %swap3A_171 : vector<16xi32> to vector<16xi32>
          %swap3A_173 = vector.shape_cast %mul3A_169 : vector<16xi32> to vector<16xi32>
          tpu.vector_store %arg11[%swap3A_170], %swap3A_173 {strides = array<i32>} : memref<4096xi32, #tpu.memory_space<vmem>>, vector<16xi32>,
          %add3A_174 = arith.constant 1 : i32
          %add3A_175 = vector.broadcast %add3A_174 : i32 to vector<16xi32>
          %add3A_176 = arith.addi %mul3A_169, %add3A_175 : vector<16xi32>
          %swap3A_177 = arith.index_cast %add3A_139 : i32 to index
          %swap3A_178 = tpu.vector_load %arg12[%swap3A_177] {strides = array<i32>} : memref<4096xi32, #tpu.memory_space<vmem>>, vector<16xi32>,
          %swap3A_179 = vector.shape_cast %swap3A_178 : vector<16xi32> to vector<16xi32>
          %swap3A_180 = vector.shape_cast %add3A_176 : vector<16xi32> to vector<16xi32>
          tpu.vector_store %arg12[%swap3A_177], %swap3A_180 {strides = array<i32>} : memref<4096xi32, #tpu.memory_space<vmem>>, vector<16xi32>,
          %add3A_181 = arith.constant 2 : i32
          %add3A_182 = vector.broadcast %add3A_181 : i32 to vector<16xi32>
          %add3A_183 = arith.addi %mul3A_169, %add3A_182 : vector<16xi32>
          %swap3A_184 = arith.index_cast %add3A_139 : i32 to index
          %swap3A_185 = tpu.vector_load %arg13[%swap3A_184] {strides = array<i32>} : memref<4096xi32, #tpu.memory_space<vmem>>, vector<16xi32>,
          %swap3A_186 = vector.shape_cast %swap3A_185 : vector<16xi32> to vector<16xi32>
          %swap3A_187 = vector.shape_cast %add3A_183 : vector<16xi32> to vector<16xi32>
          tpu.vector_store %arg13[%swap3A_184], %swap3A_187 {strides = array<i32>} : memref<4096xi32, #tpu.memory_space<vmem>>, vector<16xi32>,
          %get3A_188 = arith.index_cast %mul3A_135 : i32 to index
          %get3A_189 = tpu.vector_load %arg14[%get3A_188] {strides = array<i32>} : memref<4096xf32, #tpu.memory_space<vmem>>, vector<16xf32>,
          %get3A_190 = vector.shape_cast %get3A_189 : vector<16xf32> to vector<16xf32>
          %get3A_191 = arith.index_cast %add3A_139 : i32 to index
          %get3A_192 = tpu.vector_load %arg14[%get3A_191] {strides = array<i32>} : memref<4096xf32, #tpu.memory_space<vmem>>, vector<16xf32>,
          %get3A_193 = vector.shape_cast %get3A_192 : vector<16xf32> to vector<16xf32>
          %sub3A_194 = arith.subf %get3A_190, %get3A_193 : vector<16xf32>
          %get3A_195 = arith.index_cast %mul3A_135 : i32 to index
          %get3A_196 = tpu.vector_load %arg15[%get3A_195] {strides = array<i32>} : memref<4096xf32, #tpu.memory_space<vmem>>, vector<16xf32>,
          %get3A_197 = vector.shape_cast %get3A_196 : vector<16xf32> to vector<16xf32>
          %get3A_198 = arith.index_cast %add3A_139 : i32 to index
          %get3A_199 = tpu.vector_load %arg15[%get3A_198] {strides = array<i32>} : memref<4096xf32, #tpu.memory_space<vmem>>, vector<16xf32>,
          %get3A_200 = vector.shape_cast %get3A_199 : vector<16xf32> to vector<16xf32>
          %sub3A_201 = arith.subf %get3A_197, %get3A_200 : vector<16xf32>
          %get3A_202 = arith.index_cast %mul3A_135 : i32 to index
          %get3A_203 = tpu.vector_load %arg16[%get3A_202] {strides = array<i32>} : memref<4096xf32, #tpu.memory_space<vmem>>, vector<16xf32>,
          %get3A_204 = vector.shape_cast %get3A_203 : vector<16xf32> to vector<16xf32>
          %get3A_205 = arith.index_cast %add3A_139 : i32 to index
          %get3A_206 = tpu.vector_load %arg16[%get3A_205] {strides = array<i32>} : memref<4096xf32, #tpu.memory_space<vmem>>, vector<16xf32>,
          %get3A_207 = vector.shape_cast %get3A_206 : vector<16xf32> to vector<16xf32>
          %sub3A_208 = arith.subf %get3A_204, %get3A_207 : vector<16xf32>
          %mul3A_209 = arith.mulf %sub3A_194, %sub3A_194 : vector<16xf32>
          %mul3A_210 = arith.mulf %sub3A_201, %sub3A_201 : vector<16xf32>
          %add3A_211 = arith.addf %mul3A_209, %mul3A_210 : vector<16xf32>
          %mul3A_212 = arith.mulf %sub3A_208, %sub3A_208 : vector<16xf32>
          %add3A_213 = arith.addf %add3A_211, %mul3A_212 : vector<16xf32>
          %add3A_214 = arith.constant 9.99999996E-13 : f32
          %add3A_215 = vector.broadcast %add3A_214 : f32 to vector<16xf32>
          %add3A_216 = arith.addf %add3A_213, %add3A_215 : vector<16xf32>
          %bitcast_convert_type3A = tpu.bitcast %add3A_216 : vector<16xf32> -> vector<16xi32>
          %shift_right_arithmetic3A = arith.constant 1 : i32
          %shift_right_arithmetic3A_217 = vector.broadcast %shift_right_arithmetic3A : i32 to vector<16xi32>
          %shift_right_arithmetic3A_218 = arith.shrsi %bitcast_convert_type3A, %shift_right_arithmetic3A_217 : vector<16xi32>
          %sub3A_219 = arith.constant 1597463007 : i32
          %sub3A_220 = vector.broadcast %sub3A_219 : i32 to vector<16xi32>
          %sub3A_221 = arith.subi %sub3A_220, %shift_right_arithmetic3A_218 : vector<16xi32>
          %bitcast_convert_type3A_222 = tpu.bitcast %sub3A_221 : vector<16xi32> -> vector<16xf32>
          %mul3A_223 = arith.constant 5.000000e-01 : f32
          %mul3A_224 = vector.broadcast %mul3A_223 : f32 to vector<16xf32>
          %mul3A_225 = arith.mulf %mul3A_224, %add3A_216 : vector<16xf32>
          %mul3A_226 = arith.mulf %mul3A_225, %bitcast_convert_type3A_222 : vector<16xf32>
          %mul3A_227 = arith.mulf %mul3A_226, %bitcast_convert_type3A_222 : vector<16xf32>
          %sub3A_228 = arith.constant 1.500000e+00 : f32
          %sub3A_229 = vector.broadcast %sub3A_228 : f32 to vector<16xf32>
          %sub3A_230 = arith.subf %sub3A_229, %mul3A_227 : vector<16xf32>
          %mul3A_231 = arith.mulf %bitcast_convert_type3A_222, %sub3A_230 : vector<16xf32>
          %mul3A_232 = arith.constant 5.000000e-01 : f32
          %mul3A_233 = vector.broadcast %mul3A_232 : f32 to vector<16xf32>
          %mul3A_234 = arith.mulf %mul3A_233, %add3A_216 : vector<16xf32>
          %mul3A_235 = arith.mulf %mul3A_234, %mul3A_231 : vector<16xf32>
          %mul3A_236 = arith.mulf %mul3A_235, %mul3A_231 : vector<16xf32>
          %sub3A_237 = arith.constant 1.500000e+00 : f32
          %sub3A_238 = vector.broadcast %sub3A_237 : f32 to vector<16xf32>
          %sub3A_239 = arith.subf %sub3A_238, %mul3A_236 : vector<16xf32>
          %mul3A_240 = arith.mulf %mul3A_231, %sub3A_239 : vector<16xf32>
          %mul3A_241 = arith.constant 5.000000e-01 : f32
          %mul3A_242 = vector.broadcast %mul3A_241 : f32 to vector<16xf32>
          %mul3A_243 = arith.mulf %mul3A_242, %add3A_216 : vector<16xf32>
          %mul3A_244 = arith.mulf %mul3A_243, %mul3A_240 : vector<16xf32>
          %mul3A_245 = arith.mulf %mul3A_244, %mul3A_240 : vector<16xf32>
          %sub3A_246 = arith.constant 1.500000e+00 : f32
          %sub3A_247 = vector.broadcast %sub3A_246 : f32 to vector<16xf32>
          %sub3A_248 = arith.subf %sub3A_247, %mul3A_245 : vector<16xf32>
          %mul3A_249 = arith.mulf %mul3A_240, %sub3A_248 : vector<16xf32>
          %mul3A_250 = arith.mulf %add3A_216, %mul3A_249 : vector<16xf32>
          %add3A_251 = arith.constant 1.000000e+00 : f32
          %add3A_252 = vector.broadcast %add3A_251 : f32 to vector<16xf32>
          %add3A_253 = arith.addf %mul3A_250, %add3A_252 : vector<16xf32>
          %div3A_254 = arith.constant 1.000000e+00 : f32
          %div3A_255 = vector.broadcast %div3A_254 : f32 to vector<16xf32>
          %div3A_256 = arith.divf %div3A_255, %add3A_253 : vector<16xf32>
          %mul3A_257 = arith.mulf %get3A_15, %div3A_256 : vector<16xf32>
          %mul3A_258 = arith.mulf %mul3A_257, %mul3A_257 : vector<16xf32>
          %mul3A_259 = arith.mulf %mul3A_258, %mul3A_258 : vector<16xf32>
          %mul3A_260 = arith.mulf %mul3A_259, %mul3A_258 : vector<16xf32>
          %mul3A_261 = arith.mulf %mul3A_260, %mul3A_260 : vector<16xf32>
          %sub3A_262 = arith.subf %mul3A_261, %mul3A_260 : vector<16xf32>
          %mul3A_263 = arith.mulf %get3A_12, %sub3A_262 : vector<16xf32>
          %add3A_264 = arith.addf %scan3A_133, %mul3A_263 : vector<16xf32>
          %mul3A_265 = arith.constant 6.000000e+00 : f32
          %mul3A_266 = vector.broadcast %mul3A_265 : f32 to vector<16xf32>
          %mul3A_267 = arith.mulf %mul3A_266, %mul3A_260 : vector<16xf32>
          %mul3A_268 = arith.constant 1.200000e+01 : f32
          %mul3A_269 = vector.broadcast %mul3A_268 : f32 to vector<16xf32>
          %mul3A_270 = arith.mulf %mul3A_269, %mul3A_261 : vector<16xf32>
          %sub3A_271 = arith.subf %mul3A_267, %mul3A_270 : vector<16xf32>
          %mul3A_272 = arith.mulf %get3A_12, %sub3A_271 : vector<16xf32>
          %mul3A_273 = arith.mulf %mul3A_272, %div3A_256 : vector<16xf32>
          %mul3A_274 = arith.constant -5.000000e-01 : f32
          %mul3A_275 = vector.broadcast %mul3A_274 : f32 to vector<16xf32>
          %mul3A_276 = arith.mulf %mul3A_275, %mul3A_273 : vector<16xf32>
          %mul3A_277 = arith.mulf %mul3A_276, %mul3A_249 : vector<16xf32>
          %mul3A_278 = arith.mulf %mul3A_277, %sub3A_194 : vector<16xf32>
          %mul3A_279 = arith.mulf %mul3A_277, %sub3A_201 : vector<16xf32>
          %mul3A_280 = arith.mulf %mul3A_277, %sub3A_208 : vector<16xf32>
          %swap3A_281 = arith.index_cast %mul3A_135 : i32 to index
          %swap3A_282 = tpu.vector_load %arg17[%swap3A_281] {strides = array<i32>} : memref<4096xf32, #tpu.memory_space<vmem>>, vector<16xf32>,
          %swap3A_283 = vector.shape_cast %swap3A_282 : vector<16xf32> to vector<16xf32>
          %swap3A_284 = vector.shape_cast %mul3A_278 : vector<16xf32> to vector<16xf32>
          tpu.vector_store %arg17[%swap3A_281], %swap3A_284 {strides = array<i32>} : memref<4096xf32, #tpu.memory_space<vmem>>, vector<16xf32>,
          %swap3A_285 = arith.index_cast %mul3A_135 : i32 to index
          %swap3A_286 = tpu.vector_load %arg18[%swap3A_285] {strides = array<i32>} : memref<4096xf32, #tpu.memory_space<vmem>>, vector<16xf32>,
          %swap3A_287 = vector.shape_cast %swap3A_286 : vector<16xf32> to vector<16xf32>
          %swap3A_288 = vector.shape_cast %mul3A_279 : vector<16xf32> to vector<16xf32>
          tpu.vector_store %arg18[%swap3A_285], %swap3A_288 {strides = array<i32>} : memref<4096xf32, #tpu.memory_space<vmem>>, vector<16xf32>,
          %swap3A_289 = arith.index_cast %mul3A_135 : i32 to index
          %swap3A_290 = tpu.vector_load %arg19[%swap3A_289] {strides = array<i32>} : memref<4096xf32, #tpu.memory_space<vmem>>, vector<16xf32>,
          %swap3A_291 = vector.shape_cast %swap3A_290 : vector<16xf32> to vector<16xf32>
          %swap3A_292 = vector.shape_cast %mul3A_280 : vector<16xf32> to vector<16xf32>
          tpu.vector_store %arg19[%swap3A_289], %swap3A_292 {strides = array<i32>} : memref<4096xf32, #tpu.memory_space<vmem>>, vector<16xf32>,
          %neg3A = arith.constant 0.000000e+00 : f32
          %neg3A_293 = vector.broadcast %neg3A : f32 to vector<16xf32>
          %neg3A_294 = arith.subf %neg3A_293, %mul3A_278 : vector<16xf32>
          %swap3A_295 = arith.index_cast %add3A_139 : i32 to index
          %swap3A_296 = tpu.vector_load %arg17[%swap3A_295] {strides = array<i32>} : memref<4096xf32, #tpu.memory_space<vmem>>, vector<16xf32>,
          %swap3A_297 = vector.shape_cast %swap3A_296 : vector<16xf32> to vector<16xf32>
          %swap3A_298 = vector.shape_cast %neg3A_294 : vector<16xf32> to vector<16xf32>
          tpu.vector_store %arg17[%swap3A_295], %swap3A_298 {strides = array<i32>} : memref<4096xf32, #tpu.memory_space<vmem>>, vector<16xf32>,
          %neg3A_299 = arith.constant 0.000000e+00 : f32
          %neg3A_300 = vector.broadcast %neg3A_299 : f32 to vector<16xf32>
          %neg3A_301 = arith.subf %neg3A_300, %mul3A_279 : vector<16xf32>
          %swap3A_302 = arith.index_cast %add3A_139 : i32 to index
          %swap3A_303 = tpu.vector_load %arg18[%swap3A_302] {strides = array<i32>} : memref<4096xf32, #tpu.memory_space<vmem>>, vector<16xf32>,
          %swap3A_304 = vector.shape_cast %swap3A_303 : vector<16xf32> to vector<16xf32>
          %swap3A_305 = vector.shape_cast %neg3A_301 : vector<16xf32> to vector<16xf32>
          tpu.vector_store %arg18[%swap3A_302], %swap3A_305 {strides = array<i32>} : memref<4096xf32, #tpu.memory_space<vmem>>, vector<16xf32>,
          %neg3A_306 = arith.constant 0.000000e+00 : f32
          %neg3A_307 = vector.broadcast %neg3A_306 : f32 to vector<16xf32>
          %neg3A_308 = arith.subf %neg3A_307, %mul3A_280 : vector<16xf32>
          %swap3A_309 = arith.index_cast %add3A_139 : i32 to index
          %swap3A_310 = tpu.vector_load %arg19[%swap3A_309] {strides = array<i32>} : memref<4096xf32, #tpu.memory_space<vmem>>, vector<16xf32>,
          %swap3A_311 = vector.shape_cast %swap3A_310 : vector<16xf32> to vector<16xf32>
          %swap3A_312 = vector.shape_cast %neg3A_308 : vector<16xf32> to vector<16xf32>
          tpu.vector_store %arg19[%swap3A_309], %swap3A_312 {strides = array<i32>} : memref<4096xf32, #tpu.memory_space<vmem>>, vector<16xf32>,
          scf.yield %add3A_264 : vector<16xf32>
        }
        %scan3A_117 = arith.constant 128 : i32
        %swap3A_118 = arith.constant 32 : index
        %swap3A_119 = tpu.vector_load %arg30[%swap3A_118] {strides = array<i32>} : memref<48xf32, #tpu.memory_space<vmem>>, vector<16xf32>,
        %swap3A_120 = vector.shape_cast %swap3A_119 : vector<16xf32> to vector<16xf32>
        %swap3A_121 = vector.shape_cast %scan3A_116 : vector<16xf32> to vector<16xf32>
        tpu.vector_store %arg30[%swap3A_118], %swap3A_121 {strides = array<i32>} : memref<48xf32, #tpu.memory_space<vmem>>, vector<16xf32>,
        %ge3A = arith.constant 1 : i32
        %ge3A_122 = arith.cmpi sge, %while3A_85, %ge3A : i32
        %convert_element_type3A_123 = arith.extui %ge3A_122 : i1 to i32
        %cond3A_124 = arith.constant 0 : i32
        %cond3A_125 = arith.cmpi ne, %convert_element_type3A_123, %cond3A_124 : i32
        scf.if %cond3A_125 {
          %dma_wait3A_132 = arith.constant 0 : i32
          %dma_wait3A_133 = tpu.memref_slice %arg31[%dma_wait3A_132] : memref<301056xf32, #tpu.memory_space<vmem_shared>> -> memref<301056xf32, #tpu.memory_space<vmem_shared>>
          tpu.wait_indirect_dma semaphore(%arg38 : memref<!tpu.dma_semaphore, #tpu.memory_space<semaphore_mem>>) src(%arg27 : memref<4096xf32, #tpu.memory_space<vmem>>) dst(%dma_wait3A_133 : memref<301056xf32, #tpu.memory_space<vmem_shared>>)
          %dma_wait3A_134 = arith.constant 0 : i32
          %dma_wait3A_135 = tpu.memref_slice %arg31[%dma_wait3A_134] : memref<301056xf32, #tpu.memory_space<vmem_shared>> -> memref<301056xf32, #tpu.memory_space<vmem_shared>>
          tpu.wait_indirect_dma semaphore(%arg38 : memref<!tpu.dma_semaphore, #tpu.memory_space<semaphore_mem>>) src(%arg28 : memref<4096xf32, #tpu.memory_space<vmem>>) dst(%dma_wait3A_135 : memref<301056xf32, #tpu.memory_space<vmem_shared>>)
          %dma_wait3A_136 = arith.constant 0 : i32
          %dma_wait3A_137 = tpu.memref_slice %arg31[%dma_wait3A_136] : memref<301056xf32, #tpu.memory_space<vmem_shared>> -> memref<301056xf32, #tpu.memory_space<vmem_shared>>
          tpu.wait_indirect_dma semaphore(%arg38 : memref<!tpu.dma_semaphore, #tpu.memory_space<semaphore_mem>>) src(%arg29 : memref<4096xf32, #tpu.memory_space<vmem>>) dst(%dma_wait3A_137 : memref<301056xf32, #tpu.memory_space<vmem_shared>>)
        } else {
        }
        %dma_start3A_126 = arith.constant 0 : i32
        %dma_start3A_127 = tpu.memref_slice %arg31[%dma_start3A_126] : memref<301056xf32, #tpu.memory_space<vmem_shared>> -> memref<301056xf32, #tpu.memory_space<vmem_shared>>
        tpu.enqueue_indirect_dma source(%arg17 : memref<4096xf32, #tpu.memory_space<vmem>>) target(%dma_start3A_127 : memref<301056xf32, #tpu.memory_space<vmem_shared>>) offsets(%arg11 : memref<4096xi32, #tpu.memory_space<vmem>>) semaphore(%arg37 : memref<!tpu.dma_semaphore, #tpu.memory_space<semaphore_mem>>) {add = true}
        %dma_start3A_128 = arith.constant 0 : i32
        %dma_start3A_129 = tpu.memref_slice %arg31[%dma_start3A_128] : memref<301056xf32, #tpu.memory_space<vmem_shared>> -> memref<301056xf32, #tpu.memory_space<vmem_shared>>
        tpu.enqueue_indirect_dma source(%arg18 : memref<4096xf32, #tpu.memory_space<vmem>>) target(%dma_start3A_129 : memref<301056xf32, #tpu.memory_space<vmem_shared>>) offsets(%arg12 : memref<4096xi32, #tpu.memory_space<vmem>>) semaphore(%arg37 : memref<!tpu.dma_semaphore, #tpu.memory_space<semaphore_mem>>) {add = true}
        %dma_start3A_130 = arith.constant 0 : i32
        %dma_start3A_131 = tpu.memref_slice %arg31[%dma_start3A_130] : memref<301056xf32, #tpu.memory_space<vmem_shared>> -> memref<301056xf32, #tpu.memory_space<vmem_shared>>
        tpu.enqueue_indirect_dma source(%arg19 : memref<4096xf32, #tpu.memory_space<vmem>>) target(%dma_start3A_131 : memref<301056xf32, #tpu.memory_space<vmem_shared>>) offsets(%arg13 : memref<4096xi32, #tpu.memory_space<vmem>>) semaphore(%arg37 : memref<!tpu.dma_semaphore, #tpu.memory_space<semaphore_mem>>) {add = true}
      } else {
      }
      %and3A_93 = arith.constant 1 : i32
      %and3A_94 = arith.andi %while3A_85, %and3A_93 : i32
      %eq3A_95 = arith.constant 1 : i32
      %eq3A_96 = arith.cmpi eq, %and3A_94, %eq3A_95 : i32
      %convert_element_type3A_97 = arith.extui %eq3A_96 : i1 to i32
      %cond3A_98 = arith.constant 0 : i32
      %cond3A_99 = arith.cmpi ne, %convert_element_type3A_97, %cond3A_98 : i32
      scf.if %cond3A_99 {
        %add3A_100 = arith.constant 1 : i32
        %add3A_101 = arith.addi %while3A_85, %add3A_100 : i32
        %lt3A = arith.cmpi slt, %add3A_101, %select_n3A : i32
        %convert_element_type3A_102 = arith.extui %lt3A : i1 to i32
        %cond3A_103 = arith.constant 0 : i32
        %cond3A_104 = arith.cmpi ne, %convert_element_type3A_102, %cond3A_103 : i32
        scf.if %cond3A_104 {
          %add3A_132 = arith.constant 1 : i32
          %add3A_133 = arith.addi %while3A_85, %add3A_132 : i32
          %mul3A_134 = arith.constant 32 : i32
          %mul3A_135 = arith.muli %add3A_133, %mul3A_134 : i32
          %add3A_136 = arith.addi %add3A, %mul3A_135 : i32
          %mul3A_137 = arith.constant 2048 : i32
          %mul3A_138 = arith.muli %add3A_136, %mul3A_137 : i32
          %dma_start3A_139 = arith.constant 0 : i32
          %dma_start3A_140 = tpu.memref_slice %arg10[%dma_start3A_139] : memref<4096xi32, #tpu.memory_space<vmem>> -> memref<2048xi32, #tpu.memory_space<vmem>>
          %dma_start3A_141 = tpu.memref_slice %arg2[%mul3A_138] : memref<12800000xi32, #tpu.memory_space<hbm>> -> memref<2048xi32, #tpu.memory_space<hbm>>
          %dma_start3A_142 = arith.constant 0 : i32
          %dma_start3A_143 = tpu.memref_slice %arg10[%dma_start3A_142] : memref<4096xi32, #tpu.memory_space<vmem>> -> memref<2048xi32, #tpu.memory_space<vmem>>
          %dma_start3A_144 = tpu.memref_slice %arg2[%mul3A_138] : memref<12800000xi32, #tpu.memory_space<hbm>> -> memref<2048xi32, #tpu.memory_space<hbm>>
          tpu.enqueue_dma source(%dma_start3A_144 : memref<2048xi32, #tpu.memory_space<hbm>>) target(%dma_start3A_143 : memref<2048xi32, #tpu.memory_space<vmem>>) target_semaphore(%arg39 : memref<!tpu.dma_semaphore, #tpu.memory_space<semaphore_mem>>)
          %mul3A_145 = arith.constant 2048 : i32
          %mul3A_146 = arith.muli %add3A_136, %mul3A_145 : i32
          %add3A_147 = arith.constant 6400000 : i32
          %add3A_148 = arith.addi %add3A_147, %mul3A_146 : i32
          %dma_start3A_149 = arith.constant 2048 : i32
          %dma_start3A_150 = tpu.memref_slice %arg10[%dma_start3A_149] : memref<4096xi32, #tpu.memory_space<vmem>> -> memref<2048xi32, #tpu.memory_space<vmem>>
          %dma_start3A_151 = tpu.memref_slice %arg2[%add3A_148] : memref<12800000xi32, #tpu.memory_space<hbm>> -> memref<2048xi32, #tpu.memory_space<hbm>>
          %dma_start3A_152 = arith.constant 2048 : i32
          %dma_start3A_153 = tpu.memref_slice %arg10[%dma_start3A_152] : memref<4096xi32, #tpu.memory_space<vmem>> -> memref<2048xi32, #tpu.memory_space<vmem>>
          %dma_start3A_154 = tpu.memref_slice %arg2[%add3A_148] : memref<12800000xi32, #tpu.memory_space<hbm>> -> memref<2048xi32, #tpu.memory_space<hbm>>
          tpu.enqueue_dma source(%dma_start3A_154 : memref<2048xi32, #tpu.memory_space<hbm>>) target(%dma_start3A_153 : memref<2048xi32, #tpu.memory_space<vmem>>) target_semaphore(%arg39 : memref<!tpu.dma_semaphore, #tpu.memory_space<semaphore_mem>>)
          %dma_wait3A_155 = arith.constant 0 : i32
          %dma_wait3A_156 = tpu.memref_slice %arg10[%dma_wait3A_155] : memref<4096xi32, #tpu.memory_space<vmem>> -> memref<2048xi32, #tpu.memory_space<vmem>>
          %dma_wait3A_157 = arith.constant 0 : i32
          %dma_wait3A_158 = tpu.memref_slice %arg2[%dma_wait3A_157] : memref<12800000xi32, #tpu.memory_space<hbm>> -> memref<2048xi32, #tpu.memory_space<hbm>>
          %dma_wait3A_159 = arith.constant 0 : i32
          %dma_wait3A_160 = tpu.memref_slice %arg10[%dma_wait3A_159] : memref<4096xi32, #tpu.memory_space<vmem>> -> memref<2048xi32, #tpu.memory_space<vmem>>
          %dma_wait3A_161 = arith.constant 0 : i32
          %dma_wait3A_162 = tpu.memref_slice %arg2[%dma_wait3A_161] : memref<12800000xi32, #tpu.memory_space<hbm>> -> memref<2048xi32, #tpu.memory_space<hbm>>
          tpu.wait_dma2 semaphore(%arg39 : memref<!tpu.dma_semaphore, #tpu.memory_space<semaphore_mem>>) src(%dma_wait3A_162 : memref<2048xi32, #tpu.memory_space<hbm>>) dst(%dma_wait3A_160 : memref<2048xi32, #tpu.memory_space<vmem>>)
          %dma_wait3A_163 = arith.constant 2048 : i32
          %dma_wait3A_164 = tpu.memref_slice %arg10[%dma_wait3A_163] : memref<4096xi32, #tpu.memory_space<vmem>> -> memref<2048xi32, #tpu.memory_space<vmem>>
          %dma_wait3A_165 = arith.constant 0 : i32
          %dma_wait3A_166 = tpu.memref_slice %arg2[%dma_wait3A_165] : memref<12800000xi32, #tpu.memory_space<hbm>> -> memref<2048xi32, #tpu.memory_space<hbm>>
          %dma_wait3A_167 = arith.constant 2048 : i32
          %dma_wait3A_168 = tpu.memref_slice %arg10[%dma_wait3A_167] : memref<4096xi32, #tpu.memory_space<vmem>> -> memref<2048xi32, #tpu.memory_space<vmem>>
          %dma_wait3A_169 = arith.constant 0 : i32
          %dma_wait3A_170 = tpu.memref_slice %arg2[%dma_wait3A_169] : memref<12800000xi32, #tpu.memory_space<hbm>> -> memref<2048xi32, #tpu.memory_space<hbm>>
          tpu.wait_dma2 semaphore(%arg39 : memref<!tpu.dma_semaphore, #tpu.memory_space<semaphore_mem>>) src(%dma_wait3A_170 : memref<2048xi32, #tpu.memory_space<hbm>>) dst(%dma_wait3A_168 : memref<2048xi32, #tpu.memory_space<vmem>>)
          %dma_start3A_171 = arith.constant 0 : i32
          %dma_start3A_172 = tpu.memref_slice %arg32[%dma_start3A_171] : memref<100352xf32, #tpu.memory_space<vmem_shared>> -> memref<100352xf32, #tpu.memory_space<vmem_shared>>
          tpu.enqueue_indirect_dma source(%dma_start3A_172 : memref<100352xf32, #tpu.memory_space<vmem_shared>>) target(%arg14 : memref<4096xf32, #tpu.memory_space<vmem>>) offsets(%arg10 : memref<4096xi32, #tpu.memory_space<vmem>>) semaphore(%arg35 : memref<!tpu.dma_semaphore, #tpu.memory_space<semaphore_mem>>)
          %dma_start3A_173 = arith.constant 0 : i32
          %dma_start3A_174 = tpu.memref_slice %arg33[%dma_start3A_173] : memref<100352xf32, #tpu.memory_space<vmem_shared>> -> memref<100352xf32, #tpu.memory_space<vmem_shared>>
          tpu.enqueue_indirect_dma source(%dma_start3A_174 : memref<100352xf32, #tpu.memory_space<vmem_shared>>) target(%arg15 : memref<4096xf32, #tpu.memory_space<vmem>>) offsets(%arg10 : memref<4096xi32, #tpu.memory_space<vmem>>) semaphore(%arg35 : memref<!tpu.dma_semaphore, #tpu.memory_space<semaphore_mem>>)
          %dma_start3A_175 = arith.constant 0 : i32
          %dma_start3A_176 = tpu.memref_slice %arg34[%dma_start3A_175] : memref<100352xf32, #tpu.memory_space<vmem_shared>> -> memref<100352xf32, #tpu.memory_space<vmem_shared>>
          tpu.enqueue_indirect_dma source(%dma_start3A_176 : memref<100352xf32, #tpu.memory_space<vmem_shared>>) target(%arg16 : memref<4096xf32, #tpu.memory_space<vmem>>) offsets(%arg10 : memref<4096xi32, #tpu.memory_space<vmem>>) semaphore(%arg35 : memref<!tpu.dma_semaphore, #tpu.memory_space<semaphore_mem>>)
        } else {
        }
        %dma_wait3A = arith.constant 0 : i32
        %dma_wait3A_105 = tpu.memref_slice %arg32[%dma_wait3A] : memref<100352xf32, #tpu.memory_space<vmem_shared>> -> memref<100352xf32, #tpu.memory_space<vmem_shared>>
        tpu.wait_indirect_dma semaphore(%arg36 : memref<!tpu.dma_semaphore, #tpu.memory_space<semaphore_mem>>) src(%dma_wait3A_105 : memref<100352xf32, #tpu.memory_space<vmem_shared>>) dst(%arg24 : memref<4096xf32, #tpu.memory_space<vmem>>)
        %dma_wait3A_106 = arith.constant 0 : i32
        %dma_wait3A_107 = tpu.memref_slice %arg33[%dma_wait3A_106] : memref<100352xf32, #tpu.memory_space<vmem_shared>> -> memref<100352xf32, #tpu.memory_space<vmem_shared>>
        tpu.wait_indirect_dma semaphore(%arg36 : memref<!tpu.dma_semaphore, #tpu.memory_space<semaphore_mem>>) src(%dma_wait3A_107 : memref<100352xf32, #tpu.memory_space<vmem_shared>>) dst(%arg25 : memref<4096xf32, #tpu.memory_space<vmem>>)
        %dma_wait3A_108 = arith.constant 0 : i32
        %dma_wait3A_109 = tpu.memref_slice %arg34[%dma_wait3A_108] : memref<100352xf32, #tpu.memory_space<vmem_shared>> -> memref<100352xf32, #tpu.memory_space<vmem_shared>>
        tpu.wait_indirect_dma semaphore(%arg36 : memref<!tpu.dma_semaphore, #tpu.memory_space<semaphore_mem>>) src(%dma_wait3A_109 : memref<100352xf32, #tpu.memory_space<vmem_shared>>) dst(%arg26 : memref<4096xf32, #tpu.memory_space<vmem>>)
        %get3A_110 = arith.constant 32 : index
        %get3A_111 = tpu.vector_load %arg30[%get3A_110] {strides = array<i32>} : memref<48xf32, #tpu.memory_space<vmem>>, vector<16xf32>,
        %get3A_112 = vector.shape_cast %get3A_111 : vector<16xf32> to vector<16xf32>
        %scan3A = arith.constant 0 : i32
        %scan3A_113 = arith.constant 128 : i32
        %scan3A_114 = arith.addi %scan3A, %scan3A_113 : i32
        %scan3A_115 = arith.constant 1 : i32
        %scan3A_116 = scf.for %scan3A_132 = %scan3A to %scan3A_114 step %scan3A_115 iter_args(%scan3A_133 = %get3A_112) -> (vector<16xf32>)  : i32 {
          %mul3A_134 = arith.constant 16 : i32
          %mul3A_135 = arith.muli %scan3A_132, %mul3A_134 : i32
          %mul3A_136 = arith.constant 16 : i32
          %mul3A_137 = arith.muli %scan3A_132, %mul3A_136 : i32
          %add3A_138 = arith.constant 2048 : i32
          %add3A_139 = arith.addi %add3A_138, %mul3A_137 : i32
          %get3A_140 = arith.index_cast %mul3A_135 : i32 to index
          %get3A_141 = tpu.vector_load %arg20[%get3A_140] {strides = array<i32>} : memref<4096xi32, #tpu.memory_space<vmem>>, vector<16xi32>,
          %get3A_142 = vector.shape_cast %get3A_141 : vector<16xi32> to vector<16xi32>
          %mul3A_143 = arith.constant 3 : i32
          %mul3A_144 = vector.broadcast %mul3A_143 : i32 to vector<16xi32>
          %mul3A_145 = arith.muli %get3A_142, %mul3A_144 : vector<16xi32>
          %swap3A_146 = arith.index_cast %mul3A_135 : i32 to index
          %swap3A_147 = tpu.vector_load %arg21[%swap3A_146] {strides = array<i32>} : memref<4096xi32, #tpu.memory_space<vmem>>, vector<16xi32>,
          %swap3A_148 = vector.shape_cast %swap3A_147 : vector<16xi32> to vector<16xi32>
          %swap3A_149 = vector.shape_cast %mul3A_145 : vector<16xi32> to vector<16xi32>
          tpu.vector_store %arg21[%swap3A_146], %swap3A_149 {strides = array<i32>} : memref<4096xi32, #tpu.memory_space<vmem>>, vector<16xi32>,
          %add3A_150 = arith.constant 1 : i32
          %add3A_151 = vector.broadcast %add3A_150 : i32 to vector<16xi32>
          %add3A_152 = arith.addi %mul3A_145, %add3A_151 : vector<16xi32>
          %swap3A_153 = arith.index_cast %mul3A_135 : i32 to index
          %swap3A_154 = tpu.vector_load %arg22[%swap3A_153] {strides = array<i32>} : memref<4096xi32, #tpu.memory_space<vmem>>, vector<16xi32>,
          %swap3A_155 = vector.shape_cast %swap3A_154 : vector<16xi32> to vector<16xi32>
          %swap3A_156 = vector.shape_cast %add3A_152 : vector<16xi32> to vector<16xi32>
          tpu.vector_store %arg22[%swap3A_153], %swap3A_156 {strides = array<i32>} : memref<4096xi32, #tpu.memory_space<vmem>>, vector<16xi32>,
          %add3A_157 = arith.constant 2 : i32
          %add3A_158 = vector.broadcast %add3A_157 : i32 to vector<16xi32>
          %add3A_159 = arith.addi %mul3A_145, %add3A_158 : vector<16xi32>
          %swap3A_160 = arith.index_cast %mul3A_135 : i32 to index
          %swap3A_161 = tpu.vector_load %arg23[%swap3A_160] {strides = array<i32>} : memref<4096xi32, #tpu.memory_space<vmem>>, vector<16xi32>,
          %swap3A_162 = vector.shape_cast %swap3A_161 : vector<16xi32> to vector<16xi32>
          %swap3A_163 = vector.shape_cast %add3A_159 : vector<16xi32> to vector<16xi32>
          tpu.vector_store %arg23[%swap3A_160], %swap3A_163 {strides = array<i32>} : memref<4096xi32, #tpu.memory_space<vmem>>, vector<16xi32>,
          %get3A_164 = arith.index_cast %add3A_139 : i32 to index
          %get3A_165 = tpu.vector_load %arg20[%get3A_164] {strides = array<i32>} : memref<4096xi32, #tpu.memory_space<vmem>>, vector<16xi32>,
          %get3A_166 = vector.shape_cast %get3A_165 : vector<16xi32> to vector<16xi32>
          %mul3A_167 = arith.constant 3 : i32
          %mul3A_168 = vector.broadcast %mul3A_167 : i32 to vector<16xi32>
          %mul3A_169 = arith.muli %get3A_166, %mul3A_168 : vector<16xi32>
          %swap3A_170 = arith.index_cast %add3A_139 : i32 to index
          %swap3A_171 = tpu.vector_load %arg21[%swap3A_170] {strides = array<i32>} : memref<4096xi32, #tpu.memory_space<vmem>>, vector<16xi32>,
          %swap3A_172 = vector.shape_cast %swap3A_171 : vector<16xi32> to vector<16xi32>
          %swap3A_173 = vector.shape_cast %mul3A_169 : vector<16xi32> to vector<16xi32>
          tpu.vector_store %arg21[%swap3A_170], %swap3A_173 {strides = array<i32>} : memref<4096xi32, #tpu.memory_space<vmem>>, vector<16xi32>,
          %add3A_174 = arith.constant 1 : i32
          %add3A_175 = vector.broadcast %add3A_174 : i32 to vector<16xi32>
          %add3A_176 = arith.addi %mul3A_169, %add3A_175 : vector<16xi32>
          %swap3A_177 = arith.index_cast %add3A_139 : i32 to index
          %swap3A_178 = tpu.vector_load %arg22[%swap3A_177] {strides = array<i32>} : memref<4096xi32, #tpu.memory_space<vmem>>, vector<16xi32>,
          %swap3A_179 = vector.shape_cast %swap3A_178 : vector<16xi32> to vector<16xi32>
          %swap3A_180 = vector.shape_cast %add3A_176 : vector<16xi32> to vector<16xi32>
          tpu.vector_store %arg22[%swap3A_177], %swap3A_180 {strides = array<i32>} : memref<4096xi32, #tpu.memory_space<vmem>>, vector<16xi32>,
          %add3A_181 = arith.constant 2 : i32
          %add3A_182 = vector.broadcast %add3A_181 : i32 to vector<16xi32>
          %add3A_183 = arith.addi %mul3A_169, %add3A_182 : vector<16xi32>
          %swap3A_184 = arith.index_cast %add3A_139 : i32 to index
          %swap3A_185 = tpu.vector_load %arg23[%swap3A_184] {strides = array<i32>} : memref<4096xi32, #tpu.memory_space<vmem>>, vector<16xi32>,
          %swap3A_186 = vector.shape_cast %swap3A_185 : vector<16xi32> to vector<16xi32>
          %swap3A_187 = vector.shape_cast %add3A_183 : vector<16xi32> to vector<16xi32>
          tpu.vector_store %arg23[%swap3A_184], %swap3A_187 {strides = array<i32>} : memref<4096xi32, #tpu.memory_space<vmem>>, vector<16xi32>,
          %get3A_188 = arith.index_cast %mul3A_135 : i32 to index
          %get3A_189 = tpu.vector_load %arg24[%get3A_188] {strides = array<i32>} : memref<4096xf32, #tpu.memory_space<vmem>>, vector<16xf32>,
          %get3A_190 = vector.shape_cast %get3A_189 : vector<16xf32> to vector<16xf32>
          %get3A_191 = arith.index_cast %add3A_139 : i32 to index
          %get3A_192 = tpu.vector_load %arg24[%get3A_191] {strides = array<i32>} : memref<4096xf32, #tpu.memory_space<vmem>>, vector<16xf32>,
          %get3A_193 = vector.shape_cast %get3A_192 : vector<16xf32> to vector<16xf32>
          %sub3A_194 = arith.subf %get3A_190, %get3A_193 : vector<16xf32>
          %get3A_195 = arith.index_cast %mul3A_135 : i32 to index
          %get3A_196 = tpu.vector_load %arg25[%get3A_195] {strides = array<i32>} : memref<4096xf32, #tpu.memory_space<vmem>>, vector<16xf32>,
          %get3A_197 = vector.shape_cast %get3A_196 : vector<16xf32> to vector<16xf32>
          %get3A_198 = arith.index_cast %add3A_139 : i32 to index
          %get3A_199 = tpu.vector_load %arg25[%get3A_198] {strides = array<i32>} : memref<4096xf32, #tpu.memory_space<vmem>>, vector<16xf32>,
          %get3A_200 = vector.shape_cast %get3A_199 : vector<16xf32> to vector<16xf32>
          %sub3A_201 = arith.subf %get3A_197, %get3A_200 : vector<16xf32>
          %get3A_202 = arith.index_cast %mul3A_135 : i32 to index
          %get3A_203 = tpu.vector_load %arg26[%get3A_202] {strides = array<i32>} : memref<4096xf32, #tpu.memory_space<vmem>>, vector<16xf32>,
          %get3A_204 = vector.shape_cast %get3A_203 : vector<16xf32> to vector<16xf32>
          %get3A_205 = arith.index_cast %add3A_139 : i32 to index
          %get3A_206 = tpu.vector_load %arg26[%get3A_205] {strides = array<i32>} : memref<4096xf32, #tpu.memory_space<vmem>>, vector<16xf32>,
          %get3A_207 = vector.shape_cast %get3A_206 : vector<16xf32> to vector<16xf32>
          %sub3A_208 = arith.subf %get3A_204, %get3A_207 : vector<16xf32>
          %mul3A_209 = arith.mulf %sub3A_194, %sub3A_194 : vector<16xf32>
          %mul3A_210 = arith.mulf %sub3A_201, %sub3A_201 : vector<16xf32>
          %add3A_211 = arith.addf %mul3A_209, %mul3A_210 : vector<16xf32>
          %mul3A_212 = arith.mulf %sub3A_208, %sub3A_208 : vector<16xf32>
          %add3A_213 = arith.addf %add3A_211, %mul3A_212 : vector<16xf32>
          %add3A_214 = arith.constant 9.99999996E-13 : f32
          %add3A_215 = vector.broadcast %add3A_214 : f32 to vector<16xf32>
          %add3A_216 = arith.addf %add3A_213, %add3A_215 : vector<16xf32>
          %bitcast_convert_type3A = tpu.bitcast %add3A_216 : vector<16xf32> -> vector<16xi32>
          %shift_right_arithmetic3A = arith.constant 1 : i32
          %shift_right_arithmetic3A_217 = vector.broadcast %shift_right_arithmetic3A : i32 to vector<16xi32>
          %shift_right_arithmetic3A_218 = arith.shrsi %bitcast_convert_type3A, %shift_right_arithmetic3A_217 : vector<16xi32>
          %sub3A_219 = arith.constant 1597463007 : i32
          %sub3A_220 = vector.broadcast %sub3A_219 : i32 to vector<16xi32>
          %sub3A_221 = arith.subi %sub3A_220, %shift_right_arithmetic3A_218 : vector<16xi32>
          %bitcast_convert_type3A_222 = tpu.bitcast %sub3A_221 : vector<16xi32> -> vector<16xf32>
          %mul3A_223 = arith.constant 5.000000e-01 : f32
          %mul3A_224 = vector.broadcast %mul3A_223 : f32 to vector<16xf32>
          %mul3A_225 = arith.mulf %mul3A_224, %add3A_216 : vector<16xf32>
          %mul3A_226 = arith.mulf %mul3A_225, %bitcast_convert_type3A_222 : vector<16xf32>
          %mul3A_227 = arith.mulf %mul3A_226, %bitcast_convert_type3A_222 : vector<16xf32>
          %sub3A_228 = arith.constant 1.500000e+00 : f32
          %sub3A_229 = vector.broadcast %sub3A_228 : f32 to vector<16xf32>
          %sub3A_230 = arith.subf %sub3A_229, %mul3A_227 : vector<16xf32>
          %mul3A_231 = arith.mulf %bitcast_convert_type3A_222, %sub3A_230 : vector<16xf32>
          %mul3A_232 = arith.constant 5.000000e-01 : f32
          %mul3A_233 = vector.broadcast %mul3A_232 : f32 to vector<16xf32>
          %mul3A_234 = arith.mulf %mul3A_233, %add3A_216 : vector<16xf32>
          %mul3A_235 = arith.mulf %mul3A_234, %mul3A_231 : vector<16xf32>
          %mul3A_236 = arith.mulf %mul3A_235, %mul3A_231 : vector<16xf32>
          %sub3A_237 = arith.constant 1.500000e+00 : f32
          %sub3A_238 = vector.broadcast %sub3A_237 : f32 to vector<16xf32>
          %sub3A_239 = arith.subf %sub3A_238, %mul3A_236 : vector<16xf32>
          %mul3A_240 = arith.mulf %mul3A_231, %sub3A_239 : vector<16xf32>
          %mul3A_241 = arith.constant 5.000000e-01 : f32
          %mul3A_242 = vector.broadcast %mul3A_241 : f32 to vector<16xf32>
          %mul3A_243 = arith.mulf %mul3A_242, %add3A_216 : vector<16xf32>
          %mul3A_244 = arith.mulf %mul3A_243, %mul3A_240 : vector<16xf32>
          %mul3A_245 = arith.mulf %mul3A_244, %mul3A_240 : vector<16xf32>
          %sub3A_246 = arith.constant 1.500000e+00 : f32
          %sub3A_247 = vector.broadcast %sub3A_246 : f32 to vector<16xf32>
          %sub3A_248 = arith.subf %sub3A_247, %mul3A_245 : vector<16xf32>
          %mul3A_249 = arith.mulf %mul3A_240, %sub3A_248 : vector<16xf32>
          %mul3A_250 = arith.mulf %add3A_216, %mul3A_249 : vector<16xf32>
          %add3A_251 = arith.constant 1.000000e+00 : f32
          %add3A_252 = vector.broadcast %add3A_251 : f32 to vector<16xf32>
          %add3A_253 = arith.addf %mul3A_250, %add3A_252 : vector<16xf32>
          %div3A_254 = arith.constant 1.000000e+00 : f32
          %div3A_255 = vector.broadcast %div3A_254 : f32 to vector<16xf32>
          %div3A_256 = arith.divf %div3A_255, %add3A_253 : vector<16xf32>
          %mul3A_257 = arith.mulf %get3A_15, %div3A_256 : vector<16xf32>
          %mul3A_258 = arith.mulf %mul3A_257, %mul3A_257 : vector<16xf32>
          %mul3A_259 = arith.mulf %mul3A_258, %mul3A_258 : vector<16xf32>
          %mul3A_260 = arith.mulf %mul3A_259, %mul3A_258 : vector<16xf32>
          %mul3A_261 = arith.mulf %mul3A_260, %mul3A_260 : vector<16xf32>
          %sub3A_262 = arith.subf %mul3A_261, %mul3A_260 : vector<16xf32>
          %mul3A_263 = arith.mulf %get3A_12, %sub3A_262 : vector<16xf32>
          %add3A_264 = arith.addf %scan3A_133, %mul3A_263 : vector<16xf32>
          %mul3A_265 = arith.constant 6.000000e+00 : f32
          %mul3A_266 = vector.broadcast %mul3A_265 : f32 to vector<16xf32>
          %mul3A_267 = arith.mulf %mul3A_266, %mul3A_260 : vector<16xf32>
          %mul3A_268 = arith.constant 1.200000e+01 : f32
          %mul3A_269 = vector.broadcast %mul3A_268 : f32 to vector<16xf32>
          %mul3A_270 = arith.mulf %mul3A_269, %mul3A_261 : vector<16xf32>
          %sub3A_271 = arith.subf %mul3A_267, %mul3A_270 : vector<16xf32>
          %mul3A_272 = arith.mulf %get3A_12, %sub3A_271 : vector<16xf32>
          %mul3A_273 = arith.mulf %mul3A_272, %div3A_256 : vector<16xf32>
          %mul3A_274 = arith.constant -5.000000e-01 : f32
          %mul3A_275 = vector.broadcast %mul3A_274 : f32 to vector<16xf32>
          %mul3A_276 = arith.mulf %mul3A_275, %mul3A_273 : vector<16xf32>
          %mul3A_277 = arith.mulf %mul3A_276, %mul3A_249 : vector<16xf32>
          %mul3A_278 = arith.mulf %mul3A_277, %sub3A_194 : vector<16xf32>
          %mul3A_279 = arith.mulf %mul3A_277, %sub3A_201 : vector<16xf32>
          %mul3A_280 = arith.mulf %mul3A_277, %sub3A_208 : vector<16xf32>
          %swap3A_281 = arith.index_cast %mul3A_135 : i32 to index
          %swap3A_282 = tpu.vector_load %arg27[%swap3A_281] {strides = array<i32>} : memref<4096xf32, #tpu.memory_space<vmem>>, vector<16xf32>,
          %swap3A_283 = vector.shape_cast %swap3A_282 : vector<16xf32> to vector<16xf32>
          %swap3A_284 = vector.shape_cast %mul3A_278 : vector<16xf32> to vector<16xf32>
          tpu.vector_store %arg27[%swap3A_281], %swap3A_284 {strides = array<i32>} : memref<4096xf32, #tpu.memory_space<vmem>>, vector<16xf32>,
          %swap3A_285 = arith.index_cast %mul3A_135 : i32 to index
          %swap3A_286 = tpu.vector_load %arg28[%swap3A_285] {strides = array<i32>} : memref<4096xf32, #tpu.memory_space<vmem>>, vector<16xf32>,
          %swap3A_287 = vector.shape_cast %swap3A_286 : vector<16xf32> to vector<16xf32>
          %swap3A_288 = vector.shape_cast %mul3A_279 : vector<16xf32> to vector<16xf32>
          tpu.vector_store %arg28[%swap3A_285], %swap3A_288 {strides = array<i32>} : memref<4096xf32, #tpu.memory_space<vmem>>, vector<16xf32>,
          %swap3A_289 = arith.index_cast %mul3A_135 : i32 to index
          %swap3A_290 = tpu.vector_load %arg29[%swap3A_289] {strides = array<i32>} : memref<4096xf32, #tpu.memory_space<vmem>>, vector<16xf32>,
          %swap3A_291 = vector.shape_cast %swap3A_290 : vector<16xf32> to vector<16xf32>
          %swap3A_292 = vector.shape_cast %mul3A_280 : vector<16xf32> to vector<16xf32>
          tpu.vector_store %arg29[%swap3A_289], %swap3A_292 {strides = array<i32>} : memref<4096xf32, #tpu.memory_space<vmem>>, vector<16xf32>,
          %neg3A = arith.constant 0.000000e+00 : f32
          %neg3A_293 = vector.broadcast %neg3A : f32 to vector<16xf32>
          %neg3A_294 = arith.subf %neg3A_293, %mul3A_278 : vector<16xf32>
          %swap3A_295 = arith.index_cast %add3A_139 : i32 to index
          %swap3A_296 = tpu.vector_load %arg27[%swap3A_295] {strides = array<i32>} : memref<4096xf32, #tpu.memory_space<vmem>>, vector<16xf32>,
          %swap3A_297 = vector.shape_cast %swap3A_296 : vector<16xf32> to vector<16xf32>
          %swap3A_298 = vector.shape_cast %neg3A_294 : vector<16xf32> to vector<16xf32>
          tpu.vector_store %arg27[%swap3A_295], %swap3A_298 {strides = array<i32>} : memref<4096xf32, #tpu.memory_space<vmem>>, vector<16xf32>,
          %neg3A_299 = arith.constant 0.000000e+00 : f32
          %neg3A_300 = vector.broadcast %neg3A_299 : f32 to vector<16xf32>
          %neg3A_301 = arith.subf %neg3A_300, %mul3A_279 : vector<16xf32>
          %swap3A_302 = arith.index_cast %add3A_139 : i32 to index
          %swap3A_303 = tpu.vector_load %arg28[%swap3A_302] {strides = array<i32>} : memref<4096xf32, #tpu.memory_space<vmem>>, vector<16xf32>,
          %swap3A_304 = vector.shape_cast %swap3A_303 : vector<16xf32> to vector<16xf32>
          %swap3A_305 = vector.shape_cast %neg3A_301 : vector<16xf32> to vector<16xf32>
          tpu.vector_store %arg28[%swap3A_302], %swap3A_305 {strides = array<i32>} : memref<4096xf32, #tpu.memory_space<vmem>>, vector<16xf32>,
          %neg3A_306 = arith.constant 0.000000e+00 : f32
          %neg3A_307 = vector.broadcast %neg3A_306 : f32 to vector<16xf32>
          %neg3A_308 = arith.subf %neg3A_307, %mul3A_280 : vector<16xf32>
          %swap3A_309 = arith.index_cast %add3A_139 : i32 to index
          %swap3A_310 = tpu.vector_load %arg29[%swap3A_309] {strides = array<i32>} : memref<4096xf32, #tpu.memory_space<vmem>>, vector<16xf32>,
          %swap3A_311 = vector.shape_cast %swap3A_310 : vector<16xf32> to vector<16xf32>
          %swap3A_312 = vector.shape_cast %neg3A_308 : vector<16xf32> to vector<16xf32>
          tpu.vector_store %arg29[%swap3A_309], %swap3A_312 {strides = array<i32>} : memref<4096xf32, #tpu.memory_space<vmem>>, vector<16xf32>,
          scf.yield %add3A_264 : vector<16xf32>
        }
        %scan3A_117 = arith.constant 128 : i32
        %swap3A_118 = arith.constant 32 : index
        %swap3A_119 = tpu.vector_load %arg30[%swap3A_118] {strides = array<i32>} : memref<48xf32, #tpu.memory_space<vmem>>, vector<16xf32>,
        %swap3A_120 = vector.shape_cast %swap3A_119 : vector<16xf32> to vector<16xf32>
        %swap3A_121 = vector.shape_cast %scan3A_116 : vector<16xf32> to vector<16xf32>
        tpu.vector_store %arg30[%swap3A_118], %swap3A_121 {strides = array<i32>} : memref<48xf32, #tpu.memory_space<vmem>>, vector<16xf32>,
        %ge3A = arith.constant 1 : i32
        %ge3A_122 = arith.cmpi sge, %while3A_85, %ge3A : i32
        %convert_element_type3A_123 = arith.extui %ge3A_122 : i1 to i32
        %cond3A_124 = arith.constant 0 : i32
        %cond3A_125 = arith.cmpi ne, %convert_element_type3A_123, %cond3A_124 : i32
        scf.if %cond3A_125 {
          %dma_wait3A_132 = arith.constant 0 : i32
          %dma_wait3A_133 = tpu.memref_slice %arg31[%dma_wait3A_132] : memref<301056xf32, #tpu.memory_space<vmem_shared>> -> memref<301056xf32, #tpu.memory_space<vmem_shared>>
          tpu.wait_indirect_dma semaphore(%arg37 : memref<!tpu.dma_semaphore, #tpu.memory_space<semaphore_mem>>) src(%arg17 : memref<4096xf32, #tpu.memory_space<vmem>>) dst(%dma_wait3A_133 : memref<301056xf32, #tpu.memory_space<vmem_shared>>)
          %dma_wait3A_134 = arith.constant 0 : i32
          %dma_wait3A_135 = tpu.memref_slice %arg31[%dma_wait3A_134] : memref<301056xf32, #tpu.memory_space<vmem_shared>> -> memref<301056xf32, #tpu.memory_space<vmem_shared>>
          tpu.wait_indirect_dma semaphore(%arg37 : memref<!tpu.dma_semaphore, #tpu.memory_space<semaphore_mem>>) src(%arg18 : memref<4096xf32, #tpu.memory_space<vmem>>) dst(%dma_wait3A_135 : memref<301056xf32, #tpu.memory_space<vmem_shared>>)
          %dma_wait3A_136 = arith.constant 0 : i32
          %dma_wait3A_137 = tpu.memref_slice %arg31[%dma_wait3A_136] : memref<301056xf32, #tpu.memory_space<vmem_shared>> -> memref<301056xf32, #tpu.memory_space<vmem_shared>>
          tpu.wait_indirect_dma semaphore(%arg37 : memref<!tpu.dma_semaphore, #tpu.memory_space<semaphore_mem>>) src(%arg19 : memref<4096xf32, #tpu.memory_space<vmem>>) dst(%dma_wait3A_137 : memref<301056xf32, #tpu.memory_space<vmem_shared>>)
        } else {
        }
        %dma_start3A_126 = arith.constant 0 : i32
        %dma_start3A_127 = tpu.memref_slice %arg31[%dma_start3A_126] : memref<301056xf32, #tpu.memory_space<vmem_shared>> -> memref<301056xf32, #tpu.memory_space<vmem_shared>>
        tpu.enqueue_indirect_dma source(%arg27 : memref<4096xf32, #tpu.memory_space<vmem>>) target(%dma_start3A_127 : memref<301056xf32, #tpu.memory_space<vmem_shared>>) offsets(%arg21 : memref<4096xi32, #tpu.memory_space<vmem>>) semaphore(%arg38 : memref<!tpu.dma_semaphore, #tpu.memory_space<semaphore_mem>>) {add = true}
        %dma_start3A_128 = arith.constant 0 : i32
        %dma_start3A_129 = tpu.memref_slice %arg31[%dma_start3A_128] : memref<301056xf32, #tpu.memory_space<vmem_shared>> -> memref<301056xf32, #tpu.memory_space<vmem_shared>>
        tpu.enqueue_indirect_dma source(%arg28 : memref<4096xf32, #tpu.memory_space<vmem>>) target(%dma_start3A_129 : memref<301056xf32, #tpu.memory_space<vmem_shared>>) offsets(%arg22 : memref<4096xi32, #tpu.memory_space<vmem>>) semaphore(%arg38 : memref<!tpu.dma_semaphore, #tpu.memory_space<semaphore_mem>>) {add = true}
        %dma_start3A_130 = arith.constant 0 : i32
        %dma_start3A_131 = tpu.memref_slice %arg31[%dma_start3A_130] : memref<301056xf32, #tpu.memory_space<vmem_shared>> -> memref<301056xf32, #tpu.memory_space<vmem_shared>>
        tpu.enqueue_indirect_dma source(%arg29 : memref<4096xf32, #tpu.memory_space<vmem>>) target(%dma_start3A_131 : memref<301056xf32, #tpu.memory_space<vmem_shared>>) offsets(%arg23 : memref<4096xi32, #tpu.memory_space<vmem>>) semaphore(%arg38 : memref<!tpu.dma_semaphore, #tpu.memory_space<semaphore_mem>>) {add = true}
      } else {
      }
    }
    %sub3A_58 = arith.constant 1 : i32
    %sub3A_59 = arith.subi %select_n3A, %sub3A_58 : i32
    %and3A_60 = arith.constant 1 : i32
    %and3A_61 = arith.andi %sub3A_59, %and3A_60 : i32
    %eq3A = arith.constant 0 : i32
    %eq3A_62 = arith.cmpi eq, %and3A_61, %eq3A : i32
    %convert_element_type3A = arith.extui %eq3A_62 : i1 to i32
    %cond3A = arith.constant 0 : i32
    %cond3A_63 = arith.cmpi ne, %convert_element_type3A, %cond3A : i32
    scf.if %cond3A_63 {
      %dma_wait3A = arith.constant 0 : i32
      %dma_wait3A_85 = tpu.memref_slice %arg31[%dma_wait3A] : memref<301056xf32, #tpu.memory_space<vmem_shared>> -> memref<301056xf32, #tpu.memory_space<vmem_shared>>
      tpu.wait_indirect_dma semaphore(%arg37 : memref<!tpu.dma_semaphore, #tpu.memory_space<semaphore_mem>>) src(%arg17 : memref<4096xf32, #tpu.memory_space<vmem>>) dst(%dma_wait3A_85 : memref<301056xf32, #tpu.memory_space<vmem_shared>>)
      %dma_wait3A_86 = arith.constant 0 : i32
      %dma_wait3A_87 = tpu.memref_slice %arg31[%dma_wait3A_86] : memref<301056xf32, #tpu.memory_space<vmem_shared>> -> memref<301056xf32, #tpu.memory_space<vmem_shared>>
      tpu.wait_indirect_dma semaphore(%arg37 : memref<!tpu.dma_semaphore, #tpu.memory_space<semaphore_mem>>) src(%arg18 : memref<4096xf32, #tpu.memory_space<vmem>>) dst(%dma_wait3A_87 : memref<301056xf32, #tpu.memory_space<vmem_shared>>)
      %dma_wait3A_88 = arith.constant 0 : i32
      %dma_wait3A_89 = tpu.memref_slice %arg31[%dma_wait3A_88] : memref<301056xf32, #tpu.memory_space<vmem_shared>> -> memref<301056xf32, #tpu.memory_space<vmem_shared>>
      tpu.wait_indirect_dma semaphore(%arg37 : memref<!tpu.dma_semaphore, #tpu.memory_space<semaphore_mem>>) src(%arg19 : memref<4096xf32, #tpu.memory_space<vmem>>) dst(%dma_wait3A_89 : memref<301056xf32, #tpu.memory_space<vmem_shared>>)
    } else {
    }
    %eq3A_64 = arith.constant 1 : i32
    %eq3A_65 = arith.cmpi eq, %and3A_61, %eq3A_64 : i32
    %convert_element_type3A_66 = arith.extui %eq3A_65 : i1 to i32
    %cond3A_67 = arith.constant 0 : i32
    %cond3A_68 = arith.cmpi ne, %convert_element_type3A_66, %cond3A_67 : i32
    scf.if %cond3A_68 {
      %dma_wait3A = arith.constant 0 : i32
      %dma_wait3A_85 = tpu.memref_slice %arg31[%dma_wait3A] : memref<301056xf32, #tpu.memory_space<vmem_shared>> -> memref<301056xf32, #tpu.memory_space<vmem_shared>>
      tpu.wait_indirect_dma semaphore(%arg38 : memref<!tpu.dma_semaphore, #tpu.memory_space<semaphore_mem>>) src(%arg27 : memref<4096xf32, #tpu.memory_space<vmem>>) dst(%dma_wait3A_85 : memref<301056xf32, #tpu.memory_space<vmem_shared>>)
      %dma_wait3A_86 = arith.constant 0 : i32
      %dma_wait3A_87 = tpu.memref_slice %arg31[%dma_wait3A_86] : memref<301056xf32, #tpu.memory_space<vmem_shared>> -> memref<301056xf32, #tpu.memory_space<vmem_shared>>
      tpu.wait_indirect_dma semaphore(%arg38 : memref<!tpu.dma_semaphore, #tpu.memory_space<semaphore_mem>>) src(%arg28 : memref<4096xf32, #tpu.memory_space<vmem>>) dst(%dma_wait3A_87 : memref<301056xf32, #tpu.memory_space<vmem_shared>>)
      %dma_wait3A_88 = arith.constant 0 : i32
      %dma_wait3A_89 = tpu.memref_slice %arg31[%dma_wait3A_88] : memref<301056xf32, #tpu.memory_space<vmem_shared>> -> memref<301056xf32, #tpu.memory_space<vmem_shared>>
      tpu.wait_indirect_dma semaphore(%arg38 : memref<!tpu.dma_semaphore, #tpu.memory_space<semaphore_mem>>) src(%arg29 : memref<4096xf32, #tpu.memory_space<vmem>>) dst(%dma_wait3A_89 : memref<301056xf32, #tpu.memory_space<vmem_shared>>)
    } else {
    }
    %mul3A_69 = arith.constant 16 : i32
    %mul3A_70 = arith.muli %add3A, %mul3A_69 : i32
    "tpu.region"() ({
      %run_scoped3A = tpu.sem_alloc : memref<!tpu.dma_semaphore, #tpu.memory_space<semaphore_mem>>
      %dma_start3A_85 = arith.constant 32 : i32
      %dma_start3A_86 = tpu.memref_slice %arg30[%dma_start3A_85] : memref<48xf32, #tpu.memory_space<vmem>> -> memref<16xf32, #tpu.memory_space<vmem>>
      %dma_start3A_87 = tpu.memref_slice %arg9[%mul3A_70] : memref<512xf32, #tpu.memory_space<hbm>> -> memref<16xf32, #tpu.memory_space<hbm>>
      %dma_start3A_88 = tpu.memref_slice %arg9[%mul3A_70] : memref<512xf32, #tpu.memory_space<hbm>> -> memref<16xf32, #tpu.memory_space<hbm>>
      %dma_start3A_89 = arith.constant 32 : i32
      %dma_start3A_90 = tpu.memref_slice %arg30[%dma_start3A_89] : memref<48xf32, #tpu.memory_space<vmem>> -> memref<16xf32, #tpu.memory_space<vmem>>
      tpu.enqueue_dma source(%dma_start3A_90 : memref<16xf32, #tpu.memory_space<vmem>>) target(%dma_start3A_88 : memref<16xf32, #tpu.memory_space<hbm>>) target_semaphore(%run_scoped3A : memref<!tpu.dma_semaphore, #tpu.memory_space<semaphore_mem>>)
      %dma_wait3A = arith.constant 32 : i32
      %dma_wait3A_91 = tpu.memref_slice %arg30[%dma_wait3A] : memref<48xf32, #tpu.memory_space<vmem>> -> memref<16xf32, #tpu.memory_space<vmem>>
      %dma_wait3A_92 = tpu.memref_slice %arg9[%mul3A_70] : memref<512xf32, #tpu.memory_space<hbm>> -> memref<16xf32, #tpu.memory_space<hbm>>
      %dma_wait3A_93 = tpu.memref_slice %arg9[%mul3A_70] : memref<512xf32, #tpu.memory_space<hbm>> -> memref<16xf32, #tpu.memory_space<hbm>>
      %dma_wait3A_94 = arith.constant 32 : i32
      %dma_wait3A_95 = tpu.memref_slice %arg30[%dma_wait3A_94] : memref<48xf32, #tpu.memory_space<vmem>> -> memref<16xf32, #tpu.memory_space<vmem>>
      tpu.wait_dma2 semaphore(%run_scoped3A : memref<!tpu.dma_semaphore, #tpu.memory_space<semaphore_mem>>) src(%dma_wait3A_95 : memref<16xf32, #tpu.memory_space<vmem>>) dst(%dma_wait3A_93 : memref<16xf32, #tpu.memory_space<hbm>>)
      tpu.yield
    }) : () -> ()
    %barrier3A_71 = arith.constant 0 : index
    tpu.barrier barrier_id(%barrier3A_71)
    %mul3A_72 = arith.constant 3 : i32
    %mul3A_73 = arith.muli %arg1, %mul3A_72 : i32
    %mul3A_74 = arith.constant 6272 : i32
    %mul3A_75 = arith.muli %mul3A_73, %mul3A_74 : i32
    %mul3A_76 = arith.constant 3 : i32
    %mul3A_77 = arith.muli %arg0, %mul3A_76 : i32
    %mul3A_78 = arith.constant 100352 : i32
    %mul3A_79 = arith.muli %mul3A_77, %mul3A_78 : i32
    %mul3A_80 = arith.constant 3 : i32
    %mul3A_81 = arith.muli %arg1, %mul3A_80 : i32
    %mul3A_82 = arith.constant 6272 : i32
    %mul3A_83 = arith.muli %mul3A_81, %mul3A_82 : i32
    %add3A_84 = arith.addi %mul3A_79, %mul3A_83 : i32
    "tpu.region"() ({
      %run_scoped3A = tpu.sem_alloc : memref<!tpu.dma_semaphore, #tpu.memory_space<semaphore_mem>>
      %dma_start3A_85 = tpu.memref_slice %arg8[%add3A_84] : memref<602112xf32, #tpu.memory_space<hbm>> -> memref<18816xf32, #tpu.memory_space<hbm>>
      %dma_start3A_86 = tpu.memref_slice %arg31[%mul3A_75] : memref<301056xf32, #tpu.memory_space<vmem_shared>> -> memref<18816xf32, #tpu.memory_space<vmem_shared>>
      tpu.enqueue_dma source(%dma_start3A_86 : memref<18816xf32, #tpu.memory_space<vmem_shared>>) target(%dma_start3A_85 : memref<18816xf32, #tpu.memory_space<hbm>>) target_semaphore(%run_scoped3A : memref<!tpu.dma_semaphore, #tpu.memory_space<semaphore_mem>>)
      %dma_wait3A = tpu.memref_slice %arg8[%add3A_84] : memref<602112xf32, #tpu.memory_space<hbm>> -> memref<18816xf32, #tpu.memory_space<hbm>>
      %dma_wait3A_87 = tpu.memref_slice %arg31[%mul3A_75] : memref<301056xf32, #tpu.memory_space<vmem_shared>> -> memref<18816xf32, #tpu.memory_space<vmem_shared>>
      tpu.wait_dma2 semaphore(%run_scoped3A : memref<!tpu.dma_semaphore, #tpu.memory_space<semaphore_mem>>) src(%dma_wait3A_87 : memref<18816xf32, #tpu.memory_space<vmem_shared>>) dst(%dma_wait3A : memref<18816xf32, #tpu.memory_space<hbm>>)
      tpu.yield
    }) : () -> ()
    return
  }
}

module attributes {stable_mosaic.version = 14 : i64} {
  func.func @_tc_combine(%arg0: memref<2352x128xf32, #tpu.memory_space<vmem>>, %arg1: memref<2352x128xf32, #tpu.memory_space<vmem>>, %arg2: memref<4x128xf32, #tpu.memory_space<vmem>>, %arg3: memref<2352x128xf32, #tpu.memory_space<vmem>>, %arg4: memref<1x1xf32, #tpu.memory_space<vmem>>) attributes {dimension_semantics = [], scalar_prefetch = 0 : i64, scratch_operands = 0 : i64, tpu.core_type = #tpu.core_type<tc>} {
    %get3A = arith.constant 0 : index
    %get3A_0 = arith.constant 0 : index
    %get3A_1 = vector.load %arg0[%get3A, %get3A_0] : memref<2352x128xf32, #tpu.memory_space<vmem>>, vector<2352x128xf32>
    %get3A_2 = arith.constant 0 : index
    %get3A_3 = arith.constant 0 : index
    %get3A_4 = vector.load %arg1[%get3A_2, %get3A_3] : memref<2352x128xf32, #tpu.memory_space<vmem>>, vector<2352x128xf32>
    %add3A = arith.addf %get3A_1, %get3A_4 : vector<2352x128xf32>
    %swap3A = arith.constant 0 : index
    %swap3A_5 = arith.constant 0 : index
    %swap3A_6 = vector.load %arg3[%swap3A, %swap3A_5] : memref<2352x128xf32, #tpu.memory_space<vmem>>, vector<2352x128xf32>
    tpu.vector_store %arg3[%swap3A, %swap3A_5], %add3A {strides = array<i32>} : memref<2352x128xf32, #tpu.memory_space<vmem>>, vector<2352x128xf32>,
    %get3A_7 = arith.constant 0 : index
    %get3A_8 = arith.constant 0 : index
    %get3A_9 = vector.load %arg2[%get3A_7, %get3A_8] : memref<4x128xf32, #tpu.memory_space<vmem>>, vector<4x128xf32>
    %reduce_sum3A = vector.shape_cast %get3A_9 : vector<4x128xf32> to vector<1x4x128xf32>
    %reduce_sum3A_10 = arith.constant dense<0.000000e+00> : vector<1xf32>
    %reduce_sum3A_11 = vector.multi_reduction <add>, %reduce_sum3A, %reduce_sum3A_10 [1, 2] : vector<1x4x128xf32> to vector<1xf32>
    %reduce_sum3A_12 = vector.shape_cast %reduce_sum3A_11 : vector<1xf32> to vector<1x1x1xf32>
    %reduce_sum3A_13 = vector.extract %reduce_sum3A_12[0, 0, 0] : f32 from vector<1x1x1xf32>
    %reshape3A = vector.broadcast %reduce_sum3A_13 : f32 to vector<1x1xf32>
    %swap3A_14 = arith.constant 0 : index
    %swap3A_15 = arith.constant 0 : index
    %swap3A_16 = vector.load %arg4[%swap3A_14, %swap3A_15] : memref<1x1xf32, #tpu.memory_space<vmem>>, vector<1x1xf32>
    tpu.vector_store %arg4[%swap3A_14, %swap3A_15], %reshape3A {strides = array<i32>} : memref<1x1xf32, #tpu.memory_space<vmem>>, vector<1x1xf32>,
    return
  }
}

</mosaic_0001>

<sc_bundles>
// kernel: kernel.4.cloned.1.call-start
scs
__scs_entry_jumppad:
0x0: {  	(pc) =	sbr.rel $0x88, $3  }
0x1: {  	(tag) =	ssettag $0x0;
	lr =	simm.s32 $0x1  }
0x2: {  	[smem:$0x3F9D] =	sst lr;
	_ =	strace $0xD0000000  }
0x3: {  	_ = 	snop  }
0x4: {  	_ = 	snop  }
0x5: {  	_ = 	snop  }
0x6: {  	_ = 	snop  }
0x7: {  	_ = 	snop  }
__scs_overlays_trampoline_lowered:
0x8: {  	[smem:$0x3FAC] =	sst s0  }
0x9: {  	[smem:$0x3FAD] =	sst s1  }
0xa: {  	[smem:$0x3FAE] =	sst s2  }
0xb: {  	[smem:$0x3FAF] =	sst s3  }
0xc: {  	[smem:$0x3FB0] =	sst s4  }
0xd: {  	[smem:$0x3FB1] =	sst s5  }
0xe: {  	[smem:$0x3FB2] =	sst s6  }
0xf: {  	[smem:$0x3FB3] =	sst s7  }
0x10: {  	[smem:$0x3FB4] =	sst s8  }
0x11: {  	[smem:$0x3FB5] =	sst s9;
	s0 =	simm.s32 @!p0 $0x0  }
0x12: {  	s1 =	sld [smem:$0x3F9B];
	s0 =	simm.s32 @p0 $0x1  }
0x13: {  	[smem:$0x3FB6] =	sst s0;
	s0 =	simm.s32 @!p1 $0x0  }
0x14: {  	s2 =	sld [smem:$0x3F9A];
	s0 =	simm.s32 @p1 $0x1  }
0x15: {  	[smem:$0x3FB7] =	sst s0;
	s0 =	simm.s32 @!p2 $0x0  }
0x16: {  	s3 =	sld [smem:$0x3FDB];
	s0 =	simm.s32 @p2 $0x1  }
0x17: {  	s4 =	simm.s32 $0x1BF5;
	[smem:$0x3FB9] =	sst s0  }
0x18: {  	s0 =	sld [smem:$0x3F9C];
	_ =	swait.ge [sflag:s4], $0x0  }
0x19: {  	s7 =	sld [smem:$0x3F9D]  }
0x1a: {  	s8 =	sadd.s32 $0xFFFFE003, lr  }
0x1b: {  	s9 =	sadd.s32 $0xFFFFFEF7, lr;
	s5 =	simm.s32 $0xFFFFFFFF;
	p2 =	slt.u32 s8, $0xFFFFF086  }
0x1c: {  	p1 =	slt.u32 s9, $0xF7A;
	s5 =	simm.s32 @!p2 $0x0  }
0x1d: {  	s5 =	simm.s32 @p1 $0x1;
	p0 =	seq.s32 s7, s2  }
0x1e: {  	s7 =	smul.u32 @!p0 $0xF7A, s2;
	p2 =	seq.s32 @!p0 s5, $0x0  }
0x1f: {  	s9 =	smul.u32 $0xF7A, s1;
	s8 =	simm.s32 @!p0 $0x1BF5;
	p2 =	por !p2, p0  }
0x20: {  	[sflag:s8] =	ssyncset.s32 @!p0 $0xFFFFF086;
	s6 =	sadd.s32 @!p0 s3, s7;
	s7 =	simm.s32 @!p0 $0x108  }
0x21: {  	s3 =	sadd.s32 s3, s9;
	s6 =	sadd.s32 @!p0 $0x88, s6;
	s7 =	simm.s32 @p2 $0x1082  }
0x22: {  	[simem:s7], [sflag:s8] =	dma.local @!p0 [hbm:s6], $0xF7A  }
0x23: {  	s9 =	sor.u32 $0xD0000000, s2;
	s6 =	simm.s32 $0x108;
	_ =	swait.ge @!p0 [sflag:s8], $0x0  }
0x24: {  	s3 =	sadd.s32 $0x88, s3;
	s6 =	simm.s32 @!p1 $0x1082;
	[sflag:s4] =	ssyncset.s32 $0xFFFFF086  }
0x25: {  	[simem:s6], [sflag:s4] =	dma.local [hbm:s3], $0xF7A  }
0x26: {  	[smem:$0x3F9D] =	sst s1;
	(tag) =	ssettag s2;
	_ =	strace s9  }
0x27: {  	s1 =	sld [smem:$0x3FAD]  }
0x28: {  	s2 =	sld [smem:$0x3FAE]  }
0x29: {  	s4 =	sld [smem:$0x3FB0]  }
0x2a: {  	p0 =	seq.s32 s5, $0x0;
	s5 =	sld [smem:$0x3FB1]  }
0x2b: {  	s6 =	sld [smem:$0x3FB2]  }
0x2c: {  	s7 =	sld [smem:$0x3FB3]  }
0x2d: {  	s3 =	simm.s32 $0x108;
	s8 =	sld [smem:$0x3FB4]  }
0x2e: {  	s3 =	simm.s32 @!p0 $0x1082;
	s9 =	sld [smem:$0x3FB5]  }
0x2f: {  	lr =	sadd.s32 s0, s3;
	s0 =	sld [smem:$0x3FAC]  }
0x30: {  	s3 =	sld [smem:$0x3FAF]  }
0x31: {  	[smem:$0x3FB8] =	sst s10  }
0x32: {  	s10 =	sld [smem:$0x3FB6];
	_ =	sdelay $0x3  }
0x33: {  	p0 =	seq.s32 s10, $0x1;
	s10 =	sld [smem:$0x3FB8];
	_ =	sdelay $0x3  }
0x34: {  	[smem:$0x3FB8] =	sst s10  }
0x35: {  	s10 =	sld [smem:$0x3FB7];
	_ =	sdelay $0x3  }
0x36: {  	p1 =	seq.s32 s10, $0x1;
	s10 =	sld [smem:$0x3FB8];
	_ =	sdelay $0x3  }
0x37: {  	[smem:$0x3FB8] =	sst s10  }
0x38: {  	s10 =	sld [smem:$0x3FB9]  }
0x39: {  	_ = 	snop;
	(pc) =	sbr.ind lr, $3  }
0x3a: {  	_ = 	snop  }
0x3b: {  	_ = 	snop  }
0x3c: {  	p2 =	seq.s32 s10, $0x1;
	s10 =	sld [smem:$0x3FB8]  }
0x3d: {  	_ =	shalt  }
0x3e: {  	_ =	shalt  }
0x3f: {  	_ =	shalt  }
0x40: {  	_ =	shalt  }
0x41: {  	_ =	shalt  }
0x42: {  	_ =	shalt  }
0x43: {  	_ =	shalt  }
0x44: {  	_ =	shalt  }
0x45: {  	_ =	shalt  }
0x46: {  	_ =	shalt  }
0x47: {  	_ =	shalt  }
0x48: {  	_ =	shalt  }
0x49: {  	_ =	shalt  }
0x4a: {  	_ =	shalt  }
0x4b: {  	_ =	shalt  }
0x4c: {  	_ =	shalt  }
0x4d: {  	_ =	shalt  }
0x4e: {  	_ =	shalt  }
0x4f: {  	_ =	shalt  }
0x50: {  	_ =	shalt  }
0x51: {  	_ =	shalt  }
0x52: {  	_ =	shalt  }
0x53: {  	_ =	shalt  }
0x54: {  	_ =	shalt  }
0x55: {  	_ =	shalt  }
0x56: {  	_ =	shalt  }
0x57: {  	_ =	shalt  }
0x58: {  	_ =	shalt  }
0x59: {  	_ =	shalt  }
0x5a: {  	_ =	shalt  }
0x5b: {  	_ =	shalt  }
0x5c: {  	_ =	shalt  }
0x5d: {  	_ =	shalt  }
0x5e: {  	_ =	shalt  }
0x5f: {  	_ =	shalt  }
0x60: {  	_ =	shalt  }
0x61: {  	_ =	shalt  }
0x62: {  	_ =	shalt  }
0x63: {  	_ =	shalt  }
0x64: {  	_ =	shalt  }
0x65: {  	_ =	shalt  }
0x66: {  	_ =	shalt  }
0x67: {  	_ =	shalt  }
0x68: {  	_ =	shalt  }
0x69: {  	_ =	shalt  }
0x6a: {  	_ =	shalt  }
0x6b: {  	_ =	shalt  }
0x6c: {  	_ =	shalt  }
0x6d: {  	_ =	shalt  }
0x6e: {  	_ =	shalt  }
0x6f: {  	_ =	shalt  }
0x70: {  	_ =	shalt  }
0x71: {  	_ =	shalt  }
0x72: {  	_ =	shalt  }
0x73: {  	_ =	shalt  }
0x74: {  	_ =	shalt  }
0x75: {  	_ =	shalt  }
0x76: {  	_ =	shalt  }
0x77: {  	_ =	shalt  }
0x78: {  	_ =	shalt  }
0x79: {  	_ =	shalt  }
0x7a: {  	_ =	shalt  }
0x7b: {  	_ =	shalt  }
0x7c: {  	_ =	shalt  }
0x7d: {  	_ =	shalt  }
0x7e: {  	_ =	shalt  }
0x7f: {  	_ =	shalt  }
0x80: {  	_ =	shalt  }
0x81: {  	_ =	shalt  }
0x82: {  	_ =	shalt  }
0x83: {  	_ =	shalt  }
0x84: {  	_ =	shalt  }
0x85: {  	_ =	shalt  }
0x86: {  	_ =	shalt  }
0x87: {  	_ =	shalt  }
.Lfunc_end0:
.L_simem_size_0:
called_computation.1_lowered:
.L_overlay_start_0:
0x88: {  	s2 =	sld [smem:$0x3FD9]  }
0x89: {  	s3 =	sld [smem:$0x3FFE];
	_ =	sdelay $0x1  }
0x8a: {  	s1 =	srdreg.scid  }
0x8b: {  	s0 =	sand.u32 $0x1, s1  }
0x8c: {  	s14 =	sshll.u32 s0, $0xA;
	s2 =	sadd.s32 s3, s2  }
0x8d: {  	s2 =	sadd.s32 s2, s14  }
0x8e: {  	[smem:$0x3FC4] =	sst s2  }
0x8f: {  	_ = 	snop  }
0x90: {  	s2 =	sld [smem:$0x3FD0];
	_ =	sdelay $0x2  }
0x91: {  	s15 =	simm.s32 $0xA;
	s4 =	simm.s32 $0x10  }
0x92: {  	[smem:s4], [sflag:s15] =	dma.local [hbm:s2], $0x1  }
0x93: {  	_ =	swait.eq [sflag:s15], $0x1  }
0x94: {  	[sflag:s15] =	ssyncset.done $0x0  }
0x95: {  	s16 =	sld [smem:$0x10];
	[sflag:s15] =	ssyncadd.s32 $0xFFFFFFFF  }
0x96: {  	s17 =	sld [smem:$0x11];
	(tm) =	ssettm $0x1  }
0x97: {  	s18 =	sld [smem:$0x3FFB];
	_ =	sdelay $0x3  }
0x98: {  	_ =	strace s18  }
0x99: {  	s4 =	sld [smem:$0x3FFC];
	_ =	sdelay $0x3  }
0x9a: {  	_ =	strace s4  }
0x9b: {  	s4 =	sld [smem:$0x3FFD];
	_ =	sdelay $0x3  }
0x9c: {  	_ =	strace s4  }
0x9d: {  	_ =	strace $0x8FFFFFFF  }
0x9e: {  	s19 =	sld [smem:$0x3FDB];
	_ =	sdelay $0x1  }
0x9f: {  	s5 =	simm.s32 $_scs_section_size  }
0xa0: {  	s6 =	simm.s32 $_size__tile_overlayer_lowered;
	s7 =	simm.s32 $_tile_overlayer_lowered  }
0xa1: {  	s22 =	simm.s32 $0x1BFF;
	s21 =	sshll.u32 s7, $0x1;
	s4 =	sadd.s32 s5, s19  }
0xa2: {  	s8 =	simm.s32 $0x0;
	s20 =	sshll.u32 s6, $0x1;
	s6 =	sadd.s32 s21, s4  }
0xa3: {  	[timem:s8], [sflag:s22] =	dma.local [hbm:s6], s20  }
0xa4: {  	_ =	swait.ge [sflag:s22], s20  }
0xa5: {  	s5 =	ssub.s32 $0x0, s20;
	[sflag:s22] =	ssyncset.done $0x0  }
0xa6: {  	[sflag:s22] =	ssyncadd.s32 s5;
	_ =	sdelay $0x1  }
0xa7: {  	s23 =	simm.s32 $0x1B8B  }
0xa8: {  	_ =	swait.ge [sflag:s23], $0x1  }
0xa9: {  	[sflag:s23] =	ssyncset.done $0x0  }
0xaa: {  	s25 =	simm.s32 $0x1B8E;
	s24 =	sld [smem:$0x3FFE];
	[sflag:s23] =	ssyncadd.s32 $0xFFFFFFFF  }
0xab: {  	s26 =	simm.s32 $execute0_lowered;
	[smem:$0x3FD2] =	sst s25  }
0xac: {  	s6 =	sshll.u32 s26, $0x1;
	_ =	strace $0x80000049;
	[dreg:$0x1] =	wrdreg $0xFFFFFFFF  }
0xad: {  	s28 =	simm.s32 $_size_execute0_lowered;
	s4 =	sadd.s32 s4, s6;
	[dreg:$0x0] =	wrdreg $0x0  }
0xae: {  	s6 =	sshll.u32 s28, $0x1;
	[dreg:$0x2] =	wrdreg s4  }
0xaf: {  	[dreg:$0x3] =	wrdreg s6  }
0xb0: {  	[dreg:$0x4] =	wrdreg $0xC0  }
0xb1: {  	_ =	task [dreg:s8], $0x5FFFF  }
0xb2: {  	[dreg:$0x1] =	wrdreg $0xFFFFFFFF  }
0xb3: {  	[dreg:$0x0] =	wrdreg $0x60  }
0xb4: {  	[dreg:$0x2] =	wrdreg s24  }
0xb5: {  	[dreg:$0x3] =	wrdreg s17  }
0xb6: {  	[dreg:$0x4] =	wrdreg s16  }
0xb7: {  	[dreg:$0x5] =	wrdreg $0x140800  }
0xb8: {  	[dreg:$0x6] =	wrdreg $0x18A000  }
0xb9: {  	[dreg:$0x7] =	wrdreg $0x1A2800  }
0xba: {  	[dreg:$0x8] =	wrdreg $0x1BB000  }
0xbb: {  	[dreg:$0x9] =	wrdreg $0x9  }
0xbc: {  	_ =	task.clear_ibuf [dreg:s8], $0xAFFFF;
	_ =	strace $0x90000049  }
0xbd: {  	s29 =	simm.s32 $0x9;
	_ =	strace $0x8000004B  }
0xbe: {  	_ =	swait.ge [sflag:s29], $0x1  }
0xbf: {  	[sflag:s29] =	ssyncadd.s32 $0xFFFFFFFF  }
0xc0: {  	_ =	strace $0x9000004B  }
0xc1: {  	_ =	sfence  }
0xc2: {  	s30 =	sld [smem:$0x0];
	_ =	sdelay $0x2  }
0xc3: {  	s31 =	sshll.u32 s1, $0xD;
	s1 =	sshrl.u32 s1, $0x2  }
0xc4: {  	s3 =	sand.u32 $0x4000, s31;
	s1 =	sadd.s32 s1, s30  }
0xc5: {  	s0 =	sor.u32 s3, s0;
	s1 =	sshll.u32 s1, $0x11  }
0xc6: {  	s0 =	sor.u32 s1, s0  }
0xc7: {  	s0 =	sadd.s32 $0x8F2B, s0  }
0xc8: {  	[sflag:s0] =	ssyncadd.remote.s32 $0x1  }
0xc9: {  	_ =	sfence.sel $0xFFFF  }
0xca: {  	[dreg:$0x0] =	wrdreg $0xFFFFFFFF;
	(pc) =	sbr.abs _section_cstart, $3  }
0xcb: {  	[dreg:$0x1] =	wrdreg $0xFFFFFFFF  }
0xcc: {  	_ =	task.clear_ibuf [dreg:s8], $0x2FFFF;
	_ =	strace $0x9FFFFFFF  }
0xcd: {  	(tm) =	ssettm $0x7FFFFFFF  }
tec
execute0_lowered:
.L_overlay_start_1:
0x0: {  	(tag) =	ssettag $0x1  }
0x1: {  	s0 =	rddreg [dreg:$0x0]  }
0x2: {  	s1 =	rddreg [dreg:$0x1]  }
0x3: {  	s2 =	rddreg [dreg:$0x3]  }
0x4: {  	s4 =	rddreg [dreg:$0x4]  }
0x5: {  	s5 =	rddreg [dreg:$0x5]  }
0x6: {  	s6 =	rddreg [dreg:$0x6];
	s15 =	stileid.u32  }
0x7: {  	s17 =	simm.s32 $0x0;
	s7 =	srdreg.scid;
	s28 =	simm.s32 $0x7  }
0x8: {  	s31 =	simm.s32 $0x1000;
	s29 =	simm.s32 $0x2;
	s30 =	simm.s32 $0xB000  }
0x9: {  	s3 =	smul.u32 $0x1880, s15;
	[smem:$0x7FF] =	sst s17;
	s7 =	sand.u32 $0x1, s7  }
0xa: {  	s9 =	smul.u32 $0x4980, s15;
	s8 =	sadd.s32 $0x600, s0;
	s13 =	sshll.u32 s15, $0x1  }
0xb: {  	s14 =	sadd.s32 $0x18D400, s0;
	s23 =	sshll.u32 s15, $0x6;
	_ =	strace $0x8000004A  }
0xc: {  	s11 =	smul.u32 $0x49800, s7;
	[dreg:$0x8] =	wrdreg s14;
	s13 =	sor.u32 s7, s13  }
0xd: {  	s7 =	ssub.s32 $0x2, s7;
	s14 =	sor.u32 $0x1C07, s23;
	s10 =	sshrl.u32 s3, $0x3  }
0xe: {  	s21 =	sshll.u32 s13, $0x1;
	s22 =	sshrl.u32 s7, $0x1;
	s24 =	sadd.s32 s3, s4  }
0xf: {  	s25 =	sadd.s32 s3, s5;
	s3 =	sadd.s32 s3, s6;
	s16 =	ssub.s32 $0xC54, s13  }
0x10: {  	s18 =	sshll.u32 s13, $0x8;
	[dreg:$0xa] =	wrdreg s14;
	s12 =	sadd.s32 s10, s0  }
0x11: {  	s11 =	sadd.s32 s9, s11;
	s7 =	ssub.s32 s7, s22;
	s9 =	sadd.s32 s9, s2  }
0x12: {  	s1 =	sadd.s32 s1, s10;
	s16 =	sshrl.u32 s16, $0x5;
	[dreg:$0x9] =	wrdreg s9  }
0x13: {  	s10 =	sadd.s32 s8, s18;
	s24 =	sshrl.u32 s24, $0x3;
	[dreg:$0xb] =	wrdreg s1  }
0x14: {  	s25 =	sshrl.u32 s25, $0x3;
	s18 =	simm.s32 $0x3000;
	[dreg:$0xe] =	wrdreg s10  }
0x15: {  	s11 =	sshrl.u32 s11, $0x3;
	s26 =	sadd.s32 $0x18A200, s12;
	[dreg:$0x13] =	wrdreg s24  }
0x16: {  	s15 =	sadd.s32 $0x187000, s12;
	s23 =	smax.u32 s7, $0x1;
	[dreg:$0x14] =	wrdreg s25  }
0x17: {  	s1 =	simm.s32 $0x12000;
	s9 =	simm.s32 $0xD000;
	s12 =	simm.s32 $0x1  }
0x18: {  	s11 =	sadd.s32 s11, s0;
	s0 =	sadd.s32 s21, s0;
	[dreg:$0xc] =	wrdreg s26  }
0x19: {  	[dreg:$0xd] =	wrdreg s15;
	s15 =	sshll.u32 s13, $0xB;
	s21 =	sand.u32 $0x1, s16  }
0x1a: {  	[dreg:$0x12] =	wrdreg s23;
	s26 =	sshrl.u32 s3, $0x3;
	s3 =	simm.s32 $0xC000  }
0x1b: {  	s19 =	sshrl.u32 s15, $0x3;
	p0 =	seq.s32 s21, $0x1;
	s0 =	sadd.s32 $0x1A0400, s0  }
.Ltmp0:
0x1c: {  	s22 =	sadd.s32 $0x18DE00, s11;
	[dreg:$0x15] =	wrdreg s26;
	(pc) =	sbr.rel .LBB2_1-.Ltmp0, $4  }
0x1d: {  	s26 =	simm.s32 $0x3;
	s11 =	simm.s32 $0x0;
	[dreg:$0x10] =	wrdreg s0  }
0x1e: {  	s20 =	sadd.s32 s8, s19;
	[dreg:$0x11] =	wrdreg s22;
	s22 =	simm.s32 $0x3  }
0x1f: {  	s0 =	simm.s32 $0x11000;
	s19 =	simm.s32 $0x9000;
	s10 =	sadd.s32 $0xC3500, s20  }
0x20: {  	v0 =	vimm.f32 $0.0e+00;
	s22 =	simm.s32 @!p0 $0x4;
	[dreg:$0xf] =	wrdreg s10;
	s10 =	simm.s32 $0x13000  }
.LBB2_10:
0x21: {  	_ =	swait.ge [sflag:s22], $0x1000  }
0x22: {  	[sflag:s22] =	ssyncset.done $0x0  }
0x23: {  	[sflag:s22] =	ssyncadd.s32 $0xFFFFF000  }
0x24: {  	_ =	swait.ge [sflag:s22], $0x1000  }
0x25: {  	[sflag:s22] =	ssyncset.done $0x0  }
0x26: {  	[sflag:s22] =	ssyncadd.s32 $0xFFFFF000  }
0x27: {  	_ =	swait.ge [sflag:s22], $0x1000  }
0x28: {  	s17 =	simm.s32 $0x0;
	[sflag:s22] =	ssyncset.done $0x0  }
0x29: {  	s11 =	simm.s32 $0x14020;
	s7 =	rddreg [dreg:$0x10];
	[sflag:s22] =	ssyncadd.s32 $0xFFFFF000  }
0x2a: {  	[hbm4b:s7+s17] =	stream.linear.scatter [tilespmem:s11], [sflag:$0x7], $0x10, $0x38;
	[tilespmem:$0x1D380] =	vst v63  }
0x2b: {  	_ =	swait.ge [sflag:s28], $0x10  }
0x2c: {  	[sflag:s28] =	ssyncset.done $0x0  }
0x2d: {  	[sflag:s28] =	ssyncadd.s32 $0xFFFFFFF0  }
0x2e: {  	[bflag:$0x0] =	sbarrier.arrive $0xFFFF  }
0x2f: {  	s14 =	rddreg [dreg:$0xa]  }
0x30: {  	s21 =	rddreg [dreg:$0x11]  }
0x31: {  	s23 =	rddreg [dreg:$0x17]  }
0x32: {  	[hbm:s21], [sflag:s14] =	dma.local [spmem:s23], $0x930  }
0x33: {  	_ =	swait.ge [sflag:s28], $0x930  }
0x34: {  	s24 =	rddreg [dreg:$0x16]  }
0x35: {  	s25 =	rddreg [dreg:$0x12];
	s11 =	sadd.s32 $0x1, s24  }
0x36: {  	p0 =	sne.s32 s11, s25  }
.Ltmp1:
0x37: {  	_ = 	snop;
	(pc) =	sbr.rel @!p0 .LBB2_11-.Ltmp1, $3  }
0x38: {  	_ =	sdelay $0x1  }
0x39: {  	[sflag:s28] =	ssyncset.done $0x0  }
0x3a: {  	[sflag:s28] =	ssyncadd.s32 $0xFFFFF6D0  }
.LBB2_1:
0x3b: {  	[dreg:$0x16] =	wrdreg s11  }
0x3c: {  	s7 =	rddreg [dreg:$0x9]  }
0x3d: {  	s25 =	rddreg [dreg:$0x8];
	s24 =	sshrl.u32 s7, $0x3  }
0x3e: {  	[dreg:$0x17] =	wrdreg s24  }
0x3f: {  	[spmem:s24], [sflag:s14] =	dma.local [hbm:s25], $0x930  }
0x40: {  	_ =	swait.ge [sflag:s28], $0x930  }
0x41: {  	[sflag:s28] =	ssyncset.done $0x0;
	s13 =	rddreg [dreg:$0xb]  }
0x42: {  	s20 =	rddreg [dreg:$0x13];
	[sflag:s28] =	ssyncadd.s32 $0xFFFFF6D0  }
0x43: {  	[spmem:s20], [sflag:s14] =	dma.local [hbm:s13], $0x310  }
0x44: {  	_ =	swait.ge [sflag:s28], $0x310  }
0x45: {  	[sflag:s28] =	ssyncset.done $0x0;
	s21 =	rddreg [dreg:$0xc]  }
0x46: {  	s23 =	rddreg [dreg:$0x14];
	[sflag:s28] =	ssyncadd.s32 $0xFFFFFCF0  }
0x47: {  	[spmem:s23], [sflag:s14] =	dma.local [hbm:s21], $0x310  }
0x48: {  	_ =	swait.ge [sflag:s28], $0x310  }
0x49: {  	[sflag:s28] =	ssyncset.done $0x0;
	s24 =	rddreg [dreg:$0xd]  }
0x4a: {  	s25 =	rddreg [dreg:$0x15];
	[sflag:s28] =	ssyncadd.s32 $0xFFFFFCF0  }
0x4b: {  	[spmem:s25], [sflag:s14] =	dma.local [hbm:s24], $0x310  }
0x4c: {  	_ =	swait.ge [sflag:s28], $0x310  }
0x4d: {  	[sflag:s28] =	ssyncset.done $0x0  }
0x4e: {  	[sflag:s28] =	ssyncadd.s32 $0xFFFFFCF0  }
0x4f: {  	s13 =	simm.s32 $0x14000;
	s11 =	rddreg [dreg:$0x2]  }
0x50: {  	[tilespmem:s13], [sflag:$0x7] =	stream.linear.gather [hbm4b:s11+s17], $0x20, $0x38;
	[tilespmem:$0x1D380] =	vst v63  }
0x51: {  	_ =	swait.ge [sflag:s28], $0x20  }
0x52: {  	[sflag:s28] =	ssyncset.done $0x0  }
0x53: {  	[sflag:s28] =	ssyncadd.s32 $0xFFFFFFE0  }
0x54: {  	[tilespmem:$0x14020] =	vst v0  }
0x55: {  	[bflag:$0x0] =	sbarrier.arrive $0xFFFF  }
0x56: {  	v1 =	vld [tilespmem:$0x14000];
	s14 =	rddreg [dreg:$0xe]  }
0x57: {  	v2 =	vld [tilespmem:$0x14010];
	[tilespmem:s17], [sflag:$0x7] =	stream.linear.gather [hbm4b:s14+s17], $0x800, $0x38  }
0x58: {  	_ =	swait.ge [sflag:s28], $0x800  }
0x59: {  	[sflag:s28] =	ssyncset.done $0x0  }
0x5a: {  	s21 =	simm.s32 $0x800;
	s20 =	rddreg [dreg:$0xf];
	[sflag:s28] =	ssyncadd.s32 $0xFFFFF800  }
0x5b: {  	[tilespmem:s21], [sflag:$0x7] =	stream.linear.gather [hbm4b:s20+s17], $0x800, $0x38;
	[tilespmem:$0x1D380] =	vst v63  }
0x5c: {  	_ =	swait.ge [sflag:s28], $0x800  }
0x5d: {  	[sflag:s28] =	ssyncset.done $0x0  }
0x5e: {  	s23 =	simm.s32 $0x4000;
	[sflag:s28] =	ssyncadd.s32 $0xFFFFF800  }
0x5f: {  	[tilespmem:s23], [sflag:$0x1] =	stream.indirect.gather [spmem:s4], $0x1, s17, s31, $0xb8;
	[tilespmem:$0x1D380] =	vst v63  }
.Ltmp2:
0x60: {  	_ = 	snop;
	(pc) =	sbr.rel .LBB2_2-.Ltmp2, $4  }
0x61: {  	s24 =	simm.s32 $0x5000  }
0x62: {  	[tilespmem:s24], [sflag:$0x1] =	stream.indirect.gather [spmem:s5], $0x1, s17, s31, $0xb8;
	[tilespmem:$0x1D380] =	vst v63  }
0x63: {  	s25 =	simm.s32 $0x6000;
	s23 =	simm.s32 $0x0  }
0x64: {  	[tilespmem:s25], [sflag:$0x1] =	stream.indirect.gather [spmem:s6], $0x1, s17, s31, $0xb8;
	[tilespmem:$0x1D380] =	vst v63  }
.LBB2_9:
0x65: {  	p0 =	sne.s32 s24, s16  }
.Ltmp3:
0x66: {  	_ = 	snop;
	(pc) =	sbr.rel @!p0 .LBB2_10-.Ltmp3, $2  }
0x67: {  	_ =	sdelay $0x2  }
0x68: {  	s23 =	smov.u32 s24  }
.LBB2_2:
0x69: {  	s25 =	sand.u32 $0x1, s23  }
0x6a: {  	p0 =	seq.s32 s25, $0x1  }
.Ltmp4:
0x6b: {  	_ = 	snop;
	(pc) =	sbr.rel @p0 .LBB2_6-.Ltmp4, $1  }
0x6c: {  	_ =	sdelay $0x3  }
0x6d: {  	s24 =	sor.u32 $0x1, s23  }
0x6e: {  	p0 =	sge.u32 s24, s16  }
0x6f: {  	s7 =	sshll.u32 @!p0 s24, $0x10  }
0x70: {  	s7 =	sor.u32 @!p0 s15, s7  }
0x71: {  	s7 =	sshrl.u32 @!p0 s7, $0x3  }
0x72: {  	s11 =	simm.s32 @!p0 $0x0;
	s13 =	simm.s32 @!p0 $0xA000;
	s7 =	sadd.s32 @!p0 s8, s7  }
0x73: {  	[tilespmem:s13], [sflag:$0x6] =	stream.linear.gather @!p0 [hbm4b:s7+s11], $0x800, $0x38;
	[tilespmem:$0x1D380] =	vst v63  }
0x74: {  	s14 =	simm.s32 @!p0 $0xA800;
	s7 =	sadd.s32 @!p0 $0xC3500, s7  }
0x75: {  	[tilespmem:s14], [sflag:$0x6] =	stream.linear.gather @!p0 [hbm4b:s7+s11], $0x800, $0x38;
	[tilespmem:$0x1D380] =	vst v63  }
0x76: {  	s7 =	simm.s32 @!p0 $0x6  }
0x77: {  	_ =	swait.ge @!p0 [sflag:s7], $0x800  }
0x78: {  	[sflag:s7] =	ssyncset.done @!p0 $0x0  }
0x79: {  	[sflag:s7] =	ssyncadd.s32 @!p0 $0xFFFFF800  }
0x7a: {  	_ =	swait.ge @!p0 [sflag:s7], $0x800  }
0x7b: {  	[sflag:s7] =	ssyncset.done @!p0 $0x0  }
0x7c: {  	s11 =	simm.s32 @!p0 $0xE000;
	[sflag:s7] =	ssyncadd.s32 @!p0 $0xFFFFF800;
	s7 =	simm.s32 @!p0 $0x1000  }
0x7d: {  	[tilespmem:s11], [sflag:$0x2] =	stream.indirect.gather @!p0 [spmem:s4], $0x1, s13, s7, $0xb8;
	[tilespmem:$0x1D380] =	vst v63  }
0x7e: {  	s11 =	simm.s32 @!p0 $0xF000  }
0x7f: {  	[tilespmem:s11], [sflag:$0x2] =	stream.indirect.gather @!p0 [spmem:s5], $0x1, s13, s7, $0xb8;
	[tilespmem:$0x1D380] =	vst v63  }
0x80: {  	s11 =	simm.s32 @!p0 $0x10000  }
0x81: {  	[tilespmem:s11], [sflag:$0x2] =	stream.indirect.gather @!p0 [spmem:s6], $0x1, s13, s7, $0xb8;
	[tilespmem:$0x1D380] =	vst v63  }
0x82: {  	_ =	swait.ge [sflag:s12], $0x1000  }
0x83: {  	[sflag:s12] =	ssyncset.done $0x0  }
0x84: {  	[sflag:s12] =	ssyncadd.s32 $0xFFFFF000  }
0x85: {  	_ =	swait.ge [sflag:s12], $0x1000  }
0x86: {  	[sflag:s12] =	ssyncset.done $0x0  }
0x87: {  	[sflag:s12] =	ssyncadd.s32 $0xFFFFF000  }
0x88: {  	_ =	swait.ge [sflag:s12], $0x1000  }
0x89: {  	[sflag:s12] =	ssyncset.done $0x0  }
0x8a: {  	s21 =	simm.s32 $0x0;
	[sflag:s12] =	ssyncadd.s32 $0xFFFFF000  }
0x8b: {  	v3 =	vld [tilespmem:s21+$0x4000]  }
0x8c: {  	v4 =	vld [tilespmem:s21+$0x4800]  }
0x8d: {  	v6 =	vld [tilespmem:s21+$0x0]  }
0x8e: {  	v5 =	vld [tilespmem:s21+$0x5000]  }
0x8f: {  	v7 =	vld [tilespmem:s21+$0x5800]  }
0x90: {  	v8 =	vld [tilespmem:s21+$0x6000]  }
0x91: {  	v9 =	vld [tilespmem:s21+$0x6800];
	_ =	sdelay $0x2  }
0x92: {  	v10 =	vld [tilespmem:s21+$0x800];
	v3 =	vsub.f32 v3, v4;
	v5 =	vsub.f32 v5, v7  }
0x93: {  	v4 =	vmul.u32 $0x3, v6  }
0x94: {  	v7 =	vsub.f32 v8, v9;
	v6 =	vmul.f32 v3, v3;
	v8 =	vmul.f32 v5, v5;
	_ =	sdelay $0x1  }
0x95: {  	v6 =	vadd.f32 v8, v6;
	v8 =	vmul.f32 v7, v7  }
0x96: {  	v9 =	vmul.u32 $0x3, v10  }
0x97: {  	v16 =	vld [tilespmem:$0x14020];
	[tilespmem:s21+$0x1000] =	vst v4;
	v6 =	vadd.f32 v8, v6  }
0x98: {  	v10 =	vadd.s32 $0x1, v4;
	[tilespmem:s21+$0x1800] =	vst v9  }
0x99: {  	v4 =	vadd.s32 $0x2, v4;
	[tilespmem:s21+$0x2000] =	vst v10;
	v11 =	vadd.f32 $9.999999960e-13, v6  }
0x9a: {  	s7 =	simm.s32 $0x10;
	[tilespmem:s21+$0x3000] =	vst v4  }
0x9b: {  	v4 =	vld [tilespmem:s7+$0x4000];
	v10 =	vshra.s32 v11, $0x1;
	v12 =	vmul.f32 $5.000000000e-01, v11  }
0x9c: {  	v13 =	vld [tilespmem:s7+$0x800];
	v10 =	vsub.s32 $0x5F3759DF, v10  }
0x9d: {  	v14 =	vld [tilespmem:s7+$0x5000];
	v15 =	vmul.f32 v10, v12  }
0x9e: {  	v8 =	vld [tilespmem:s7+$0x0]  }
0x9f: {  	v6 =	vld [tilespmem:s7+$0x4800];
	v15 =	vmul.f32 v10, v15  }
0xa0: {  	v18 =	vadd.s32 $0x1, v9;
	v17 =	vld [tilespmem:s7+$0x5800]  }
0xa1: {  	v19 =	vld [tilespmem:s7+$0x6000];
	[tilespmem:s21+$0x2800] =	vst v18;
	v15 =	vsub.f32 $1.500000000e+00, v15  }
0xa2: {  	v18 =	vld [tilespmem:s7+$0x6800]  }
0xa3: {  	v10 =	vmul.f32 v10, v15  }
0xa4: {  	v8 =	vmul.u32 $0x3, v8;
	v6 =	vsub.f32 v4, v6  }
0xa5: {  	v9 =	vadd.s32 $0x2, v9;
	v4 =	vsub.f32 v14, v17;
	v15 =	vmul.f32 v10, v12  }
0xa6: {  	[tilespmem:s21+$0x3800] =	vst v9;
	v17 =	vadd.s32 $0x1, v8;
	v14 =	vmul.f32 v6, v6  }
0xa7: {  	[tilespmem:s7+$0x1000] =	vst v8;
	v9 =	vsub.f32 v19, v18;
	v18 =	vmul.f32 v4, v4;
	v15 =	vmul.f32 v15, v10  }
0xa8: {  	v13 =	vmul.u32 $0x3, v13;
	v8 =	vadd.s32 $0x2, v8;
	[tilespmem:s7+$0x2000] =	vst v17  }
0xa9: {  	[tilespmem:s7+$0x3000] =	vst v8;
	v17 =	vmul.f32 v9, v9;
	v14 =	vadd.f32 v18, v14;
	v8 =	vsub.f32 $1.500000000e+00, v15  }
0xaa: {  	s11 =	simm.s32 $0x20;
	[tilespmem:s7+$0x1800] =	vst v13  }
0xab: {  	v21 =	vld [tilespmem:s11+$0x5800];
	v14 =	vadd.f32 v17, v14;
	v10 =	vmul.f32 v8, v10  }
0xac: {  	v24 =	vld [tilespmem:s11+$0x6000]  }
0xad: {  	v17 =	vld [tilespmem:s11+$0x4800];
	v19 =	vadd.f32 $9.999999960e-13, v14;
	v8 =	vmul.f32 v10, v12  }
0xae: {  	v15 =	vld [tilespmem:s11+$0x4000]  }
0xaf: {  	v18 =	vld [tilespmem:s11+$0x0];
	v20 =	vshra.s32 v19, $0x1;
	v22 =	vmul.f32 $5.000000000e-01, v19;
	v8 =	vmul.f32 v8, v10  }
0xb0: {  	v23 =	vadd.s32 $0x1, v13;
	v20 =	vsub.s32 $0x5F3759DF, v20;
	v12 =	vld [tilespmem:s11+$0x5000]  }
0xb1: {  	v14 =	vld [tilespmem:s11+$0x800];
	[tilespmem:s7+$0x2800] =	vst v23;
	v23 =	vmul.f32 v20, v22;
	v25 =	vsub.f32 $1.500000000e+00, v8;
	_ =	sdelay $0x1  }
0xb2: {  	v26 =	vld [tilespmem:s11+$0x6800];
	v8 =	vsub.f32 v15, v17;
	v17 =	vmul.f32 v20, v23;
	v15 =	vmul.f32 v25, v10;
	_ =	sdelay $0x1  }
0xb3: {  	v10 =	vsub.f32 v12, v21;
	v17 =	vsub.f32 $1.500000000e+00, v17;
	v21 =	vmul.f32 v15, v11  }
0xb4: {  	v13 =	vadd.s32 $0x2, v13;
	v18 =	vmul.u32 $0x3, v18  }
0xb5: {  	[tilespmem:s7+$0x3800] =	vst v13;
	v13 =	vmul.u32 $0x3, v14;
	v17 =	vmul.f32 v20, v17;
	v20 =	vadd.f32 $1.000000000e+00, v21  }
0xb6: {  	[tilespmem:s11+$0x1000] =	vst v18;
	v12 =	vmul.f32 v8, v8;
	v11 =	vsub.f32 v24, v26;
	v14 =	vmul.f32 v10, v10  }
0xb7: {  	[tilespmem:s11+$0x1800] =	vst v13;
	v21 =	vadd.s32 $0x1, v18;
	(erf) = vrcp.f32 v20;
	v20 =	vmul.f32 v17, v22  }
0xb8: {  	v12 =	vadd.f32 v14, v12;
	v14 =	vmul.f32 v11, v11;
	v18 =	vadd.s32 $0x2, v18;
	[tilespmem:s11+$0x2000] =	vst v21  }
0xb9: {  	s20 =	simm.s32 $0x30;
	[tilespmem:s11+$0x3000] =	vst v18;
	v20 =	vmul.f32 v20, v17  }
0xba: {  	v12 =	vadd.f32 v14, v12;
	v14 =	vld [tilespmem:s20+$0x4000]  }
0xbb: {  	v26 =	vld [tilespmem:s20+$0x5000];
	v20 =	vsub.f32 $1.500000000e+00, v20  }
0xbc: {  	v27 =	vld [tilespmem:s20+$0x5800];
	v18 =	vadd.f32 $9.999999960e-13, v12  }
0xbd: {  	v12 =	vld [tilespmem:s20+$0x4800];
	v17 =	vmul.f32 v20, v17  }
0xbe: {  	v23 =	vshra.s32 v18, $0x1;
	v24 =	vmul.f32 $5.000000000e-01, v18  }
0xbf: {  	v28 =	vadd.s32 $0x1, v13;
	v21 =	vld [tilespmem:s20+$0x0];
	v23 =	vsub.s32 $0x5F3759DF, v23;
	v22 =	vmul.f32 v17, v22  }
0xc0: {  	v25 =	vld [tilespmem:s20+$0x800];
	v20 =	vmul.f32 v23, v24  }
0xc1: {  	v32 =	vadd.s32 $0x2, v13;
	v29 =	vld [tilespmem:s20+$0x6000];
	[tilespmem:s11+$0x2800] =	vst v28;
	v22 =	vmul.f32 v22, v17  }
0xc2: {  	v30 =	vld [tilespmem:s20+$0x6800];
	v13 =	vsub.f32 v14, v12;
	v12 =	vsub.f32 v26, v27;
	v20 =	vmul.f32 v23, v20;
	v28 =	vpop (erf)  }
0xc3: {  	v31 =	vmul.f32 v28, v2;
	v22 =	vsub.f32 $1.500000000e+00, v22  }
0xc4: {  	v27 =	vmul.f32 v12, v12;
	v20 =	vsub.f32 $1.500000000e+00, v20  }
0xc5: {  	v31 =	vmul.f32 v31, v31;
	v17 =	vmul.f32 v22, v17  }
0xc6: {  	v21 =	vmul.u32 $0x3, v21;
	v20 =	vmul.f32 v23, v20;
	v23 =	vmul.f32 v13, v13  }
0xc7: {  	v14 =	vsub.f32 v29, v30;
	v26 =	vmul.f32 v31, v31;
	v19 =	vmul.f32 v17, v19  }
0xc8: {  	[tilespmem:s11+$0x3800] =	vst v32;
	v29 =	vmul.f32 v20, v24;
	v23 =	vadd.f32 v27, v23;
	v27 =	vadd.s32 $0x1, v21  }
0xc9: {  	[tilespmem:s20+$0x2000] =	vst v27;
	v22 =	vmul.f32 v26, v31;
	v27 =	vadd.f32 $1.000000000e+00, v19  }
0xca: {  	v34 =	vmul.u32 $0x3, v25;
	v25 =	vmul.f32 v14, v14;
	v26 =	vmul.f32 v29, v20  }
0xcb: {  	[tilespmem:s20+$0x1000] =	vst v21;
	v29 =	vmul.f32 v22, v22;
	(erf) = vrcp.f32 v27  }
0xcc: {  	[tilespmem:s20+$0x1800] =	vst v34;
	v21 =	vadd.s32 $0x2, v21;
	v23 =	vadd.f32 v25, v23;
	v25 =	vsub.f32 $1.500000000e+00, v26  }
0xcd: {  	s13 =	simm.s32 $0x40;
	[tilespmem:s20+$0x3000] =	vst v21;
	v30 =	vmul.f32 $6.000000000e+00, v22;
	v31 =	vmul.f32 $-1.200000000e+01, v29  }
0xce: {  	v19 =	vld [tilespmem:s13+$0x4000];
	v21 =	vadd.f32 $9.999999960e-13, v23;
	v26 =	vmul.f32 v25, v20  }
0xcf: {  	v23 =	vsub.f32 v29, v22;
	v20 =	vld [tilespmem:s13+$0x4800];
	v27 =	vadd.f32 v31, v30  }
0xd0: {  	v25 =	vld [tilespmem:s13+$0x0];
	v29 =	vshra.s32 v21, $0x1;
	v22 =	vmul.f32 $5.000000000e-01, v21;
	v30 =	vmul.f32 v26, v24  }
0xd1: {  	v29 =	vsub.s32 $0x5F3759DF, v29;
	v35 =	vmul.f32 v23, v1;
	v24 =	vld [tilespmem:s13+$0x800];
	v36 =	vmul.f32 v27, v1  }
0xd2: {  	v33 =	vadd.s32 $0x1, v34;
	v23 =	vld [tilespmem:s13+$0x5000];
	v32 =	vmul.f32 v29, v22;
	v30 =	vmul.f32 v30, v26  }
0xd3: {  	s14 =	simm.s32 $0x140;
	v31 =	vld [tilespmem:s13+$0x5800];
	v27 =	vadd.s32 $0x2, v34;
	v16 =	vadd.f32 v35, v16;
	v28 =	vmul.f32 v36, v28  }
.LBB2_4:
0xd4: {  	p0 =	sne.s32 s14, $0x1FC0;
	v20 =	vsub.f32 v19, v20;
	v19 =	vld [tilespmem:s13+$0x6000];
	[tilespmem:s20+$0x2800] =	vst v33;
	v32 =	vmul.f32 v29, v32;
	v30 =	vsub.f32 $1.500000000e+00, v30;
	v34 =	vpop (erf);
	s17 =	smov.u32 s11;
	s11 =	smov.u32 s20  }
0xd5: {  	s20 =	smov.u32 s13;
	v25 =	vmul.u32 $0x3, v25;
	v33 =	vld [tilespmem:s13+$0x6800];
	[tilespmem:s11+$0x3800] =	vst v27;
	v27 =	vmul.f32 v34, v2;
	v28 =	vmul.f32 $-5.000000000e-01, v28  }
0xd6: {  	v35 =	vmul.f32 v20, v20;
	v32 =	vsub.f32 $1.500000000e+00, v32;
	v26 =	vmul.f32 v30, v26  }
0xd7: {  	v36 =	vmul.u32 $0x3, v24;
	[tilespmem:s20+$0x1000] =	vst v25;
	v24 =	vmul.f32 v27, v27;
	v27 =	vmul.f32 v28, v15;
	v15 =	vmovc v17  }
0xd8: {  	v23 =	vsub.f32 v23, v31;
	v28 =	vmul.f32 v29, v32;
	v18 =	vmul.f32 v26, v18;
	v17 =	vmovc v26  }
0xd9: {  	v26 =	vadd.s32 $0x1, v25;
	[tilespmem:s20+$0x1800] =	vst v36;
	v29 =	vmul.f32 v24, v24;
	v30 =	vmul.f32 v27, v7;
	v7 =	vmovc v9  }
0xda: {  	[tilespmem:s20+$0x2000] =	vst v26;
	v19 =	vsub.f32 v19, v33;
	v26 =	vmul.f32 v23, v23;
	v31 =	vmul.f32 v28, v22  }
0xdb: {  	v9 =	vmovc v11;
	v11 =	vmovc v14;
	v32 =	vadd.f32 $1.000000000e+00, v18;
	v24 =	vmul.f32 v29, v24;
	[tilespmem:s21+$0x9000] =	vst v30;
	v29 =	vsub.f32 $0.0e+00, v30  }
0xdc: {  	v26 =	vadd.f32 v26, v35;
	v30 =	vmul.f32 v19, v19;
	v31 =	vmul.f32 v31, v28;
	v14 =	vmovc v19  }
0xdd: {  	v19 =	vadd.s32 $0x2, v25;
	v18 =	vmovc v21;
	(erf) = vrcp.f32 v32;
	v25 =	vmul.f32 v24, v24;
	[tilespmem:s21+$0x9800] =	vst v29  }
0xde: {  	v29 =	vmul.f32 v27, v3;
	v3 =	vmovc v6;
	[tilespmem:s20+$0x3000] =	vst v19;
	v21 =	vadd.f32 v30, v26;
	v26 =	vsub.f32 $1.500000000e+00, v31  }
0xdf: {  	s13 =	sshra.s32 s14, $0x2;
	v6 =	vmovc v8;
	v8 =	vmovc v13;
	v30 =	vsub.f32 v25, v24;
	v24 =	vmul.f32 $6.000000000e+00, v24;
	v25 =	vmul.f32 $-1.200000000e+01, v25  }
0xe0: {  	v27 =	vmul.f32 v27, v5;
	v13 =	vmovc v20;
	v19 =	vld [tilespmem:s13+$0x4000];
	v21 =	vadd.f32 $9.999999960e-13, v21;
	v26 =	vmul.f32 v26, v28;
	[tilespmem:s21+$0x7000] =	vst v29  }
.Ltmp5:
0xe1: {  	v5 =	vmovc v4;
	v4 =	vmovc v10;
	v31 =	vsub.f32 $0.0e+00, v29;
	v20 =	vld [tilespmem:s13+$0x4800];
	v28 =	vmul.f32 v30, v1;
	v30 =	vadd.f32 v25, v24;
	(pc) =	sbr.rel @p0 .LBB2_4-.Ltmp5, $4  }
0xe2: {  	v10 =	vmovc v12;
	v12 =	vmovc v23;
	v25 =	vld [tilespmem:s13+$0x0];
	v29 =	vshra.s32 v21, $0x1;
	v35 =	vmul.f32 v26, v22;
	v22 =	vmul.f32 $5.000000000e-01, v21;
	[tilespmem:s21+$0x8000] =	vst v27  }
0xe3: {  	v38 =	vsub.f32 $0.0e+00, v27;
	v24 =	vld [tilespmem:s13+$0x800];
	v29 =	vsub.s32 $0x5F3759DF, v29;
	v37 =	vmul.f32 v30, v1;
	[tilespmem:s21+$0x7800] =	vst v31  }
0xe4: {  	v33 =	vadd.s32 $0x1, v36;
	v23 =	vld [tilespmem:s13+$0x5000];
	v32 =	vmul.f32 v29, v22;
	v30 =	vmul.f32 v35, v26  }
0xe5: {  	s14 =	sadd.s32 $0x40, s14;
	v27 =	vadd.s32 $0x2, v36;
	v16 =	vadd.f32 v28, v16;
	v31 =	vld [tilespmem:s13+$0x5800];
	v28 =	vmul.f32 v37, v34;
	[tilespmem:s21+$0x8800] =	vst v38;
	s21 =	smov.u32 s7;
	s7 =	smov.u32 s17  }
0xe6: {  	v34 =	vld [tilespmem:s13+$0x6000];
	[tilespmem:s20+$0x2800] =	vst v33  }
0xe7: {  	v33 =	vld [tilespmem:s13+$0x6800];
	_ =	sdelay $0x2  }
0xe8: {  	v20 =	vsub.f32 v19, v20;
	v19 =	vsub.f32 v23, v31;
	_ =	sdelay $0x1  }
0xe9: {  	v59 =	vmul.f32 v20, v20;
	v23 =	vsub.f32 v34, v33;
	v60 =	vmul.f32 v19, v19;
	_ =	sdelay $0x1  }
0xea: {  	v31 =	vadd.f32 v60, v59;
	v61 =	vmul.f32 v23, v23;
	_ =	sdelay $0x1  }
0xeb: {  	v31 =	vadd.f32 v61, v31  }
0xec: {  	v32 =	vmul.f32 v29, v32  }
0xed: {  	v31 =	vadd.f32 $9.999999960e-13, v31  }
0xee: {  	v32 =	vsub.f32 $1.500000000e+00, v32  }
0xef: {  	v62 =	vshra.s32 v31, $0x1;
	v63 =	vmul.f32 $5.000000000e-01, v31  }
0xf0: {  	v36 =	vmul.f32 v29, v32;
	v37 =	vsub.s32 $0x5F3759DF, v62  }
0xf1: {  	v33 =	vmul.f32 v37, v63  }
0xf2: {  	v35 =	vmul.f32 v36, v22  }
0xf3: {  	v30 =	vsub.f32 $1.500000000e+00, v30;
	v33 =	vmul.f32 v37, v33  }
0xf4: {  	v35 =	vmul.f32 v35, v36  }
0xf5: {  	v26 =	vmul.f32 v30, v26;
	v33 =	vsub.f32 $1.500000000e+00, v33  }
0xf6: {  	v35 =	vsub.f32 $1.500000000e+00, v35  }
0xf7: {  	v18 =	vmul.f32 v26, v18;
	v32 =	vmul.f32 v37, v33  }
0xf8: {  	v29 =	vmul.f32 v35, v36  }
0xf9: {  	v18 =	vadd.f32 $1.000000000e+00, v18;
	v38 =	vmul.f32 v32, v63  }
0xfa: {  	v39 =	vmul.f32 v29, v22  }
0xfb: {  	(erf) = vrcp.f32 v18;
	v30 =	vmul.f32 v38, v32  }
0xfc: {  	v22 =	vmul.f32 v39, v29  }
0xfd: {  	v30 =	vsub.f32 $1.500000000e+00, v30  }
0xfe: {  	v22 =	vsub.f32 $1.500000000e+00, v22  }
0xff: {  	v40 =	vmul.f32 v30, v32  }
0x100: {  	v22 =	vmul.f32 v22, v29  }
0x101: {  	v41 =	vmul.f32 v40, v63  }
0x102: {  	v21 =	vmul.f32 v22, v21  }
0x103: {  	v42 =	vpop (erf);
	v29 =	vmul.f32 v41, v40  }
0x104: {  	v45 =	vpop (erf);
	v21 =	vadd.f32 $1.000000000e+00, v21  }
0x105: {  	v46 =	vmul.f32 v45, v2;
	v29 =	vsub.f32 $1.500000000e+00, v29  }
0x106: {  	v43 =	vmul.f32 v42, v2;
	(erf) = vrcp.f32 v21  }
0x107: {  	v47 =	vmul.f32 v46, v46;
	v18 =	vmul.f32 v29, v40  }
0x108: {  	v28 =	vmul.f32 $-5.000000000e-01, v28;
	v32 =	vmul.f32 v43, v43  }
0x109: {  	v48 =	vmul.f32 v47, v47;
	v31 =	vmul.f32 v18, v31  }
0x10a: {  	v44 =	vmul.f32 v32, v32  }
0x10b: {  	v15 =	vmul.f32 v28, v15;
	v28 =	vmul.f32 v48, v47;
	v31 =	vadd.f32 $1.000000000e+00, v31  }
0x10c: {  	v21 =	vmul.f32 v44, v32  }
0x10d: {  	[tilespmem:s20+$0x3800] =	vst v27;
	v27 =	vmul.f32 v28, v28;
	(erf) = vrcp.f32 v31  }
0x10e: {  	v25 =	vmul.u32 $0x3, v25;
	v53 =	vmul.f32 $6.000000000e+00, v28;
	v33 =	vmul.f32 v21, v21  }
0x10f: {  	v24 =	vmul.u32 $0x3, v24;
	v37 =	vmul.f32 $-1.200000000e+01, v27;
	v36 =	vpop (erf);
	v49 =	vmul.f32 $6.000000000e+00, v21  }
0x110: {  	[tilespmem:s13+$0x1000] =	vst v25;
	v51 =	vmul.f32 v36, v2;
	v50 =	vmul.f32 $-1.200000000e+01, v33  }
0x111: {  	v52 =	vadd.s32 $0x1, v25;
	[tilespmem:s13+$0x1800] =	vst v24;
	v7 =	vmul.f32 v15, v7;
	v56 =	vadd.f32 v37, v53  }
0x112: {  	[tilespmem:s13+$0x2000] =	vst v52;
	v32 =	vmul.f32 v51, v51;
	v31 =	vadd.f32 v50, v49  }
0x113: {  	v3 =	vmul.f32 v15, v3;
	v54 =	vsub.f32 $0.0e+00, v7;
	[tilespmem:s21+$0x9000] =	vst v7;
	v7 =	vmul.f32 v56, v1  }
0x114: {  	v55 =	vmul.f32 v32, v32;
	v31 =	vmul.f32 v31, v1  }
0x115: {  	v57 =	vadd.s32 $0x2, v25;
	v5 =	vmul.f32 v15, v5;
	[tilespmem:s21+$0x9800] =	vst v54;
	v7 =	vmul.f32 v7, v45  }
0x116: {  	[tilespmem:s13+$0x3000] =	vst v57;
	v59 =	vmul.f32 v55, v32;
	v30 =	vmul.f32 v31, v42;
	v60 =	vpop (erf)  }
0x117: {  	[tilespmem:s21+$0x7000] =	vst v3;
	v3 =	vsub.f32 $0.0e+00, v3;
	v7 =	vmul.f32 $-5.000000000e-01, v7;
	v61 =	vmul.f32 v60, v2  }
0x118: {  	[tilespmem:s21+$0x8000] =	vst v5;
	v62 =	vmul.f32 v59, v59;
	v58 =	vmul.f32 $-5.000000000e-01, v30  }
0x119: {  	v5 =	vsub.f32 $0.0e+00, v5;
	[tilespmem:s21+$0x7800] =	vst v3;
	v3 =	vmul.f32 $6.000000000e+00, v59;
	v15 =	vmul.f32 v61, v61  }
0x11a: {  	v63 =	vmul.f32 $-1.200000000e+01, v62;
	v17 =	vmul.f32 v58, v17  }
0x11b: {  	[tilespmem:s21+$0x8800] =	vst v5;
	v37 =	vadd.s32 $0x1, v24;
	v24 =	vadd.s32 $0x2, v24;
	v39 =	vmul.f32 v15, v15  }
0x11c: {  	[tilespmem:s13+$0x2800] =	vst v37;
	v41 =	vmul.f32 v7, v26;
	v3 =	vadd.f32 v63, v3;
	v38 =	vmul.f32 v17, v9  }
0x11d: {  	[tilespmem:s13+$0x3800] =	vst v24;
	v6 =	vmul.f32 v17, v6;
	v9 =	vmul.f32 v39, v15  }
0x11e: {  	v3 =	vmul.f32 v3, v1;
	v4 =	vmul.f32 v17, v4;
	[tilespmem:s7+$0x9000] =	vst v38  }
0x11f: {  	v40 =	vsub.f32 $0.0e+00, v38;
	[tilespmem:s7+$0x7000] =	vst v6;
	v42 =	vmul.f32 v9, v9  }
0x120: {  	v11 =	vmul.f32 v41, v11;
	v3 =	vmul.f32 v3, v36;
	v6 =	vsub.f32 $0.0e+00, v6;
	[tilespmem:s7+$0x8000] =	vst v4  }
0x121: {  	v4 =	vsub.f32 $0.0e+00, v4;
	[tilespmem:s7+$0x9800] =	vst v40;
	v15 =	vmul.f32 $6.000000000e+00, v9;
	v43 =	vmul.f32 $-1.200000000e+01, v42  }
0x122: {  	[tilespmem:s7+$0x7800] =	vst v6  }
0x123: {  	v44 =	vsub.f32 $0.0e+00, v11;
	v3 =	vmul.f32 $-5.000000000e-01, v3;
	[tilespmem:s7+$0x8800] =	vst v4;
	v45 =	vadd.f32 v43, v15  }
0x124: {  	v8 =	vmul.f32 v41, v8;
	v5 =	vmul.f32 v41, v10;
	[tilespmem:s11+$0x9000] =	vst v11  }
0x125: {  	v3 =	vmul.f32 v3, v22;
	[tilespmem:s11+$0x9800] =	vst v44;
	v46 =	vmul.f32 v45, v1  }
0x126: {  	v47 =	vsub.f32 $0.0e+00, v8;
	[tilespmem:s11+$0x7000] =	vst v8  }
0x127: {  	v48 =	vmul.f32 v3, v14;
	[tilespmem:s11+$0x8000] =	vst v5;
	v5 =	vsub.f32 $0.0e+00, v5;
	v4 =	vmul.f32 v46, v60  }
0x128: {  	[tilespmem:s11+$0x7800] =	vst v47  }
0x129: {  	v50 =	vsub.f32 $0.0e+00, v48;
	[tilespmem:s11+$0x8800] =	vst v5;
	v4 =	vmul.f32 $-5.000000000e-01, v4  }
0x12a: {  	v49 =	vsub.f32 v33, v21;
	v52 =	vmul.f32 v3, v13;
	[tilespmem:s20+$0x9000] =	vst v48  }
0x12b: {  	v3 =	vmul.f32 v3, v12;
	[tilespmem:s20+$0x9800] =	vst v50;
	v4 =	vmul.f32 v4, v18  }
0x12c: {  	v53 =	vsub.f32 v27, v28;
	v51 =	vmul.f32 v49, v1;
	v55 =	vsub.f32 $0.0e+00, v52;
	[tilespmem:s20+$0x7000] =	vst v52  }
0x12d: {  	v58 =	vsub.f32 v62, v59;
	[tilespmem:s20+$0x8000] =	vst v3;
	v3 =	vsub.f32 $0.0e+00, v3;
	v57 =	vmul.f32 v4, v23  }
0x12e: {  	v56 =	vmul.f32 v53, v1;
	v54 =	vadd.f32 v51, v16;
	[tilespmem:s20+$0x7800] =	vst v55  }
0x12f: {  	v59 =	vmul.f32 v58, v1;
	[tilespmem:s20+$0x8800] =	vst v3;
	v3 =	vsub.f32 $0.0e+00, v57  }
0x130: {  	v5 =	vadd.f32 v56, v54;
	v7 =	vsub.f32 v42, v9;
	v60 =	vmul.f32 v4, v20;
	[tilespmem:s13+$0x9000] =	vst v57  }
0x131: {  	[tilespmem:s13+$0x9800] =	vst v3;
	v3 =	vmul.f32 v4, v19  }
0x132: {  	v61 =	vadd.f32 v59, v5;
	v62 =	vmul.f32 v7, v1;
	[tilespmem:s13+$0x7000] =	vst v60;
	v63 =	vsub.f32 $0.0e+00, v60  }
0x133: {  	[tilespmem:s13+$0x8000] =	vst v3;
	v3 =	vsub.f32 $0.0e+00, v3  }
0x134: {  	v4 =	vadd.f32 v62, v61;
	[tilespmem:s13+$0x7800] =	vst v63  }
0x135: {  	p0 =	seq.s32 s23, $0x0;
	[tilespmem:s13+$0x8800] =	vst v3  }
0x136: {  	s7 =	simm.s32 @!p0 $0x4;
	[tilespmem:$0x14020] =	vst v4  }
0x137: {  	_ =	swait.ge @!p0 [sflag:s7], $0x1000  }
0x138: {  	[sflag:s7] =	ssyncset.done @!p0 $0x0  }
0x139: {  	[sflag:s7] =	ssyncadd.s32 @!p0 $0xFFFFF000  }
0x13a: {  	_ =	swait.ge @!p0 [sflag:s7], $0x1000  }
0x13b: {  	[sflag:s7] =	ssyncset.done @!p0 $0x0  }
0x13c: {  	[sflag:s7] =	ssyncadd.s32 @!p0 $0xFFFFF000  }
0x13d: {  	_ =	swait.ge @!p0 [sflag:s7], $0x1000  }
0x13e: {  	[sflag:s7] =	ssyncset.done @!p0 $0x0  }
0x13f: {  	s17 =	simm.s32 $0x7000;
	[sflag:s7] =	ssyncadd.s32 @!p0 $0xFFFFF000;
	p0 =	seq.s32 s25, $0x0  }
0x140: {  	[spmem:s2] =	stream.indirect.scatter.add.f32 [tilespmem:s17], [sflag:$0x3], $0x1, s31, s31, $0xb8;
	[tilespmem:$0x1D380] =	vst v63  }
.Ltmp6:
0x141: {  	_ = 	snop;
	(pc) =	sbr.rel @p0 .LBB2_9-.Ltmp6, $4  }
0x142: {  	s21 =	simm.s32 $0x8000;
	s20 =	simm.s32 $0x2000  }
0x143: {  	[spmem:s2] =	stream.indirect.scatter.add.f32 [tilespmem:s21], [sflag:$0x3], $0x1, s20, s31, $0xb8;
	[tilespmem:$0x1D380] =	vst v63  }
0x144: {  	_ = 	snop  }
0x145: {  	[spmem:s2] =	stream.indirect.scatter.add.f32 [tilespmem:s19], [sflag:$0x3], $0x1, s18, s31, $0xb8;
	[tilespmem:$0x1D380] =	vst v63  }
.LBB2_6:
0x146: {  	s24 =	sadd.s32 $0x1, s23  }
0x147: {  	p0 =	sge.u32 s24, s16  }
0x148: {  	s7 =	sshll.u32 @!p0 s24, $0x10  }
0x149: {  	s7 =	sor.u32 @!p0 s15, s7  }
0x14a: {  	s7 =	sshrl.u32 @!p0 s7, $0x3  }
0x14b: {  	s11 =	simm.s32 @!p0 $0x0;
	s7 =	sadd.s32 @!p0 s8, s7  }
0x14c: {  	[tilespmem:s11], [sflag:$0x5] =	stream.linear.gather @!p0 [hbm4b:s7+s11], $0x800, $0x38;
	[tilespmem:$0x1D380] =	vst v63  }
0x14d: {  	s13 =	simm.s32 @!p0 $0x800;
	s7 =	sadd.s32 @!p0 $0xC3500, s7  }
0x14e: {  	[tilespmem:s13], [sflag:$0x5] =	stream.linear.gather @!p0 [hbm4b:s7+s11], $0x800, $0x38;
	[tilespmem:$0x1D380] =	vst v63  }
0x14f: {  	s7 =	simm.s32 @!p0 $0x5  }
0x150: {  	_ =	swait.ge @!p0 [sflag:s7], $0x800  }
0x151: {  	[sflag:s7] =	ssyncset.done @!p0 $0x0  }
0x152: {  	[sflag:s7] =	ssyncadd.s32 @!p0 $0xFFFFF800  }
0x153: {  	_ =	swait.ge @!p0 [sflag:s7], $0x800  }
0x154: {  	[sflag:s7] =	ssyncset.done @!p0 $0x0  }
0x155: {  	s13 =	simm.s32 @!p0 $0x4000;
	[sflag:s7] =	ssyncadd.s32 @!p0 $0xFFFFF800;
	s7 =	simm.s32 @!p0 $0x1000  }
0x156: {  	[tilespmem:s13], [sflag:$0x1] =	stream.indirect.gather @!p0 [spmem:s4], $0x1, s11, s7, $0xb8;
	[tilespmem:$0x1D380] =	vst v63  }
0x157: {  	s13 =	simm.s32 @!p0 $0x5000  }
0x158: {  	[tilespmem:s13], [sflag:$0x1] =	stream.indirect.gather @!p0 [spmem:s5], $0x1, s11, s7, $0xb8;
	[tilespmem:$0x1D380] =	vst v63  }
0x159: {  	s13 =	simm.s32 @!p0 $0x6000  }
0x15a: {  	[tilespmem:s13], [sflag:$0x1] =	stream.indirect.gather @!p0 [spmem:s6], $0x1, s11, s7, $0xb8;
	[tilespmem:$0x1D380] =	vst v63  }
0x15b: {  	_ =	swait.ge [sflag:s29], $0x1000  }
0x15c: {  	[sflag:s29] =	ssyncset.done $0x0  }
0x15d: {  	[sflag:s29] =	ssyncadd.s32 $0xFFFFF000  }
0x15e: {  	_ =	swait.ge [sflag:s29], $0x1000  }
0x15f: {  	[sflag:s29] =	ssyncset.done $0x0  }
0x160: {  	[sflag:s29] =	ssyncadd.s32 $0xFFFFF000  }
0x161: {  	_ =	swait.ge [sflag:s29], $0x1000  }
0x162: {  	[sflag:s29] =	ssyncset.done $0x0  }
0x163: {  	s7 =	simm.s32 $0x0;
	[sflag:s29] =	ssyncadd.s32 $0xFFFFF000  }
0x164: {  	v3 =	vld [tilespmem:s7+$0xE000]  }
0x165: {  	v4 =	vld [tilespmem:s7+$0xE800]  }
0x166: {  	v6 =	vld [tilespmem:s7+$0xA000]  }
0x167: {  	v5 =	vld [tilespmem:s7+$0xF000]  }
0x168: {  	v7 =	vld [tilespmem:s7+$0xF800]  }
0x169: {  	v8 =	vld [tilespmem:s7+$0x10000]  }
0x16a: {  	v9 =	vld [tilespmem:s7+$0x10800];
	_ =	sdelay $0x2  }
0x16b: {  	v10 =	vld [tilespmem:s7+$0xA800];
	v3 =	vsub.f32 v3, v4;
	v5 =	vsub.f32 v5, v7  }
0x16c: {  	v4 =	vmul.u32 $0x3, v6  }
0x16d: {  	v7 =	vsub.f32 v8, v9;
	v6 =	vmul.f32 v3, v3;
	v8 =	vmul.f32 v5, v5;
	_ =	sdelay $0x1  }
0x16e: {  	v6 =	vadd.f32 v8, v6;
	v8 =	vmul.f32 v7, v7  }
0x16f: {  	v9 =	vmul.u32 $0x3, v10  }
0x170: {  	v16 =	vld [tilespmem:$0x14020];
	[tilespmem:s7+$0xB000] =	vst v4;
	v6 =	vadd.f32 v8, v6  }
0x171: {  	v10 =	vadd.s32 $0x1, v4;
	[tilespmem:s7+$0xB800] =	vst v9  }
0x172: {  	v4 =	vadd.s32 $0x2, v4;
	[tilespmem:s7+$0xC000] =	vst v10;
	v11 =	vadd.f32 $9.999999960e-13, v6  }
0x173: {  	s21 =	simm.s32 $0x10;
	[tilespmem:s7+$0xD000] =	vst v4  }
0x174: {  	v4 =	vld [tilespmem:s21+$0xE000];
	v10 =	vshra.s32 v11, $0x1;
	v12 =	vmul.f32 $5.000000000e-01, v11  }
0x175: {  	v13 =	vld [tilespmem:s21+$0xA800];
	v10 =	vsub.s32 $0x5F3759DF, v10  }
0x176: {  	v14 =	vld [tilespmem:s21+$0xF000];
	v15 =	vmul.f32 v10, v12  }
0x177: {  	v8 =	vld [tilespmem:s21+$0xA000]  }
0x178: {  	v6 =	vld [tilespmem:s21+$0xE800];
	v15 =	vmul.f32 v10, v15  }
0x179: {  	v18 =	vadd.s32 $0x1, v9;
	v17 =	vld [tilespmem:s21+$0xF800]  }
0x17a: {  	v19 =	vld [tilespmem:s21+$0x10000];
	[tilespmem:s7+$0xC800] =	vst v18;
	v15 =	vsub.f32 $1.500000000e+00, v15  }
0x17b: {  	v18 =	vld [tilespmem:s21+$0x10800]  }
0x17c: {  	v10 =	vmul.f32 v10, v15  }
0x17d: {  	v8 =	vmul.u32 $0x3, v8;
	v6 =	vsub.f32 v4, v6  }
0x17e: {  	v9 =	vadd.s32 $0x2, v9;
	v4 =	vsub.f32 v14, v17;
	v15 =	vmul.f32 v10, v12  }
0x17f: {  	[tilespmem:s7+$0xD800] =	vst v9;
	v17 =	vadd.s32 $0x1, v8;
	v14 =	vmul.f32 v6, v6  }
0x180: {  	[tilespmem:s21+$0xB000] =	vst v8;
	v9 =	vsub.f32 v19, v18;
	v18 =	vmul.f32 v4, v4;
	v15 =	vmul.f32 v15, v10  }
0x181: {  	v13 =	vmul.u32 $0x3, v13;
	v8 =	vadd.s32 $0x2, v8;
	[tilespmem:s21+$0xC000] =	vst v17  }
0x182: {  	[tilespmem:s21+$0xD000] =	vst v8;
	v17 =	vmul.f32 v9, v9;
	v14 =	vadd.f32 v18, v14;
	v8 =	vsub.f32 $1.500000000e+00, v15  }
0x183: {  	s11 =	simm.s32 $0x20;
	[tilespmem:s21+$0xB800] =	vst v13  }
0x184: {  	v21 =	vld [tilespmem:s11+$0xF800];
	v14 =	vadd.f32 v17, v14;
	v10 =	vmul.f32 v8, v10  }
0x185: {  	v24 =	vld [tilespmem:s11+$0x10000]  }
0x186: {  	v17 =	vld [tilespmem:s11+$0xE800];
	v19 =	vadd.f32 $9.999999960e-13, v14;
	v8 =	vmul.f32 v10, v12  }
0x187: {  	v15 =	vld [tilespmem:s11+$0xE000]  }
0x188: {  	v18 =	vld [tilespmem:s11+$0xA000];
	v20 =	vshra.s32 v19, $0x1;
	v22 =	vmul.f32 $5.000000000e-01, v19;
	v8 =	vmul.f32 v8, v10  }
0x189: {  	v23 =	vadd.s32 $0x1, v13;
	v20 =	vsub.s32 $0x5F3759DF, v20;
	v12 =	vld [tilespmem:s11+$0xF000]  }
0x18a: {  	v14 =	vld [tilespmem:s11+$0xA800];
	[tilespmem:s21+$0xC800] =	vst v23;
	v23 =	vmul.f32 v20, v22;
	v25 =	vsub.f32 $1.500000000e+00, v8;
	_ =	sdelay $0x1  }
0x18b: {  	v26 =	vld [tilespmem:s11+$0x10800];
	v8 =	vsub.f32 v15, v17;
	v17 =	vmul.f32 v20, v23;
	v15 =	vmul.f32 v25, v10;
	_ =	sdelay $0x1  }
0x18c: {  	v10 =	vsub.f32 v12, v21;
	v17 =	vsub.f32 $1.500000000e+00, v17;
	v21 =	vmul.f32 v15, v11  }
0x18d: {  	v13 =	vadd.s32 $0x2, v13;
	v18 =	vmul.u32 $0x3, v18  }
0x18e: {  	[tilespmem:s21+$0xD800] =	vst v13;
	v13 =	vmul.u32 $0x3, v14;
	v17 =	vmul.f32 v20, v17;
	v20 =	vadd.f32 $1.000000000e+00, v21  }
0x18f: {  	[tilespmem:s11+$0xB000] =	vst v18;
	v12 =	vmul.f32 v8, v8;
	v11 =	vsub.f32 v24, v26;
	v14 =	vmul.f32 v10, v10  }
0x190: {  	[tilespmem:s11+$0xB800] =	vst v13;
	v21 =	vadd.s32 $0x1, v18;
	(erf) = vrcp.f32 v20;
	v20 =	vmul.f32 v17, v22  }
0x191: {  	v12 =	vadd.f32 v14, v12;
	v14 =	vmul.f32 v11, v11;
	v18 =	vadd.s32 $0x2, v18;
	[tilespmem:s11+$0xC000] =	vst v21  }
0x192: {  	s20 =	simm.s32 $0x30;
	[tilespmem:s11+$0xD000] =	vst v18;
	v20 =	vmul.f32 v20, v17  }
0x193: {  	v12 =	vadd.f32 v14, v12;
	v14 =	vld [tilespmem:s20+$0xE000]  }
0x194: {  	v26 =	vld [tilespmem:s20+$0xF000];
	v20 =	vsub.f32 $1.500000000e+00, v20  }
0x195: {  	v27 =	vld [tilespmem:s20+$0xF800];
	v18 =	vadd.f32 $9.999999960e-13, v12  }
0x196: {  	v12 =	vld [tilespmem:s20+$0xE800];
	v17 =	vmul.f32 v20, v17  }
0x197: {  	v23 =	vshra.s32 v18, $0x1;
	v24 =	vmul.f32 $5.000000000e-01, v18  }
0x198: {  	v28 =	vadd.s32 $0x1, v13;
	v21 =	vld [tilespmem:s20+$0xA000];
	v23 =	vsub.s32 $0x5F3759DF, v23;
	v22 =	vmul.f32 v17, v22  }
0x199: {  	v25 =	vld [tilespmem:s20+$0xA800];
	v20 =	vmul.f32 v23, v24  }
0x19a: {  	v32 =	vadd.s32 $0x2, v13;
	v29 =	vld [tilespmem:s20+$0x10000];
	[tilespmem:s11+$0xC800] =	vst v28;
	v22 =	vmul.f32 v22, v17  }
0x19b: {  	v30 =	vld [tilespmem:s20+$0x10800];
	v13 =	vsub.f32 v14, v12;
	v12 =	vsub.f32 v26, v27;
	v20 =	vmul.f32 v23, v20;
	v28 =	vpop (erf)  }
0x19c: {  	v31 =	vmul.f32 v28, v2;
	v22 =	vsub.f32 $1.500000000e+00, v22  }
0x19d: {  	v27 =	vmul.f32 v12, v12;
	v20 =	vsub.f32 $1.500000000e+00, v20  }
0x19e: {  	v31 =	vmul.f32 v31, v31;
	v17 =	vmul.f32 v22, v17  }
0x19f: {  	v21 =	vmul.u32 $0x3, v21;
	v20 =	vmul.f32 v23, v20;
	v23 =	vmul.f32 v13, v13  }
0x1a0: {  	v14 =	vsub.f32 v29, v30;
	v26 =	vmul.f32 v31, v31;
	v19 =	vmul.f32 v17, v19  }
0x1a1: {  	[tilespmem:s11+$0xD800] =	vst v32;
	v29 =	vmul.f32 v20, v24;
	v23 =	vadd.f32 v27, v23;
	v27 =	vadd.s32 $0x1, v21  }
0x1a2: {  	[tilespmem:s20+$0xC000] =	vst v27;
	v22 =	vmul.f32 v26, v31;
	v27 =	vadd.f32 $1.000000000e+00, v19  }
0x1a3: {  	v34 =	vmul.u32 $0x3, v25;
	v25 =	vmul.f32 v14, v14;
	v26 =	vmul.f32 v29, v20  }
0x1a4: {  	[tilespmem:s20+$0xB000] =	vst v21;
	v29 =	vmul.f32 v22, v22;
	(erf) = vrcp.f32 v27  }
0x1a5: {  	[tilespmem:s20+$0xB800] =	vst v34;
	v21 =	vadd.s32 $0x2, v21;
	v23 =	vadd.f32 v25, v23;
	v25 =	vsub.f32 $1.500000000e+00, v26  }
0x1a6: {  	s13 =	simm.s32 $0x40;
	[tilespmem:s20+$0xD000] =	vst v21;
	v30 =	vmul.f32 $6.000000000e+00, v22;
	v31 =	vmul.f32 $-1.200000000e+01, v29  }
0x1a7: {  	v19 =	vld [tilespmem:s13+$0xE000];
	v21 =	vadd.f32 $9.999999960e-13, v23;
	v26 =	vmul.f32 v25, v20  }
0x1a8: {  	v23 =	vsub.f32 v29, v22;
	v20 =	vld [tilespmem:s13+$0xE800];
	v27 =	vadd.f32 v31, v30  }
0x1a9: {  	v25 =	vld [tilespmem:s13+$0xA000];
	v29 =	vshra.s32 v21, $0x1;
	v22 =	vmul.f32 $5.000000000e-01, v21;
	v30 =	vmul.f32 v26, v24  }
0x1aa: {  	v29 =	vsub.s32 $0x5F3759DF, v29;
	v35 =	vmul.f32 v23, v1;
	v24 =	vld [tilespmem:s13+$0xA800];
	v36 =	vmul.f32 v27, v1  }
0x1ab: {  	v33 =	vadd.s32 $0x1, v34;
	v23 =	vld [tilespmem:s13+$0xF000];
	v32 =	vmul.f32 v29, v22;
	v30 =	vmul.f32 v30, v26  }
0x1ac: {  	s14 =	simm.s32 $0x140;
	v31 =	vld [tilespmem:s13+$0xF800];
	v27 =	vadd.s32 $0x2, v34;
	v16 =	vadd.f32 v35, v16;
	v28 =	vmul.f32 v36, v28  }
.LBB2_7:
0x1ad: {  	p0 =	sne.s32 s14, $0x1FC0;
	v20 =	vsub.f32 v19, v20;
	v19 =	vld [tilespmem:s13+$0x10000];
	[tilespmem:s20+$0xC800] =	vst v33;
	v32 =	vmul.f32 v29, v32;
	v30 =	vsub.f32 $1.500000000e+00, v30;
	v34 =	vpop (erf);
	s17 =	smov.u32 s11;
	s11 =	smov.u32 s20  }
0x1ae: {  	s20 =	smov.u32 s13;
	v25 =	vmul.u32 $0x3, v25;
	v33 =	vld [tilespmem:s13+$0x10800];
	[tilespmem:s11+$0xD800] =	vst v27;
	v27 =	vmul.f32 v34, v2;
	v28 =	vmul.f32 $-5.000000000e-01, v28  }
0x1af: {  	v35 =	vmul.f32 v20, v20;
	v32 =	vsub.f32 $1.500000000e+00, v32;
	v26 =	vmul.f32 v30, v26  }
0x1b0: {  	v36 =	vmul.u32 $0x3, v24;
	[tilespmem:s20+$0xB000] =	vst v25;
	v24 =	vmul.f32 v27, v27;
	v27 =	vmul.f32 v28, v15;
	v15 =	vmovc v17  }
0x1b1: {  	v23 =	vsub.f32 v23, v31;
	v28 =	vmul.f32 v29, v32;
	v18 =	vmul.f32 v26, v18;
	v17 =	vmovc v26  }
0x1b2: {  	v26 =	vadd.s32 $0x1, v25;
	[tilespmem:s20+$0xB800] =	vst v36;
	v29 =	vmul.f32 v24, v24;
	v30 =	vmul.f32 v27, v7;
	v7 =	vmovc v9  }
0x1b3: {  	[tilespmem:s20+$0xC000] =	vst v26;
	v19 =	vsub.f32 v19, v33;
	v26 =	vmul.f32 v23, v23;
	v31 =	vmul.f32 v28, v22  }
0x1b4: {  	v9 =	vmovc v11;
	v11 =	vmovc v14;
	v32 =	vadd.f32 $1.000000000e+00, v18;
	v24 =	vmul.f32 v29, v24;
	[tilespmem:s7+$0x13000] =	vst v30;
	v29 =	vsub.f32 $0.0e+00, v30  }
0x1b5: {  	v26 =	vadd.f32 v26, v35;
	v30 =	vmul.f32 v19, v19;
	v31 =	vmul.f32 v31, v28;
	v14 =	vmovc v19  }
0x1b6: {  	v19 =	vadd.s32 $0x2, v25;
	v18 =	vmovc v21;
	(erf) = vrcp.f32 v32;
	v25 =	vmul.f32 v24, v24;
	[tilespmem:s7+$0x13800] =	vst v29  }
0x1b7: {  	v29 =	vmul.f32 v27, v3;
	v3 =	vmovc v6;
	[tilespmem:s20+$0xD000] =	vst v19;
	v21 =	vadd.f32 v30, v26;
	v26 =	vsub.f32 $1.500000000e+00, v31  }
0x1b8: {  	s13 =	sshra.s32 s14, $0x2;
	v6 =	vmovc v8;
	v8 =	vmovc v13;
	v30 =	vsub.f32 v25, v24;
	v24 =	vmul.f32 $6.000000000e+00, v24;
	v25 =	vmul.f32 $-1.200000000e+01, v25  }
0x1b9: {  	v27 =	vmul.f32 v27, v5;
	v13 =	vmovc v20;
	v19 =	vld [tilespmem:s13+$0xE000];
	v21 =	vadd.f32 $9.999999960e-13, v21;
	v26 =	vmul.f32 v26, v28;
	[tilespmem:s7+$0x11000] =	vst v29  }
.Ltmp7:
0x1ba: {  	v5 =	vmovc v4;
	v4 =	vmovc v10;
	v31 =	vsub.f32 $0.0e+00, v29;
	v20 =	vld [tilespmem:s13+$0xE800];
	v28 =	vmul.f32 v30, v1;
	v30 =	vadd.f32 v25, v24;
	(pc) =	sbr.rel @p0 .LBB2_7-.Ltmp7, $4  }
0x1bb: {  	v10 =	vmovc v12;
	v12 =	vmovc v23;
	v25 =	vld [tilespmem:s13+$0xA000];
	v29 =	vshra.s32 v21, $0x1;
	v35 =	vmul.f32 v26, v22;
	v22 =	vmul.f32 $5.000000000e-01, v21;
	[tilespmem:s7+$0x12000] =	vst v27  }
0x1bc: {  	v38 =	vsub.f32 $0.0e+00, v27;
	v24 =	vld [tilespmem:s13+$0xA800];
	v29 =	vsub.s32 $0x5F3759DF, v29;
	v37 =	vmul.f32 v30, v1;
	[tilespmem:s7+$0x11800] =	vst v31  }
0x1bd: {  	v33 =	vadd.s32 $0x1, v36;
	v23 =	vld [tilespmem:s13+$0xF000];
	v32 =	vmul.f32 v29, v22;
	v30 =	vmul.f32 v35, v26  }
0x1be: {  	s14 =	sadd.s32 $0x40, s14;
	v27 =	vadd.s32 $0x2, v36;
	v16 =	vadd.f32 v28, v16;
	v31 =	vld [tilespmem:s13+$0xF800];
	v28 =	vmul.f32 v37, v34;
	[tilespmem:s7+$0x12800] =	vst v38;
	s7 =	smov.u32 s21;
	s21 =	smov.u32 s17  }
0x1bf: {  	v34 =	vld [tilespmem:s13+$0x10000];
	[tilespmem:s20+$0xC800] =	vst v33  }
0x1c0: {  	v33 =	vld [tilespmem:s13+$0x10800];
	_ =	sdelay $0x2  }
0x1c1: {  	v20 =	vsub.f32 v19, v20;
	v19 =	vsub.f32 v23, v31;
	_ =	sdelay $0x1  }
0x1c2: {  	v59 =	vmul.f32 v20, v20;
	v23 =	vsub.f32 v34, v33;
	v60 =	vmul.f32 v19, v19;
	_ =	sdelay $0x1  }
0x1c3: {  	v31 =	vadd.f32 v60, v59;
	v61 =	vmul.f32 v23, v23;
	_ =	sdelay $0x1  }
0x1c4: {  	v31 =	vadd.f32 v61, v31  }
0x1c5: {  	v32 =	vmul.f32 v29, v32  }
0x1c6: {  	v31 =	vadd.f32 $9.999999960e-13, v31  }
0x1c7: {  	v32 =	vsub.f32 $1.500000000e+00, v32  }
0x1c8: {  	v62 =	vshra.s32 v31, $0x1;
	v63 =	vmul.f32 $5.000000000e-01, v31  }
0x1c9: {  	v36 =	vmul.f32 v29, v32;
	v37 =	vsub.s32 $0x5F3759DF, v62  }
0x1ca: {  	v33 =	vmul.f32 v37, v63  }
0x1cb: {  	v35 =	vmul.f32 v36, v22  }
0x1cc: {  	v30 =	vsub.f32 $1.500000000e+00, v30;
	v33 =	vmul.f32 v37, v33  }
0x1cd: {  	v35 =	vmul.f32 v35, v36  }
0x1ce: {  	v26 =	vmul.f32 v30, v26;
	v33 =	vsub.f32 $1.500000000e+00, v33  }
0x1cf: {  	v35 =	vsub.f32 $1.500000000e+00, v35  }
0x1d0: {  	v18 =	vmul.f32 v26, v18;
	v32 =	vmul.f32 v37, v33  }
0x1d1: {  	v29 =	vmul.f32 v35, v36  }
0x1d2: {  	v18 =	vadd.f32 $1.000000000e+00, v18;
	v38 =	vmul.f32 v32, v63  }
0x1d3: {  	v39 =	vmul.f32 v29, v22  }
0x1d4: {  	(erf) = vrcp.f32 v18;
	v30 =	vmul.f32 v38, v32  }
0x1d5: {  	v22 =	vmul.f32 v39, v29  }
0x1d6: {  	v30 =	vsub.f32 $1.500000000e+00, v30  }
0x1d7: {  	v22 =	vsub.f32 $1.500000000e+00, v22  }
0x1d8: {  	v40 =	vmul.f32 v30, v32  }
0x1d9: {  	v22 =	vmul.f32 v22, v29  }
0x1da: {  	v41 =	vmul.f32 v40, v63  }
0x1db: {  	v21 =	vmul.f32 v22, v21  }
0x1dc: {  	v42 =	vpop (erf);
	v29 =	vmul.f32 v41, v40  }
0x1dd: {  	v45 =	vpop (erf);
	v21 =	vadd.f32 $1.000000000e+00, v21  }
0x1de: {  	v46 =	vmul.f32 v45, v2;
	v29 =	vsub.f32 $1.500000000e+00, v29  }
0x1df: {  	v43 =	vmul.f32 v42, v2;
	(erf) = vrcp.f32 v21  }
0x1e0: {  	v47 =	vmul.f32 v46, v46;
	v18 =	vmul.f32 v29, v40  }
0x1e1: {  	v28 =	vmul.f32 $-5.000000000e-01, v28;
	v32 =	vmul.f32 v43, v43  }
0x1e2: {  	v48 =	vmul.f32 v47, v47;
	v31 =	vmul.f32 v18, v31  }
0x1e3: {  	v44 =	vmul.f32 v32, v32  }
0x1e4: {  	v15 =	vmul.f32 v28, v15;
	v28 =	vmul.f32 v48, v47;
	v31 =	vadd.f32 $1.000000000e+00, v31  }
0x1e5: {  	v21 =	vmul.f32 v44, v32  }
0x1e6: {  	[tilespmem:s20+$0xD800] =	vst v27;
	v27 =	vmul.f32 v28, v28;
	(erf) = vrcp.f32 v31  }
0x1e7: {  	v25 =	vmul.u32 $0x3, v25;
	v53 =	vmul.f32 $6.000000000e+00, v28;
	v33 =	vmul.f32 v21, v21  }
0x1e8: {  	v24 =	vmul.u32 $0x3, v24;
	v37 =	vmul.f32 $-1.200000000e+01, v27;
	v36 =	vpop (erf);
	v49 =	vmul.f32 $6.000000000e+00, v21  }
0x1e9: {  	[tilespmem:s13+$0xB000] =	vst v25;
	v51 =	vmul.f32 v36, v2;
	v50 =	vmul.f32 $-1.200000000e+01, v33  }
0x1ea: {  	v52 =	vadd.s32 $0x1, v25;
	[tilespmem:s13+$0xB800] =	vst v24;
	v7 =	vmul.f32 v15, v7;
	v56 =	vadd.f32 v37, v53  }
0x1eb: {  	[tilespmem:s13+$0xC000] =	vst v52;
	v32 =	vmul.f32 v51, v51;
	v31 =	vadd.f32 v50, v49  }
0x1ec: {  	v3 =	vmul.f32 v15, v3;
	v54 =	vsub.f32 $0.0e+00, v7;
	[tilespmem:s7+$0x13000] =	vst v7;
	v7 =	vmul.f32 v56, v1  }
0x1ed: {  	v55 =	vmul.f32 v32, v32;
	v31 =	vmul.f32 v31, v1  }
0x1ee: {  	v57 =	vadd.s32 $0x2, v25;
	v5 =	vmul.f32 v15, v5;
	[tilespmem:s7+$0x13800] =	vst v54;
	v7 =	vmul.f32 v7, v45  }
0x1ef: {  	[tilespmem:s13+$0xD000] =	vst v57;
	v59 =	vmul.f32 v55, v32;
	v30 =	vmul.f32 v31, v42;
	v60 =	vpop (erf)  }
0x1f0: {  	[tilespmem:s7+$0x11000] =	vst v3;
	v3 =	vsub.f32 $0.0e+00, v3;
	v7 =	vmul.f32 $-5.000000000e-01, v7;
	v61 =	vmul.f32 v60, v2  }
0x1f1: {  	[tilespmem:s7+$0x12000] =	vst v5;
	v62 =	vmul.f32 v59, v59;
	v58 =	vmul.f32 $-5.000000000e-01, v30  }
0x1f2: {  	v5 =	vsub.f32 $0.0e+00, v5;
	[tilespmem:s7+$0x11800] =	vst v3;
	v3 =	vmul.f32 $6.000000000e+00, v59;
	v15 =	vmul.f32 v61, v61  }
0x1f3: {  	v63 =	vmul.f32 $-1.200000000e+01, v62;
	v17 =	vmul.f32 v58, v17  }
0x1f4: {  	[tilespmem:s7+$0x12800] =	vst v5;
	v37 =	vadd.s32 $0x1, v24;
	v24 =	vadd.s32 $0x2, v24;
	v39 =	vmul.f32 v15, v15  }
0x1f5: {  	[tilespmem:s13+$0xC800] =	vst v37;
	v41 =	vmul.f32 v7, v26;
	v3 =	vadd.f32 v63, v3;
	v38 =	vmul.f32 v17, v9  }
0x1f6: {  	[tilespmem:s13+$0xD800] =	vst v24;
	v6 =	vmul.f32 v17, v6;
	v9 =	vmul.f32 v39, v15  }
0x1f7: {  	v3 =	vmul.f32 v3, v1;
	v4 =	vmul.f32 v17, v4;
	[tilespmem:s21+$0x13000] =	vst v38  }
0x1f8: {  	v40 =	vsub.f32 $0.0e+00, v38;
	[tilespmem:s21+$0x11000] =	vst v6;
	v42 =	vmul.f32 v9, v9  }
0x1f9: {  	v11 =	vmul.f32 v41, v11;
	v3 =	vmul.f32 v3, v36;
	v6 =	vsub.f32 $0.0e+00, v6;
	[tilespmem:s21+$0x12000] =	vst v4  }
0x1fa: {  	v4 =	vsub.f32 $0.0e+00, v4;
	[tilespmem:s21+$0x13800] =	vst v40;
	v15 =	vmul.f32 $6.000000000e+00, v9;
	v43 =	vmul.f32 $-1.200000000e+01, v42  }
0x1fb: {  	[tilespmem:s21+$0x11800] =	vst v6  }
0x1fc: {  	v44 =	vsub.f32 $0.0e+00, v11;
	v3 =	vmul.f32 $-5.000000000e-01, v3;
	[tilespmem:s21+$0x12800] =	vst v4;
	v45 =	vadd.f32 v43, v15  }
0x1fd: {  	v8 =	vmul.f32 v41, v8;
	v5 =	vmul.f32 v41, v10;
	[tilespmem:s11+$0x13000] =	vst v11  }
0x1fe: {  	v3 =	vmul.f32 v3, v22;
	[tilespmem:s11+$0x13800] =	vst v44;
	v46 =	vmul.f32 v45, v1  }
0x1ff: {  	v47 =	vsub.f32 $0.0e+00, v8;
	[tilespmem:s11+$0x11000] =	vst v8  }
0x200: {  	v48 =	vmul.f32 v3, v14;
	[tilespmem:s11+$0x12000] =	vst v5;
	v5 =	vsub.f32 $0.0e+00, v5;
	v4 =	vmul.f32 v46, v60  }
0x201: {  	[tilespmem:s11+$0x11800] =	vst v47  }
0x202: {  	v50 =	vsub.f32 $0.0e+00, v48;
	[tilespmem:s11+$0x12800] =	vst v5;
	v4 =	vmul.f32 $-5.000000000e-01, v4  }
0x203: {  	v49 =	vsub.f32 v33, v21;
	v52 =	vmul.f32 v3, v13;
	[tilespmem:s20+$0x13000] =	vst v48  }
0x204: {  	v3 =	vmul.f32 v3, v12;
	[tilespmem:s20+$0x13800] =	vst v50;
	v4 =	vmul.f32 v4, v18  }
0x205: {  	v53 =	vsub.f32 v27, v28;
	v51 =	vmul.f32 v49, v1;
	v55 =	vsub.f32 $0.0e+00, v52;
	[tilespmem:s20+$0x11000] =	vst v52  }
0x206: {  	v58 =	vsub.f32 v62, v59;
	[tilespmem:s20+$0x12000] =	vst v3;
	v3 =	vsub.f32 $0.0e+00, v3;
	v57 =	vmul.f32 v4, v23  }
0x207: {  	v56 =	vmul.f32 v53, v1;
	v54 =	vadd.f32 v51, v16;
	[tilespmem:s20+$0x11800] =	vst v55  }
0x208: {  	v59 =	vmul.f32 v58, v1;
	[tilespmem:s20+$0x12800] =	vst v3;
	v3 =	vsub.f32 $0.0e+00, v57  }
0x209: {  	v5 =	vadd.f32 v56, v54;
	v7 =	vsub.f32 v42, v9;
	v60 =	vmul.f32 v4, v20;
	[tilespmem:s13+$0x13000] =	vst v57  }
0x20a: {  	[tilespmem:s13+$0x13800] =	vst v3;
	v3 =	vmul.f32 v4, v19  }
0x20b: {  	v61 =	vadd.f32 v59, v5;
	v62 =	vmul.f32 v7, v1;
	[tilespmem:s13+$0x11000] =	vst v60;
	v63 =	vsub.f32 $0.0e+00, v60  }
0x20c: {  	[tilespmem:s13+$0x12000] =	vst v3;
	v3 =	vsub.f32 $0.0e+00, v3  }
0x20d: {  	v4 =	vadd.f32 v62, v61;
	[tilespmem:s13+$0x11800] =	vst v63  }
0x20e: {  	[tilespmem:s13+$0x12800] =	vst v3  }
0x20f: {  	[tilespmem:$0x14020] =	vst v4  }
0x210: {  	_ =	swait.ge [sflag:s26], $0x1000  }
0x211: {  	[sflag:s26] =	ssyncset.done $0x0  }
0x212: {  	[sflag:s26] =	ssyncadd.s32 $0xFFFFF000  }
0x213: {  	_ =	swait.ge [sflag:s26], $0x1000  }
0x214: {  	[sflag:s26] =	ssyncset.done $0x0  }
0x215: {  	[sflag:s26] =	ssyncadd.s32 $0xFFFFF000  }
0x216: {  	_ =	swait.ge [sflag:s26], $0x1000  }
0x217: {  	[sflag:s26] =	ssyncset.done $0x0  }
0x218: {  	[sflag:s26] =	ssyncadd.s32 $0xFFFFF000  }
0x219: {  	[spmem:s2] =	stream.indirect.scatter.add.f32 [tilespmem:s0], [sflag:$0x4], $0x1, s30, s31, $0xb8;
	[tilespmem:$0x1D380] =	vst v63  }
.Ltmp8:
0x21a: {  	_ = 	snop;
	(pc) =	sbr.rel .LBB2_9-.Ltmp8, $4  }
0x21b: {  	_ = 	snop  }
0x21c: {  	[spmem:s2] =	stream.indirect.scatter.add.f32 [tilespmem:s1], [sflag:$0x4], $0x1, s3, s31, $0xb8;
	[tilespmem:$0x1D380] =	vst v63  }
0x21d: {  	_ = 	snop  }
0x21e: {  	[spmem:s2] =	stream.indirect.scatter.add.f32 [tilespmem:s10], [sflag:$0x4], $0x1, s9, s31, $0xb8;
	[tilespmem:$0x1D380] =	vst v63  }
.LBB2_11:
0x21f: {  	_ =	sfence.sel $0x180000  }
0x220: {  	[bflag:$0x0] =	sbarrier.arrive $0xFFFF  }
0x221: {  	_ =	strace $0x9000004A  }
0x222: {  	s0 =	stileid.u32;
	[bflag:$0x2] =	sbarrier.arrive $0xFFFF  }
0x223: {  	p0 =	sne.s32 s0, $0x0;
	s0 =	rddreg [dreg:$0x7]  }
0x224: {  	s0 =	sadd.s32 @!p0 $0x100000, s0  }
0x225: {  	[sflag:s0] =	ssyncadd.tile.s32 @!p0 $0x1;
	_ =	shalt  }
.Lfunc_end2:
_tile_overlayer_lowered:
.L_overlay_start_2:
0x226: {  	(tag) =	ssettag $0x2  }
0x227: {  	s0 =	rddreg [dreg:$0x0];
	s2 =	stileid.u32  }
0x228: {  	s1 =	rddreg [dreg:$0x1];
	p0 =	sne.s32 s2, $0x0  }
0x229: {  	s3 =	rddreg [dreg:$0x2];
	[bflag:$0x3] =	sbarrier.arrive $0xFFFF;
	s2 =	simm.s32 @!p0 $0x1C07  }
0x22a: {  	[timem:s3], [sflag:s2] =	dma.local @!p0 [hbm:s0], s1  }
0x22b: {  	s0 =	simm.s32 @!p0 $0x7  }
0x22c: {  	_ =	swait.ge @!p0 [sflag:s0], s1  }
0x22d: {  	s1 =	ssub.s32 @!p0 $0x0, s1;
	[sflag:s0] =	ssyncset.done @!p0 $0x0  }
0x22e: {  	[sflag:s0] =	ssyncadd.s32 @!p0 s1  }
0x22f: {  	[bflag:$0x3] =	sbarrier.arrive $0xFFFF  }
0x230: {  	_ =	shalt  }

// kernel: sparse-core-data-format-call.cloned.1.call-start
scs
called_computation_lowered:
.L_overlay_start_0:
0x0: {  	s2 =	sld [smem:$0x3FD9]  }
0x1: {  	s3 =	sld [smem:$0x3FFE];
	_ =	sdelay $0x1  }
0x2: {  	s1 =	srdreg.scid  }
0x3: {  	s0 =	sand.u32 $0x1, s1  }
0x4: {  	s18 =	sshll.u32 s0, $0xA;
	s2 =	sadd.s32 s3, s2  }
0x5: {  	s2 =	sadd.s32 s2, s18  }
0x6: {  	[smem:$0x3FC4] =	sst s2  }
0x7: {  	_ = 	snop  }
0x8: {  	s2 =	sld [smem:$0x3FC8];
	(tm) =	ssettm $0x1  }
0x9: {  	s19 =	sld [smem:$0x3FFB];
	_ =	sdelay $0x3  }
0xa: {  	_ =	strace s19  }
0xb: {  	s3 =	sld [smem:$0x3FFC];
	_ =	sdelay $0x3  }
0xc: {  	_ =	strace s3  }
0xd: {  	s3 =	sld [smem:$0x3FFD];
	_ =	sdelay $0x3  }
0xe: {  	_ =	strace s3  }
0xf: {  	_ =	strace $0x8FFFFFFF  }
0x10: {  	s20 =	sld [smem:$0x3FDB];
	_ =	sdelay $0x1  }
0x11: {  	s4 =	simm.s32 $_scs_section_size  }
0x12: {  	s5 =	simm.s32 $_size__tile_overlayer_lowered;
	s6 =	simm.s32 $_tile_overlayer_lowered  }
0x13: {  	s23 =	simm.s32 $0x1BFF;
	s22 =	sshll.u32 s6, $0x1;
	s3 =	sadd.s32 s4, s20  }
0x14: {  	s7 =	simm.s32 $0x0;
	s21 =	sshll.u32 s5, $0x1;
	s5 =	sadd.s32 s22, s3  }
0x15: {  	[timem:s7], [sflag:s23] =	dma.local [hbm:s5], s21  }
0x16: {  	_ =	swait.ge [sflag:s23], s21  }
0x17: {  	s4 =	ssub.s32 $0x0, s21;
	[sflag:s23] =	ssyncset.done $0x0  }
0x18: {  	[sflag:s23] =	ssyncadd.s32 s4;
	_ =	sdelay $0x1  }
0x19: {  	s24 =	simm.s32 $0x1B8B  }
0x1a: {  	_ =	swait.ge [sflag:s24], $0x1  }
0x1b: {  	[sflag:s24] =	ssyncset.done $0x0  }
0x1c: {  	s26 =	simm.s32 $0x1B8E;
	s25 =	sld [smem:$0x3FFE];
	[sflag:s24] =	ssyncadd.s32 $0xFFFFFFFF  }
0x1d: {  	s27 =	simm.s32 $execute0_lowered;
	[smem:$0x3FD2] =	sst s26  }
0x1e: {  	s5 =	sshll.u32 s27, $0x1;
	_ =	strace $0x80000046;
	[dreg:$0x1] =	wrdreg $0xFFFFFFFF  }
0x1f: {  	s28 =	simm.s32 $_size_execute0_lowered;
	s3 =	sadd.s32 s3, s5;
	[dreg:$0x0] =	wrdreg $0x0  }
0x20: {  	s5 =	sshll.u32 s28, $0x1;
	[dreg:$0x2] =	wrdreg s3  }
0x21: {  	[dreg:$0x3] =	wrdreg s5  }
0x22: {  	[dreg:$0x4] =	wrdreg $0xC0  }
0x23: {  	_ =	task [dreg:s7], $0x5FFFF  }
0x24: {  	[dreg:$0x1] =	wrdreg $0xFFFFFFFF  }
0x25: {  	[dreg:$0x0] =	wrdreg $0x60  }
0x26: {  	[dreg:$0x2] =	wrdreg s2  }
0x27: {  	[dreg:$0x3] =	wrdreg s25  }
0x28: {  	[dreg:$0x4] =	wrdreg $0x9  }
0x29: {  	_ =	task.clear_ibuf [dreg:s7], $0x5FFFF;
	_ =	strace $0x90000046  }
0x2a: {  	s29 =	simm.s32 $0x9;
	_ =	strace $0x80000048  }
0x2b: {  	_ =	swait.ge [sflag:s29], $0x1  }
0x2c: {  	[sflag:s29] =	ssyncadd.s32 $0xFFFFFFFF  }
0x2d: {  	_ =	strace $0x90000048  }
0x2e: {  	_ =	sfence  }
0x2f: {  	s30 =	sld [smem:$0x0];
	_ =	sdelay $0x2  }
0x30: {  	s31 =	sshll.u32 s1, $0xD;
	s1 =	sshrl.u32 s1, $0x2  }
0x31: {  	s3 =	sand.u32 $0x4000, s31;
	s1 =	sadd.s32 s1, s30  }
0x32: {  	s0 =	sor.u32 s3, s0;
	s1 =	sshll.u32 s1, $0x11  }
0x33: {  	s0 =	sor.u32 s1, s0  }
0x34: {  	s0 =	sadd.s32 $0x8F2B, s0  }
0x35: {  	[sflag:s0] =	ssyncadd.remote.s32 $0x1  }
0x36: {  	_ =	sfence.sel $0xFFFF  }
0x37: {  	[dreg:$0x0] =	wrdreg $0xFFFFFFFF;
	(pc) =	sbr.abs _section_cstart, $3  }
0x38: {  	[dreg:$0x1] =	wrdreg $0xFFFFFFFF  }
0x39: {  	_ =	task.clear_ibuf [dreg:s7], $0x2FFFF;
	_ =	strace $0x9FFFFFFF  }
0x3a: {  	(tm) =	ssettm $0x7FFFFFFF  }
0x3b: {  	_ =	shalt  }
tec
execute0_lowered:
.L_overlay_start_1:
0x0: {  	(tag) =	ssettag $0x1  }
0x1: {  	s0 =	stileid.u32;
	s7 =	rddreg [dreg:$0x0]  }
0x2: {  	s1 =	srdreg.scid;
	s4 =	rddreg [dreg:$0x1]  }
0x3: {  	s30 =	simm.s32 $0x2;
	s10 =	simm.s32 $0x0;
	s14 =	simm.s32 $0x0  }
0x4: {  	s15 =	simm.s32 $0x0;
	s11 =	simm.s32 $0x0;
	s13 =	simm.s32 $0x0  }
0x5: {  	s2 =	sand.u32 $0x1, s1;
	s3 =	sshll.u32 s0, $0x7;
	s1 =	rddreg [dreg:$0x2]  }
0x6: {  	_ =	strace $0x80000047;
	s5 =	ssub.s32 $0xC300, s3;
	s6 =	ssub.s32 $0x2, s2  }
.Ltmp0:
0x7: {  	s5 =	sshrl.u32 s5, $0xB;
	s8 =	sshrl.u32 s6, $0x1;
	(pc) =	sbr.rel .LBB1_1-.Ltmp0, $4  }
0x8: {  	s4 =	sadd.s32 $0x600, s4;
	s9 =	sadd.s32 $0x1, s5;
	s6 =	ssub.s32 s6, s8  }
0x9: {  	s31 =	sshll.u32 s2, $0x4;
	s5 =	simm.s32 $0x1;
	s6 =	smul.u32 s9, s6  }
0xa: {  	s12 =	smov.u32 s3;
	s7 =	sadd.s32 s7, s31;
	[sflag:s5] =	ssyncpa.u1 $0x0  }
0xb: {  	s9 =	simm.s32 $0x0;
	[sflag:s30] =	ssyncpa.u1 $0x0;
	s8 =	sadd.s32 $0x1, s6  }
.LBB1_4:
0xc: {  	s21 =	simm.s32 $0x0  }
.LBB1_8:
0xd: {  	_ =	sdelay $0x3  }
0xe: {  	v6 =	vld [tilespmem:s18+$0xFFFFFFC0];
	[tilespmem:v0+s20+$0x30 ss:$0x1] =	vst.idx.msk @p0 $0xffff, v2  }
0xf: {  	v58 =	vld [tilespmem:s18+$0xFFFFFFD0];
	[tilespmem:v0+s20+$0x40 ss:$0x1] =	vst.idx.msk @p0 $0xffff, v3;
	s21 =	sadd.s32 @p0 $0x80, s21  }
0x10: {  	v59 =	vld [tilespmem:s18+$0xFFFFFFE0];
	[tilespmem:v0+s20+$0x50 ss:$0x1] =	vst.idx.msk @p0 $0xffff, v5;
	s19 =	smov.u32 @p0 s21  }
0x11: {  	v60 =	vld [tilespmem:s18+$0xFFFFFFF0];
	[tilespmem:v0+s20+$0x60 ss:$0x1] =	vst.idx.msk @p0 $0xffff, v4;
	s19 =	sand.u32 $0x3F80, s19  }
0x12: {  	v61 =	vld [tilespmem:s18+$0x0];
	[tilespmem:v0+s19+$0x70 ss:$0x1] =	vst.idx.msk $0xffff, v1  }
0x13: {  	v62 =	vld [tilespmem:s18+$0x10];
	[tilespmem:v0+s19+$0x0 ss:$0x1] =	vst.idx.msk $0xffff, v6  }
0x14: {  	v63 =	vld [tilespmem:s18+$0x20];
	[tilespmem:v0+s19+$0x10 ss:$0x1] =	vst.idx.msk $0xffff, v58  }
0x15: {  	[tilespmem:v0+s19+$0x20 ss:$0x1] =	vst.idx.msk $0xffff, v59  }
0x16: {  	[tilespmem:v0+s19+$0x30 ss:$0x1] =	vst.idx.msk $0xffff, v60  }
0x17: {  	[tilespmem:v0+s19+$0x40 ss:$0x1] =	vst.idx.msk $0xffff, v61  }
0x18: {  	[tilespmem:v0+s19+$0x50 ss:$0x1] =	vst.idx.msk $0xffff, v62  }
0x19: {  	[tilespmem:v0+s19+$0x60 ss:$0x1] =	vst.idx.msk $0xffff, v63  }
.LBB1_9:
0x1a: {  	s18 =	sand.u32 $0x1FFFFFF, s11  }
0x1b: {  	s19 =	smulhi.u32 $0x14F8B59, s18;
	_ =	sdelay $0x1  }
0x1c: {  	s19 =	sshrl.u32 s19, $0x8  }
0x1d: {  	s19 =	smul.u32 $0xC350, s19  }
0x1e: {  	s15 =	smul.u32 $0xC3500, s15  }
0x1f: {  	s18 =	ssub.s32 s18, s19  }
0x20: {  	s15 =	sadd.s32 s4, s15;
	s18 =	sshll.u32 s18, $0x4  }
0x21: {  	s15 =	sadd.s32 s18, s15  }
0x22: {  	[hbm4b:s15+s9] =	stream.linear.scatter [tilespmem:s17], [sflag:$0x2], s16, $0x38;
	[tilespmem:$0x10000] =	vst v63  }
.LBB1_10:
0x23: {  	p0 =	slt.u32 s13, $0x2  }
0x24: {  	p1 =	sgt.s32 @!p0 s14, $0xC2D0  }
0x25: {  	s15 =	smov.u32 s14;
	s16 =	sshra.s32 @!p0 s14, $0x1F;
	p1 =	por !p1, p0  }
0x26: {  	s14 =	sand.u32 @!p0 s16, s14;
	s15 =	simm.s32 @p1 $0xC2D0  }
0x27: {  	s14 =	ssub.s32 @!p0 s15, s14  }
0x28: {  	s14 =	sadd.s32 @!p0 $0xFFFF3D30, s14  }
0x29: {  	s15 =	sshll.u32 @!p0 s14, $0x7  }
0x2a: {  	p1 =	sgt.s32 @!p0 s14, $0x7F;
	s14 =	ssub.s32 @!p0 $0x4000, s15  }
0x2b: {  	s16 =	sadd.s32 $0x800, s12;
	p1 =	por !p1, p0;
	s14 =	sand.u32 @!p0 $0x3FFFFF80, s14  }
0x2c: {  	s14 =	simm.s32 @!p1 $0x0;
	p1 =	sgt.s32 s16, $0xC34F  }
0x2d: {  	s16 =	smov.u32 @p1 s3;
	p1 =	sne.s32 s13, s8  }
.Ltmp1:
0x2e: {  	_ = 	snop;
	(pc) =	sbr.rel @!p1 .LBB1_11-.Ltmp1, $4  }
0x2f: {  	s10 =	sadd.s32 $0x4000, s10;
	s15 =	simm.s32 @!p0 $0x2  }
0x30: {  	_ =	swait.ge @!p0 [sflag:s15], s14;
	s17 =	ssub.s32 @!p0 $0x0, s14;
	s14 =	smov.u32 s11  }
0x31: {  	s13 =	sadd.s32 $0x1, s13;
	s11 =	smov.u32 s12;
	[sflag:s15] =	ssyncset.done @!p0 $0x0  }
0x32: {  	s12 =	smov.u32 s16;
	[sflag:s15] =	ssyncadd.s32 @!p0 s17;
	s15 =	smov.u32 s2  }
.LBB1_1:
0x33: {  	p0 =	sge.u32 s13, s6  }
0x34: {  	p1 =	sgt.s32 @!p0 s12, $0xC2D0  }
0x35: {  	s16 =	smov.u32 s12;
	s17 =	sshra.s32 @!p0 s12, $0x1F;
	p1 =	por !p1, p0  }
0x36: {  	s17 =	sand.u32 @!p0 s17, s12;
	s16 =	simm.s32 @p1 $0xC2D0  }
0x37: {  	s16 =	ssub.s32 @!p0 s16, s17  }
0x38: {  	s31 =	sadd.s32 $0xFFFFFFFF, s13;
	s18 =	sxor.u32 @!p0 $0xFFFFFFFF, s13;
	s16 =	sadd.s32 @!p0 $0xFFFF3D30, s16  }
0x39: {  	s19 =	simm.s32 @!p0 $0x80;
	s20 =	simm.s32 @!p0 $0x100;
	s17 =	sshll.u32 @!p0 s16, $0x7  }
0x3a: {  	p1 =	sgt.s32 @!p0 s16, $0x7F;
	s16 =	ssub.s32 @!p0 $0x4000, s17;
	s17 =	sshll.u32 @!p0 s18, $0xE  }
0x3b: {  	p1 =	por !p1, p0;
	s18 =	sshll.u32 @!p0 s12, $0x5;
	s16 =	sand.u32 @!p0 $0x3FFFFF80, s16  }
0x3c: {  	s17 =	sand.u32 @!p0 $0x4000, s17;
	s18 =	sadd.s32 @!p0 s18, s7;
	s16 =	simm.s32 @!p1 $0x0  }
0x3d: {  	[tilespmem:s17], [sflag:$0x1] =	stream.strided.gather @!p0 [hbm4b:s18+s19], s16, s20, s19, $0x38;
	[tilespmem:$0x10000] =	vst v63  }
0x3e: {  	p0 =	sge.u32 s31, s6  }
.Ltmp2:
0x3f: {  	_ = 	snop;
	(pc) =	sbr.rel @p0 .LBB1_10-.Ltmp2, $1  }
0x40: {  	_ =	sdelay $0x3  }
0x41: {  	p0 =	sgt.s32 s11, $0xC2D0;
	s16 =	smov.u32 s11;
	s17 =	sshra.s32 s11, $0x1F  }
0x42: {  	s16 =	simm.s32 @!p0 $0xC2D0;
	s17 =	sand.u32 s17, s11  }
0x43: {  	s16 =	ssub.s32 s16, s17  }
0x44: {  	s16 =	sadd.s32 $0xFFFF3D30, s16  }
0x45: {  	s30 =	sshll.u32 s16, $0x7  }
0x46: {  	s17 =	ssub.s32 $0x4000, s30  }
0x47: {  	p0 =	sgt.s32 s16, $0x7F;
	s16 =	sand.u32 $0x3FFFFF80, s17;
	s17 =	sadd.s32 $0x80, s11  }
0x48: {  	s16 =	simm.s32 @p0 $0x0;
	p0 =	slt.s32 s17, $0xC350  }
0x49: {  	s17 =	simm.s32 @!p0 $0xC350  }
0x4a: {  	s20 =	ssub.s32 s17, s11  }
0x4b: {  	p0 =	slt.s32 s20, $0x1  }
.Ltmp3:
0x4c: {  	_ = 	snop;
	(pc) =	sbr.rel @p0 .LBB1_9-.Ltmp3, $4  }
0x4d: {  	_ = 	snop  }
0x4e: {  	s19 =	sshll.u32 s13, $0xE;
	_ =	swait.ge [sflag:s5], s16  }
0x4f: {  	s31 =	sand.u32 $0x4000, s19;
	s18 =	ssub.s32 $0x0, s16;
	[sflag:s5] =	ssyncset.done $0x0  }
0x50: {  	s17 =	sor.u32 $0x8000, s31;
	[sflag:s5] =	ssyncadd.s32 s18  }
0x51: {  	p1 =	sne.s32 s20, $0x1  }
.Ltmp4:
0x52: {  	v0 =	vmov s17;
	(pc) =	sbr.rel @!p1 .LBB1_4-.Ltmp4, $4  }
0x53: {  	_ = 	snop  }
0x54: {  	s18 =	sand.u32 $0x4000, s10  }
0x55: {  	s18 =	sor.u32 $0x40, s18  }
0x56: {  	s19 =	simm.s32 $0x0;
	s21 =	sadd.s32 $0xFFFFFFFF, s20;
	p0 =	por $0x0, $0x0;
	v1 =	vld [tilespmem:s18+$0x30]  }
0x57: {  	v4 =	vld [tilespmem:s18+$0xFFFFFFC0]  }
0x58: {  	v6 =	vld [tilespmem:s18+$0xFFFFFFD0]  }
0x59: {  	v7 =	vld [tilespmem:s18+$0xFFFFFFE0];
	p1 =	sne.s32 s21, $0x1  }
.Ltmp5:
0x5a: {  	v2 =	vld [tilespmem:s18+$0xFFFFFFF0];
	s20 =	sand.u32 $0x3F80, s19;
	(pc) =	sbr.rel @!p1 .LBB1_6-.Ltmp5, $4  }
0x5b: {  	v3 =	vld [tilespmem:s18+$0x0];
	[tilespmem:v0+s20+$0x70 ss:$0x1] =	vst.idx.msk $0xffff, v1  }
0x5c: {  	v5 =	vld [tilespmem:s18+$0x10];
	[tilespmem:v0+s20+$0x0 ss:$0x1] =	vst.idx.msk $0xffff, v4  }
0x5d: {  	v4 =	vld [tilespmem:s18+$0x20];
	[tilespmem:v0+s20+$0x10 ss:$0x1] =	vst.idx.msk $0xffff, v6;
	s18 =	sadd.s32 $0x80, s18  }
0x5e: {  	s22 =	sadd.s32 $0xFFFFFFFF, s21;
	p0 =	por $0x1, $0x1;
	s21 =	simm.s32 $0x0;
	[tilespmem:v0+s20+$0x20 ss:$0x1] =	vst.idx.msk $0xffff, v7;
	v1 =	vld [tilespmem:s18+$0x30]  }
.LBB1_7:
0x5f: {  	p1 =	sne.s32 s22, $0x1;
	v6 =	vld [tilespmem:s18+$0xFFFFFFC0];
	[tilespmem:v0+s20+$0x30 ss:$0x1] =	vst.idx.msk $0xffff, v2  }
0x60: {  	v7 =	vld [tilespmem:s18+$0xFFFFFFD0];
	[tilespmem:v0+s20+$0x40 ss:$0x1] =	vst.idx.msk $0xffff, v3  }
0x61: {  	s21 =	sadd.s32 $0x80, s21;
	v8 =	vld [tilespmem:s18+$0xFFFFFFE0];
	[tilespmem:v0+s20+$0x50 ss:$0x1] =	vst.idx.msk $0xffff, v5  }
.Ltmp6:
0x62: {  	v2 =	vld [tilespmem:s18+$0xFFFFFFF0];
	[tilespmem:v0+s20+$0x60 ss:$0x1] =	vst.idx.msk $0xffff, v4;
	s20 =	sand.u32 $0x3F80, s21;
	(pc) =	sbr.rel @p1 .LBB1_7-.Ltmp6, $4  }
0x63: {  	v3 =	vld [tilespmem:s18+$0x0];
	[tilespmem:v0+s20+$0x70 ss:$0x1] =	vst.idx.msk $0xffff, v1  }
0x64: {  	[tilespmem:v0+s20+$0x0 ss:$0x1] =	vst.idx.msk $0xffff, v6;
	v5 =	vld [tilespmem:s18+$0x10]  }
0x65: {  	[tilespmem:v0+s20+$0x10 ss:$0x1] =	vst.idx.msk $0xffff, v7;
	v4 =	vld [tilespmem:s18+$0x20];
	s18 =	sadd.s32 $0x80, s18  }
0x66: {  	s22 =	sadd.s32 $0xFFFFFFFF, s22;
	v1 =	vld [tilespmem:s18+$0x30];
	[tilespmem:v0+s20+$0x20 ss:$0x1] =	vst.idx.msk $0xffff, v8  }
.Ltmp7:
0x67: {  	_ = 	snop;
	(pc) =	sbr.rel .LBB1_8-.Ltmp7, $1  }
0x68: {  	_ =	sdelay $0x3  }
.LBB1_6:
.Ltmp8:
0x69: {  	(pc) =	sbr.rel .LBB1_8-.Ltmp8, $2  }
0x6a: {  	_ =	sdelay $0x2  }
0x6b: {  	s21 =	simm.s32 $0x0  }
.LBB1_11:
0x6c: {  	_ =	sfence.sel $0x180000  }
0x6d: {  	s2 =	simm.s32 $0x1;
	[bflag:$0x0] =	sbarrier.arrive $0xFFFF  }
0x6e: {  	s31 =	simm.s32 $0x2;
	[sflag:s2] =	ssyncpa.u1 $0x1  }
0x6f: {  	[sflag:s31] =	ssyncpa.u1 $0x1  }
0x70: {  	p0 =	sne.s32 s0, $0x0;
	_ =	strace $0x90000047  }
0x71: {  	s0 =	sadd.s32 @!p0 $0x100000, s1;
	[bflag:$0x2] =	sbarrier.arrive $0xFFFF  }
0x72: {  	[sflag:s0] =	ssyncadd.tile.s32 @!p0 $0x1;
	_ =	shalt  }
.Lfunc_end1:
_tile_overlayer_lowered:
.L_overlay_start_2:
0x73: {  	(tag) =	ssettag $0x2  }
0x74: {  	s0 =	rddreg [dreg:$0x0];
	s2 =	stileid.u32  }
0x75: {  	s1 =	rddreg [dreg:$0x1];
	p0 =	sne.s32 s2, $0x0  }
0x76: {  	s3 =	rddreg [dreg:$0x2];
	[bflag:$0x3] =	sbarrier.arrive $0xFFFF;
	s2 =	simm.s32 @!p0 $0x1C01  }
0x77: {  	[timem:s3], [sflag:s2] =	dma.local @!p0 [hbm:s0], s1  }
0x78: {  	s0 =	simm.s32 @!p0 $0x1  }
0x79: {  	_ =	swait.ge @!p0 [sflag:s0], s1  }
0x7a: {  	s1 =	ssub.s32 @!p0 $0x0, s1;
	[sflag:s0] =	ssyncset.done @!p0 $0x0  }
0x7b: {  	[sflag:s0] =	ssyncadd.s32 @!p0 s1  }
0x7c: {  	[bflag:$0x3] =	sbarrier.arrive $0xFFFF  }
0x7d: {  	_ =	shalt  }

</sc_bundles>
